<compile_context>
chip_gen: v7x
topology: tpu7x:2x2x1
jax: 0.10.2.dev20260603
libtpu: 0.0.44.dev20260713+nightly
codegen_flags: <defaults>
</compile_context>

<pallas_src>
import functools

import jax
import jax.numpy as jnp
from jax import lax
from jax.experimental import pallas as pl
from jax.experimental.pallas import tpu as pltpu
from jax.experimental.pallas import tpu_sc as plsc

_GRP = 128
_NW = 32
_B = 4096
_A = 20
_S = 50
_CARD_N = _B * _S
_ACT_N = _B * _A * 8
_ABATCH = 4
_AROWS = _ABATCH * _GRP
_UPS = _B // 16
_AI = (_A * _UPS) // (_NW * _ABATCH)
_CBLK = _B // _GRP
_CPW = (_S * _CBLK) // _NW

_MESH = dict(core_axis_name="c", subcore_axis_name="s")
_PARAMS = pltpu.CompilerParams(
    use_tc_tiling_on_sc=False, needs_layout_passes=False)


def _sc_actions(table, aids_t):
    @functools.partial(
        pl.kernel,
        mesh=plsc.VectorSubcoreMesh(**_MESH),
        out_type=jax.ShapeDtypeStruct((_ACT_N, 64), jnp.float32),
        scratch_types=[
            pltpu.VMEM((3, _ABATCH, _GRP), jnp.int32),
            pltpu.VMEM((1, 8, _ABATCH * 16), jnp.int32),
            pltpu.VMEM((3, _AROWS, 64), jnp.float32),
            pltpu.SemaphoreType.DMA,
            pltpu.SemaphoreType.DMA,
        ],
        compiler_params=_PARAMS,
    )
    def k(table_h, aids_h, outa_h, aidx_v, araw_v, arows_v, asem, wsem):
        w = lax.axis_index("s") * 2 + lax.axis_index("c")
        lane = lax.broadcasted_iota(jnp.int32, (16,), 0)
        l_vec = lane % 8
        b_vec = lane // 8
        u_base = w * (_AI * _ABATCH)

        def _stage(i):
            u0 = u_base + i * _ABATCH
            a = u0 // _UPS
            b0 = (u0 - a * _UPS) * 16
            pltpu.sync_copy(
                aids_h.at[pl.ds(a, 1), :, pl.ds(b0, _ABATCH * 16)], araw_v)

            def tbody(g, c2):
                for c in range(8):
                    vals = plsc.load_gather(
                        araw_v,
                        [jnp.zeros((16,), jnp.int32), l_vec,
                         16 * g + 2 * c + b_vec])
                    aidx_v[i % 3, g, pl.ds(16 * c, 16)] = vals
                return c2
            lax.fori_loop(0, _ABATCH, tbody, 0)

        def _fire(i):
            for g in range(_ABATCH):
                pltpu.async_copy(
                    table_h.at[aidx_v.at[i % 3, g]],
                    arows_v.at[i % 3, pl.ds(g * _GRP, _GRP)], asem)

        def _wait_gathers(i):
            for g in range(_ABATCH):
                pltpu.make_async_copy(
                    table_h.at[aidx_v.at[i % 3, g]],
                    arows_v.at[i % 3, pl.ds(g * _GRP, _GRP)], asem).wait()

        def _out_slice(i):
            return outa_h.at[pl.ds((u_base + i * _ABATCH) * _GRP, _AROWS)]

        _stage(0)
        _fire(0)

        def abody(i, carry):
            @pl.when(i < _AI - 1)
            def _():
                _stage(i + 1)

            @pl.when(i >= 2)
            def _():
                pltpu.make_async_copy(arows_v.at[(i - 2) % 3],
                                      _out_slice(i - 2), wsem).wait()

            @pl.when(i < _AI - 1)
            def _():
                _fire(i + 1)

            _wait_gathers(i)
            pltpu.async_copy(arows_v.at[i % 3], _out_slice(i), wsem)
            return carry

        lax.fori_loop(0, _AI, abody, 0)
        for tail in (_AI - 2, _AI - 1):
            pltpu.make_async_copy(arows_v.at[tail % 3],
                                  _out_slice(tail), wsem).wait()

    return k(table, aids_t)


def _sc_cards(table, cids_t, nums_t):
    @functools.partial(
        pl.kernel,
        mesh=plsc.VectorSubcoreMesh(**_MESH),
        out_type=jax.ShapeDtypeStruct((_S, 80, _B), jnp.float32),
        scratch_types=[
            pltpu.VMEM((_CPW, _GRP), jnp.int32),
            pltpu.VMEM((2, _GRP, 64), jnp.float32),
            pltpu.VMEM((3, 1, 80, _GRP), jnp.float32),
            pltpu.SemaphoreType.DMA,
            pltpu.SemaphoreType.DMA,
            pltpu.SemaphoreType.DMA,
        ],
        compiler_params=_PARAMS,
    )
    def k(table_h, cids_h, nums_h, outc_h, cidx_v, crows_v, cblk_v,
          gsem, nsem, wsem):
        w = lax.axis_index("s") * 2 + lax.axis_index("c")
        lane = lax.broadcasted_iota(jnp.int32, (16,), 0)
        blk0 = w * _CPW

        def _addr(kk):
            blk = blk0 + kk
            s = blk // _CBLK
            bb = (blk - s * _CBLK) * _GRP
            return s, bb

        def sbody(kk, carry):
            s, bb = _addr(kk)
            pltpu.sync_copy(cids_h.at[pl.ds(s, 1), pl.ds(bb, _GRP)],
                            cidx_v.at[pl.ds(kk, 1)])
            return carry

        lax.fori_loop(0, _CPW, sbody, 0)

        def _fire(kk):
            s, bb = _addr(kk)
            pltpu.async_copy(table_h.at[cidx_v.at[kk]],
                             crows_v.at[kk % 2], gsem)
            pltpu.async_copy(
                nums_h.at[pl.ds(s, 1), :, pl.ds(bb, _GRP)],
                cblk_v.at[kk % 3, :, pl.ds(64, 16)], nsem)

        def _wait_write(kk):
            s, bb = _addr(kk)
            pltpu.make_async_copy(
                cblk_v.at[kk % 3],
                outc_h.at[pl.ds(s, 1), :, pl.ds(bb, _GRP)], wsem).wait()

        _fire(0)

        def cbody(kk, carry):
            s, bb = _addr(kk)
            bank = kk % 3

            @pl.when(kk >= 2)
            def _():
                _wait_write(kk - 2)

            @pl.when(kk < _CPW - 1)
            def _():
                _fire(kk + 1)

            pltpu.make_async_copy(table_h.at[cidx_v.at[kk]],
                                  crows_v.at[kk % 2], gsem).wait()
            pltpu.make_async_copy(
                nums_h.at[pl.ds(s, 1), :, pl.ds(bb, _GRP)],
                cblk_v.at[bank, :, pl.ds(64, 16)], nsem).wait()

            src2 = crows_v.at[kk % 2]
            dst2 = cblk_v.at[bank, 0]

            def tile_body(ti, c2):
                j0 = (ti // 4) * 16
                d0 = (ti - (ti // 4) * 4) * 16
                jv = j0 + lane
                for t in range(16):
                    dv = d0 + ((lane + t) & 15)
                    vals = plsc.load_gather(src2, [jv, dv])
                    plsc.store_scatter(dst2, [dv, jv], vals)
                return c2
            lax.fori_loop(0, 32, tile_body, 0)

            pltpu.async_copy(cblk_v.at[bank],
                             outc_h.at[pl.ds(s, 1), :, pl.ds(bb, _GRP)], wsem)
            return carry

        lax.fori_loop(0, _CPW, cbody, 0)

        _wait_write(_CPW - 2)
        _wait_write(_CPW - 1)

    return k(table, cids_t, nums_t)


def kernel(reals, card_nums, embed_table, cardIDs, actionIDs):
    cids_t = cardIDs.astype(jnp.int32).transpose(1, 0)
    aids_t = actionIDs.astype(jnp.int32).transpose(1, 2, 0)
    nums_t = card_nums.transpose(1, 2, 0)
    out_a = _sc_actions(embed_table, aids_t)
    out_c = _sc_cards(embed_table, cids_t, nums_t)
    card = out_c.transpose(2, 0, 1)
    act = out_a.reshape(_A, _B, 512).transpose(1, 0, 2)
    return (reals, card, act)

# --- scband reference (transcript-rebuilt; emitter-appended) ---
"""Pipeline reference for scband-preparer-6167573037702 (READ-ONLY COPY).

The authoritative reference and input builder live on the scoring server;
editing this copy changes nothing except your own understanding.
"""

import jax, jax.numpy as jnp
import numpy as np

MAX_REPRESENT = 100000
EMBED_DIM = 64


def setup_inputs(seed: int = 0) -> dict:
    key = jax.random.key(seed)
    k1, k2, k3, k4, k5 = jax.random.split(key, 5)
    reals = jax.random.normal(k1, (4096, 64), dtype=jnp.float32)
    cardIDs = jax.random.randint(k2, (4096, 50), 0, MAX_REPRESENT, dtype=jnp.int64)
    card_nums = jax.random.normal(k3, (4096, 50, 16), dtype=jnp.float32)
    actionIDs = jax.random.randint(k4, (4096, 20, 8), 0, MAX_REPRESENT, dtype=jnp.int64)
    embed_table = jax.random.normal(k5, (MAX_REPRESENT, EMBED_DIM), dtype=jnp.float32)
    return {"reals": reals, "card_nums": card_nums, "embed_table": embed_table, "cardIDs": cardIDs, "actionIDs": actionIDs}


def reference(reals, card_nums, embed_table, cardIDs, actionIDs):
    # card embedding lookup: [B, n_cards, embed_dim]
    card_embed = jnp.take(embed_table, cardIDs, axis=0)
    # concat embeddings with numeric card features along last dim
    card_all = jnp.concatenate([card_embed, card_nums], axis=2)
    # action embedding lookup: [B, n_actions, action_len, embed_dim]
    action_embed = jnp.take(embed_table, actionIDs, axis=0)
    B, A, L, D = action_embed.shape
    action_embed = action_embed.reshape(B, A, L * D)
    return (reals, card_all, action_embed)

if __name__ == "__main__":
    import jax
    _d = setup_inputs()
    print(jax.jit(kernel)(*tuple(_d.values())))

</pallas_src>

<mosaic_0001>
#map = affine_map<(d0, d1) -> (0, 0)>
#map1 = affine_map<(d0, d1) -> (0, 0, 0)>
module attributes {stable_mosaic.version = 14 : i64} {
  func.func @k(%arg0: i32, %arg1: i32, %arg2: memref<100000x64xf32, #tpu.memory_space<hbm>>, %arg3: memref<20x8x4096xi32, #tpu.memory_space<hbm>>, %arg4: memref<655360x64xf32, #tpu.memory_space<hbm>>, %arg5: memref<3x4x128xi32, #tpu.memory_space<vmem>>, %arg6: memref<1x8x64xi32, #tpu.memory_space<vmem>>, %arg7: memref<3x512x64xf32, #tpu.memory_space<vmem>>, %arg8: memref<!tpu.dma_semaphore, #tpu.memory_space<semaphore_mem>>, %arg9: memref<!tpu.dma_semaphore, #tpu.memory_space<semaphore_mem>>) attributes {dimension_semantics = [#tpu.dimension_semantics<core_parallel>, #tpu.dimension_semantics<subcore_parallel>], iteration_bounds = array<i64: 2, 16>, scalar_prefetch = 0 : i64, scratch_operands = 5 : i64, tpu.core_type = #tpu.core_type<sc_vector_subcore>, window_params = [{transform_indices = #map}, {transform_indices = #map1}, {transform_indices = #map}]} {
    %mul3A = arith.constant 2 : i32
    %mul3A_0 = arith.muli %arg1, %mul3A : i32
    %add3A = arith.addi %mul3A_0, %arg0 : i32
    %iota3A = tpu.iota {dimensions = array<i32: 0>} : vector<16xi32>
    %jit3A = arith.constant 8 : i32
    %eq3A = arith.constant 0 : i32
    %eq3A_1 = arith.cmpi eq, %jit3A, %eq3A : i32
    %jit3A_2 = arith.constant 1 : i32
    %select_n3A = arith.select %eq3A_1, %jit3A_2, %jit3A : i32
    %rem3A = vector.broadcast %select_n3A : i32 to vector<16xi32>
    %rem3A_3 = arith.remsi %iota3A, %rem3A : vector<16xi32>
    %ne3A = arith.constant 0 : i32
    %ne3A_4 = vector.broadcast %ne3A : i32 to vector<16xi32>
    %ne3A_5 = arith.cmpi ne, %rem3A_3, %ne3A_4 : vector<16xi32>
    %lt3A = arith.constant 0 : i32
    %lt3A_6 = vector.broadcast %lt3A : i32 to vector<16xi32>
    %lt3A_7 = arith.cmpi slt, %rem3A_3, %lt3A_6 : vector<16xi32>
    %lt3A_8 = arith.constant 0 : i32
    %lt3A_9 = arith.cmpi slt, %select_n3A, %lt3A_8 : i32
    %ne3A_10 = vector.broadcast %lt3A_9 : i1 to vector<16xi1>
    %ne3A_11 = vector.broadcast %ne3A_10 : vector<16xi1> to vector<16xi1>
    %ne3A_12 = arith.xori %lt3A_7, %ne3A_11 : vector<16xi1>
    %and3A = arith.andi %ne3A_12, %ne3A_5 : vector<16xi1>
    %add3A_13 = vector.broadcast %select_n3A : i32 to vector<16xi32>
    %add3A_14 = arith.addi %rem3A_3, %add3A_13 : vector<16xi32>
    %select_n3A_15 = arith.select %and3A, %add3A_14, %rem3A_3 : vector<16xi1>, vector<16xi32>
    %jit3A_16 = arith.constant 8 : i32
    %div3A = vector.broadcast %jit3A_16 : i32 to vector<16xi32>
    %div3A_17 = arith.divsi %iota3A, %div3A : vector<16xi32>
    %sign3A = arith.constant 0 : i32
    %sign3A_18 = vector.broadcast %sign3A : i32 to vector<16xi32>
    %sign3A_19 = arith.cmpi sgt, %iota3A, %sign3A_18 : vector<16xi32>
    %sign3A_20 = arith.extui %sign3A_19 : vector<16xi1> to vector<16xi32>
    %sign3A_21 = arith.constant 0 : i32
    %sign3A_22 = vector.broadcast %sign3A_21 : i32 to vector<16xi32>
    %sign3A_23 = arith.cmpi slt, %iota3A, %sign3A_22 : vector<16xi32>
    %sign3A_24 = arith.extui %sign3A_23 : vector<16xi1> to vector<16xi32>
    %sign3A_25 = arith.subi %sign3A_20, %sign3A_24 : vector<16xi32>
    %sign3A_26 = arith.constant 0 : i32
    %sign3A_27 = arith.cmpi sgt, %jit3A_16, %sign3A_26 : i32
    %sign3A_28 = arith.extui %sign3A_27 : i1 to i32
    %sign3A_29 = arith.constant 0 : i32
    %sign3A_30 = arith.cmpi slt, %jit3A_16, %sign3A_29 : i32
    %sign3A_31 = arith.extui %sign3A_30 : i1 to i32
    %sign3A_32 = arith.subi %sign3A_28, %sign3A_31 : i32
    %ne3A_33 = vector.broadcast %sign3A_32 : i32 to vector<16xi32>
    %ne3A_34 = arith.cmpi ne, %sign3A_25, %ne3A_33 : vector<16xi32>
    %rem3A_35 = vector.broadcast %jit3A_16 : i32 to vector<16xi32>
    %rem3A_36 = arith.remsi %iota3A, %rem3A_35 : vector<16xi32>
    %ne3A_37 = arith.constant 0 : i32
    %ne3A_38 = vector.broadcast %ne3A_37 : i32 to vector<16xi32>
    %ne3A_39 = arith.cmpi ne, %rem3A_36, %ne3A_38 : vector<16xi32>
    %and3A_40 = arith.andi %ne3A_34, %ne3A_39 : vector<16xi1>
    %sub3A = arith.constant 1 : i32
    %sub3A_41 = vector.broadcast %sub3A : i32 to vector<16xi32>
    %sub3A_42 = arith.subi %div3A_17, %sub3A_41 : vector<16xi32>
    %select_n3A_43 = arith.select %and3A_40, %sub3A_42, %div3A_17 : vector<16xi1>, vector<16xi32>
    %mul3A_44 = arith.constant 160 : i32
    %mul3A_45 = arith.muli %add3A, %mul3A_44 : i32
    %add3A_46 = arith.constant 0 : i32
    %add3A_47 = arith.addi %mul3A_45, %add3A_46 : i32
    %jit3A_48 = arith.constant 256 : i32
    %div3A_49 = arith.divsi %add3A_47, %jit3A_48 : i32
    %sign3A_50 = arith.constant 0 : i32
    %sign3A_51 = arith.cmpi sgt, %add3A_47, %sign3A_50 : i32
    %sign3A_52 = arith.extui %sign3A_51 : i1 to i32
    %sign3A_53 = arith.constant 0 : i32
    %sign3A_54 = arith.cmpi slt, %add3A_47, %sign3A_53 : i32
    %sign3A_55 = arith.extui %sign3A_54 : i1 to i32
    %sign3A_56 = arith.subi %sign3A_52, %sign3A_55 : i32
    %sign3A_57 = arith.constant 0 : i32
    %sign3A_58 = arith.cmpi sgt, %jit3A_48, %sign3A_57 : i32
    %sign3A_59 = arith.extui %sign3A_58 : i1 to i32
    %sign3A_60 = arith.constant 0 : i32
    %sign3A_61 = arith.cmpi slt, %jit3A_48, %sign3A_60 : i32
    %sign3A_62 = arith.extui %sign3A_61 : i1 to i32
    %sign3A_63 = arith.subi %sign3A_59, %sign3A_62 : i32
    %ne3A_64 = arith.cmpi ne, %sign3A_56, %sign3A_63 : i32
    %rem3A_65 = arith.remsi %add3A_47, %jit3A_48 : i32
    %ne3A_66 = arith.constant 0 : i32
    %ne3A_67 = arith.cmpi ne, %rem3A_65, %ne3A_66 : i32
    %and3A_68 = arith.andi %ne3A_64, %ne3A_67 : i1
    %sub3A_69 = arith.constant 1 : i32
    %sub3A_70 = arith.subi %div3A_49, %sub3A_69 : i32
    %select_n3A_71 = arith.select %and3A_68, %sub3A_70, %div3A_49 : i32
    %mul3A_72 = arith.constant 256 : i32
    %mul3A_73 = arith.muli %select_n3A_71, %mul3A_72 : i32
    %sub3A_74 = arith.subi %add3A_47, %mul3A_73 : i32
    %mul3A_75 = arith.constant 16 : i32
    %mul3A_76 = arith.muli %sub3A_74, %mul3A_75 : i32
    "tpu.region"() ({
      %run_scoped3A = tpu.sem_alloc : memref<!tpu.dma_semaphore, #tpu.memory_space<semaphore_mem>>
      %dma_start3A_172 = arith.constant 0 : i32
      %dma_start3A_173 = tpu.memref_slice %arg3[%select_n3A_71, %dma_start3A_172, %mul3A_76] : memref<20x8x4096xi32, #tpu.memory_space<hbm>> -> memref<1x8x64xi32, #tpu.memory_space<hbm>>
      %dma_start3A_174 = arith.constant 0 : i32
      %dma_start3A_175 = tpu.memref_slice %arg3[%select_n3A_71, %dma_start3A_174, %mul3A_76] : memref<20x8x4096xi32, #tpu.memory_space<hbm>> -> memref<1x8x64xi32, #tpu.memory_space<hbm>>
      tpu.enqueue_dma source(%dma_start3A_175 : memref<1x8x64xi32, #tpu.memory_space<hbm>>) target(%arg6 : memref<1x8x64xi32, #tpu.memory_space<vmem>>) target_semaphore(%run_scoped3A : memref<!tpu.dma_semaphore, #tpu.memory_space<semaphore_mem>>)
      %dma_wait3A_176 = arith.constant 0 : i32
      %dma_wait3A_177 = tpu.memref_slice %arg3[%select_n3A_71, %dma_wait3A_176, %mul3A_76] : memref<20x8x4096xi32, #tpu.memory_space<hbm>> -> memref<1x8x64xi32, #tpu.memory_space<hbm>>
      %dma_wait3A_178 = arith.constant 0 : i32
      %dma_wait3A_179 = tpu.memref_slice %arg3[%select_n3A_71, %dma_wait3A_178, %mul3A_76] : memref<20x8x4096xi32, #tpu.memory_space<hbm>> -> memref<1x8x64xi32, #tpu.memory_space<hbm>>
      tpu.wait_dma2 semaphore(%run_scoped3A : memref<!tpu.dma_semaphore, #tpu.memory_space<semaphore_mem>>) src(%dma_wait3A_179 : memref<1x8x64xi32, #tpu.memory_space<hbm>>) dst(%arg6 : memref<1x8x64xi32, #tpu.memory_space<vmem>>)
      tpu.yield
    }) : () -> ()
    %scan3A = arith.constant 0 : i32
    %scan3A_77 = arith.constant 0 : i32
    %scan3A_78 = arith.constant 4 : i32
    %scan3A_79 = arith.addi %scan3A_77, %scan3A_78 : i32
    %scan3A_80 = arith.constant 1 : i32
    scf.for %scan3A_172 = %scan3A_77 to %scan3A_79 step %scan3A_80  : i32 {
      %broadcast_in_dim3A = arith.constant 0 : i32
      %broadcast_in_dim3A_173 = vector.broadcast %broadcast_in_dim3A : i32 to vector<16xi32>
      %mul3A_174 = arith.constant 16 : i32
      %mul3A_175 = arith.muli %mul3A_174, %scan3A_172 : i32
      %add3A_176 = arith.constant 0 : i32
      %add3A_177 = arith.addi %mul3A_175, %add3A_176 : i32
      %add3A_178 = vector.broadcast %add3A_177 : i32 to vector<16xi32>
      %add3A_179 = arith.addi %add3A_178, %select_n3A_43 : vector<16xi32>
      %gather3A = tpu.vector_load_idx %arg6[%broadcast_in_dim3A_173, %select_n3A_15, %add3A_179] : memref<1x8x64xi32, #tpu.memory_space<vmem>>[vector<16xi32>, vector<16xi32>, vector<16xi32>], vector<16xi32>,
      %swap3A = arith.constant 0 : i32
      %swap3A_180 = arith.index_cast %swap3A : i32 to index
      %swap3A_181 = arith.index_cast %scan3A_172 : i32 to index
      %swap3A_182 = arith.constant 0 : index
      %swap3A_183 = tpu.vector_load %arg5[%swap3A_180, %swap3A_181, %swap3A_182] {strides = array<i32>} : memref<3x4x128xi32, #tpu.memory_space<vmem>>, vector<16xi32>,
      tpu.vector_store %arg5[%swap3A_180, %swap3A_181, %swap3A_182], %gather3A {strides = array<i32>} : memref<3x4x128xi32, #tpu.memory_space<vmem>>, vector<16xi32>,
      %broadcast_in_dim3A_184 = arith.constant 0 : i32
      %broadcast_in_dim3A_185 = vector.broadcast %broadcast_in_dim3A_184 : i32 to vector<16xi32>
      %mul3A_186 = arith.constant 16 : i32
      %mul3A_187 = arith.muli %mul3A_186, %scan3A_172 : i32
      %add3A_188 = arith.constant 2 : i32
      %add3A_189 = arith.addi %mul3A_187, %add3A_188 : i32
      %add3A_190 = vector.broadcast %add3A_189 : i32 to vector<16xi32>
      %add3A_191 = arith.addi %add3A_190, %select_n3A_43 : vector<16xi32>
      %gather3A_192 = tpu.vector_load_idx %arg6[%broadcast_in_dim3A_185, %select_n3A_15, %add3A_191] : memref<1x8x64xi32, #tpu.memory_space<vmem>>[vector<16xi32>, vector<16xi32>, vector<16xi32>], vector<16xi32>,
      %swap3A_193 = arith.constant 0 : i32
      %swap3A_194 = arith.index_cast %swap3A_193 : i32 to index
      %swap3A_195 = arith.index_cast %scan3A_172 : i32 to index
      %swap3A_196 = arith.constant 16 : index
      %swap3A_197 = tpu.vector_load %arg5[%swap3A_194, %swap3A_195, %swap3A_196] {strides = array<i32>} : memref<3x4x128xi32, #tpu.memory_space<vmem>>, vector<16xi32>,
      tpu.vector_store %arg5[%swap3A_194, %swap3A_195, %swap3A_196], %gather3A_192 {strides = array<i32>} : memref<3x4x128xi32, #tpu.memory_space<vmem>>, vector<16xi32>,
      %broadcast_in_dim3A_198 = arith.constant 0 : i32
      %broadcast_in_dim3A_199 = vector.broadcast %broadcast_in_dim3A_198 : i32 to vector<16xi32>
      %mul3A_200 = arith.constant 16 : i32
      %mul3A_201 = arith.muli %mul3A_200, %scan3A_172 : i32
      %add3A_202 = arith.constant 4 : i32
      %add3A_203 = arith.addi %mul3A_201, %add3A_202 : i32
      %add3A_204 = vector.broadcast %add3A_203 : i32 to vector<16xi32>
      %add3A_205 = arith.addi %add3A_204, %select_n3A_43 : vector<16xi32>
      %gather3A_206 = tpu.vector_load_idx %arg6[%broadcast_in_dim3A_199, %select_n3A_15, %add3A_205] : memref<1x8x64xi32, #tpu.memory_space<vmem>>[vector<16xi32>, vector<16xi32>, vector<16xi32>], vector<16xi32>,
      %swap3A_207 = arith.constant 0 : i32
      %swap3A_208 = arith.index_cast %swap3A_207 : i32 to index
      %swap3A_209 = arith.index_cast %scan3A_172 : i32 to index
      %swap3A_210 = arith.constant 32 : index
      %swap3A_211 = tpu.vector_load %arg5[%swap3A_208, %swap3A_209, %swap3A_210] {strides = array<i32>} : memref<3x4x128xi32, #tpu.memory_space<vmem>>, vector<16xi32>,
      tpu.vector_store %arg5[%swap3A_208, %swap3A_209, %swap3A_210], %gather3A_206 {strides = array<i32>} : memref<3x4x128xi32, #tpu.memory_space<vmem>>, vector<16xi32>,
      %broadcast_in_dim3A_212 = arith.constant 0 : i32
      %broadcast_in_dim3A_213 = vector.broadcast %broadcast_in_dim3A_212 : i32 to vector<16xi32>
      %mul3A_214 = arith.constant 16 : i32
      %mul3A_215 = arith.muli %mul3A_214, %scan3A_172 : i32
      %add3A_216 = arith.constant 6 : i32
      %add3A_217 = arith.addi %mul3A_215, %add3A_216 : i32
      %add3A_218 = vector.broadcast %add3A_217 : i32 to vector<16xi32>
      %add3A_219 = arith.addi %add3A_218, %select_n3A_43 : vector<16xi32>
      %gather3A_220 = tpu.vector_load_idx %arg6[%broadcast_in_dim3A_213, %select_n3A_15, %add3A_219] : memref<1x8x64xi32, #tpu.memory_space<vmem>>[vector<16xi32>, vector<16xi32>, vector<16xi32>], vector<16xi32>,
      %swap3A_221 = arith.constant 0 : i32
      %swap3A_222 = arith.index_cast %swap3A_221 : i32 to index
      %swap3A_223 = arith.index_cast %scan3A_172 : i32 to index
      %swap3A_224 = arith.constant 48 : index
      %swap3A_225 = tpu.vector_load %arg5[%swap3A_222, %swap3A_223, %swap3A_224] {strides = array<i32>} : memref<3x4x128xi32, #tpu.memory_space<vmem>>, vector<16xi32>,
      tpu.vector_store %arg5[%swap3A_222, %swap3A_223, %swap3A_224], %gather3A_220 {strides = array<i32>} : memref<3x4x128xi32, #tpu.memory_space<vmem>>, vector<16xi32>,
      %broadcast_in_dim3A_226 = arith.constant 0 : i32
      %broadcast_in_dim3A_227 = vector.broadcast %broadcast_in_dim3A_226 : i32 to vector<16xi32>
      %mul3A_228 = arith.constant 16 : i32
      %mul3A_229 = arith.muli %mul3A_228, %scan3A_172 : i32
      %add3A_230 = arith.constant 8 : i32
      %add3A_231 = arith.addi %mul3A_229, %add3A_230 : i32
      %add3A_232 = vector.broadcast %add3A_231 : i32 to vector<16xi32>
      %add3A_233 = arith.addi %add3A_232, %select_n3A_43 : vector<16xi32>
      %gather3A_234 = tpu.vector_load_idx %arg6[%broadcast_in_dim3A_227, %select_n3A_15, %add3A_233] : memref<1x8x64xi32, #tpu.memory_space<vmem>>[vector<16xi32>, vector<16xi32>, vector<16xi32>], vector<16xi32>,
      %swap3A_235 = arith.constant 0 : i32
      %swap3A_236 = arith.index_cast %swap3A_235 : i32 to index
      %swap3A_237 = arith.index_cast %scan3A_172 : i32 to index
      %swap3A_238 = arith.constant 64 : index
      %swap3A_239 = tpu.vector_load %arg5[%swap3A_236, %swap3A_237, %swap3A_238] {strides = array<i32>} : memref<3x4x128xi32, #tpu.memory_space<vmem>>, vector<16xi32>,
      tpu.vector_store %arg5[%swap3A_236, %swap3A_237, %swap3A_238], %gather3A_234 {strides = array<i32>} : memref<3x4x128xi32, #tpu.memory_space<vmem>>, vector<16xi32>,
      %broadcast_in_dim3A_240 = arith.constant 0 : i32
      %broadcast_in_dim3A_241 = vector.broadcast %broadcast_in_dim3A_240 : i32 to vector<16xi32>
      %mul3A_242 = arith.constant 16 : i32
      %mul3A_243 = arith.muli %mul3A_242, %scan3A_172 : i32
      %add3A_244 = arith.constant 10 : i32
      %add3A_245 = arith.addi %mul3A_243, %add3A_244 : i32
      %add3A_246 = vector.broadcast %add3A_245 : i32 to vector<16xi32>
      %add3A_247 = arith.addi %add3A_246, %select_n3A_43 : vector<16xi32>
      %gather3A_248 = tpu.vector_load_idx %arg6[%broadcast_in_dim3A_241, %select_n3A_15, %add3A_247] : memref<1x8x64xi32, #tpu.memory_space<vmem>>[vector<16xi32>, vector<16xi32>, vector<16xi32>], vector<16xi32>,
      %swap3A_249 = arith.constant 0 : i32
      %swap3A_250 = arith.index_cast %swap3A_249 : i32 to index
      %swap3A_251 = arith.index_cast %scan3A_172 : i32 to index
      %swap3A_252 = arith.constant 80 : index
      %swap3A_253 = tpu.vector_load %arg5[%swap3A_250, %swap3A_251, %swap3A_252] {strides = array<i32>} : memref<3x4x128xi32, #tpu.memory_space<vmem>>, vector<16xi32>,
      tpu.vector_store %arg5[%swap3A_250, %swap3A_251, %swap3A_252], %gather3A_248 {strides = array<i32>} : memref<3x4x128xi32, #tpu.memory_space<vmem>>, vector<16xi32>,
      %broadcast_in_dim3A_254 = arith.constant 0 : i32
      %broadcast_in_dim3A_255 = vector.broadcast %broadcast_in_dim3A_254 : i32 to vector<16xi32>
      %mul3A_256 = arith.constant 16 : i32
      %mul3A_257 = arith.muli %mul3A_256, %scan3A_172 : i32
      %add3A_258 = arith.constant 12 : i32
      %add3A_259 = arith.addi %mul3A_257, %add3A_258 : i32
      %add3A_260 = vector.broadcast %add3A_259 : i32 to vector<16xi32>
      %add3A_261 = arith.addi %add3A_260, %select_n3A_43 : vector<16xi32>
      %gather3A_262 = tpu.vector_load_idx %arg6[%broadcast_in_dim3A_255, %select_n3A_15, %add3A_261] : memref<1x8x64xi32, #tpu.memory_space<vmem>>[vector<16xi32>, vector<16xi32>, vector<16xi32>], vector<16xi32>,
      %swap3A_263 = arith.constant 0 : i32
      %swap3A_264 = arith.index_cast %swap3A_263 : i32 to index
      %swap3A_265 = arith.index_cast %scan3A_172 : i32 to index
      %swap3A_266 = arith.constant 96 : index
      %swap3A_267 = tpu.vector_load %arg5[%swap3A_264, %swap3A_265, %swap3A_266] {strides = array<i32>} : memref<3x4x128xi32, #tpu.memory_space<vmem>>, vector<16xi32>,
      tpu.vector_store %arg5[%swap3A_264, %swap3A_265, %swap3A_266], %gather3A_262 {strides = array<i32>} : memref<3x4x128xi32, #tpu.memory_space<vmem>>, vector<16xi32>,
      %broadcast_in_dim3A_268 = arith.constant 0 : i32
      %broadcast_in_dim3A_269 = vector.broadcast %broadcast_in_dim3A_268 : i32 to vector<16xi32>
      %mul3A_270 = arith.constant 16 : i32
      %mul3A_271 = arith.muli %mul3A_270, %scan3A_172 : i32
      %add3A_272 = arith.constant 14 : i32
      %add3A_273 = arith.addi %mul3A_271, %add3A_272 : i32
      %add3A_274 = vector.broadcast %add3A_273 : i32 to vector<16xi32>
      %add3A_275 = arith.addi %add3A_274, %select_n3A_43 : vector<16xi32>
      %gather3A_276 = tpu.vector_load_idx %arg6[%broadcast_in_dim3A_269, %select_n3A_15, %add3A_275] : memref<1x8x64xi32, #tpu.memory_space<vmem>>[vector<16xi32>, vector<16xi32>, vector<16xi32>], vector<16xi32>,
      %swap3A_277 = arith.constant 0 : i32
      %swap3A_278 = arith.index_cast %swap3A_277 : i32 to index
      %swap3A_279 = arith.index_cast %scan3A_172 : i32 to index
      %swap3A_280 = arith.constant 112 : index
      %swap3A_281 = tpu.vector_load %arg5[%swap3A_278, %swap3A_279, %swap3A_280] {strides = array<i32>} : memref<3x4x128xi32, #tpu.memory_space<vmem>>, vector<16xi32>,
      tpu.vector_store %arg5[%swap3A_278, %swap3A_279, %swap3A_280], %gather3A_276 {strides = array<i32>} : memref<3x4x128xi32, #tpu.memory_space<vmem>>, vector<16xi32>,
    }
    %scan3A_81 = arith.constant 4 : i32
    %dma_start3A = arith.constant 0 : i32
    %dma_start3A_82 = arith.constant 0 : i32
    %dma_start3A_83 = arith.constant 0 : i32
    %dma_start3A_84 = arith.constant 0 : i32
    %dma_start3A_85 = arith.constant 0 : i32
    %dma_start3A_86 = tpu.memref_slice %arg7[%dma_start3A_83, %dma_start3A_84, %dma_start3A_85] : memref<3x512x64xf32, #tpu.memory_space<vmem>> -> memref<1x128x64xf32, #tpu.memory_space<vmem>>
    %dma_start3A_87 = tpu.memref_squeeze %dma_start3A_86 : memref<1x128x64xf32, #tpu.memory_space<vmem>> -> memref<128x64xf32, #tpu.memory_space<vmem>>
    %dma_start3A_88 = arith.constant 0 : i32
    %dma_start3A_89 = tpu.memref_slice %arg5[%dma_start3A, %dma_start3A_82, %dma_start3A_88] : memref<3x4x128xi32, #tpu.memory_space<vmem>> -> memref<1x1x128xi32, #tpu.memory_space<vmem>>
    %dma_start3A_90 = tpu.memref_squeeze %dma_start3A_89 : memref<1x1x128xi32, #tpu.memory_space<vmem>> -> memref<128xi32, #tpu.memory_space<vmem>>
    %dma_start3A_91 = arith.constant 0 : i32
    %dma_start3A_92 = arith.constant 0 : i32
    %dma_start3A_93 = tpu.memref_slice %arg2[%dma_start3A_91, %dma_start3A_92] : memref<100000x64xf32, #tpu.memory_space<hbm>> -> memref<100000x64xf32, #tpu.memory_space<hbm>>
    tpu.enqueue_indirect_dma source(%dma_start3A_93 : memref<100000x64xf32, #tpu.memory_space<hbm>>) target(%dma_start3A_87 : memref<128x64xf32, #tpu.memory_space<vmem>>) offsets(%dma_start3A_90 : memref<128xi32, #tpu.memory_space<vmem>>) semaphore(%arg8 : memref<!tpu.dma_semaphore, #tpu.memory_space<semaphore_mem>>)
    %dma_start3A_94 = arith.constant 0 : i32
    %dma_start3A_95 = arith.constant 1 : i32
    %dma_start3A_96 = arith.constant 0 : i32
    %dma_start3A_97 = arith.constant 128 : i32
    %dma_start3A_98 = arith.constant 0 : i32
    %dma_start3A_99 = tpu.memref_slice %arg7[%dma_start3A_96, %dma_start3A_97, %dma_start3A_98] : memref<3x512x64xf32, #tpu.memory_space<vmem>> -> memref<1x128x64xf32, #tpu.memory_space<vmem>>
    %dma_start3A_100 = tpu.memref_squeeze %dma_start3A_99 : memref<1x128x64xf32, #tpu.memory_space<vmem>> -> memref<128x64xf32, #tpu.memory_space<vmem>>
    %dma_start3A_101 = arith.constant 0 : i32
    %dma_start3A_102 = tpu.memref_slice %arg5[%dma_start3A_94, %dma_start3A_95, %dma_start3A_101] : memref<3x4x128xi32, #tpu.memory_space<vmem>> -> memref<1x1x128xi32, #tpu.memory_space<vmem>>
    %dma_start3A_103 = tpu.memref_squeeze %dma_start3A_102 : memref<1x1x128xi32, #tpu.memory_space<vmem>> -> memref<128xi32, #tpu.memory_space<vmem>>
    %dma_start3A_104 = arith.constant 0 : i32
    %dma_start3A_105 = arith.constant 0 : i32
    %dma_start3A_106 = tpu.memref_slice %arg2[%dma_start3A_104, %dma_start3A_105] : memref<100000x64xf32, #tpu.memory_space<hbm>> -> memref<100000x64xf32, #tpu.memory_space<hbm>>
    tpu.enqueue_indirect_dma source(%dma_start3A_106 : memref<100000x64xf32, #tpu.memory_space<hbm>>) target(%dma_start3A_100 : memref<128x64xf32, #tpu.memory_space<vmem>>) offsets(%dma_start3A_103 : memref<128xi32, #tpu.memory_space<vmem>>) semaphore(%arg8 : memref<!tpu.dma_semaphore, #tpu.memory_space<semaphore_mem>>)
    %dma_start3A_107 = arith.constant 0 : i32
    %dma_start3A_108 = arith.constant 2 : i32
    %dma_start3A_109 = arith.constant 0 : i32
    %dma_start3A_110 = arith.constant 256 : i32
    %dma_start3A_111 = arith.constant 0 : i32
    %dma_start3A_112 = tpu.memref_slice %arg7[%dma_start3A_109, %dma_start3A_110, %dma_start3A_111] : memref<3x512x64xf32, #tpu.memory_space<vmem>> -> memref<1x128x64xf32, #tpu.memory_space<vmem>>
    %dma_start3A_113 = tpu.memref_squeeze %dma_start3A_112 : memref<1x128x64xf32, #tpu.memory_space<vmem>> -> memref<128x64xf32, #tpu.memory_space<vmem>>
    %dma_start3A_114 = arith.constant 0 : i32
    %dma_start3A_115 = tpu.memref_slice %arg5[%dma_start3A_107, %dma_start3A_108, %dma_start3A_114] : memref<3x4x128xi32, #tpu.memory_space<vmem>> -> memref<1x1x128xi32, #tpu.memory_space<vmem>>
    %dma_start3A_116 = tpu.memref_squeeze %dma_start3A_115 : memref<1x1x128xi32, #tpu.memory_space<vmem>> -> memref<128xi32, #tpu.memory_space<vmem>>
    %dma_start3A_117 = arith.constant 0 : i32
    %dma_start3A_118 = arith.constant 0 : i32
    %dma_start3A_119 = tpu.memref_slice %arg2[%dma_start3A_117, %dma_start3A_118] : memref<100000x64xf32, #tpu.memory_space<hbm>> -> memref<100000x64xf32, #tpu.memory_space<hbm>>
    tpu.enqueue_indirect_dma source(%dma_start3A_119 : memref<100000x64xf32, #tpu.memory_space<hbm>>) target(%dma_start3A_113 : memref<128x64xf32, #tpu.memory_space<vmem>>) offsets(%dma_start3A_116 : memref<128xi32, #tpu.memory_space<vmem>>) semaphore(%arg8 : memref<!tpu.dma_semaphore, #tpu.memory_space<semaphore_mem>>)
    %dma_start3A_120 = arith.constant 0 : i32
    %dma_start3A_121 = arith.constant 3 : i32
    %dma_start3A_122 = arith.constant 0 : i32
    %dma_start3A_123 = arith.constant 384 : i32
    %dma_start3A_124 = arith.constant 0 : i32
    %dma_start3A_125 = tpu.memref_slice %arg7[%dma_start3A_122, %dma_start3A_123, %dma_start3A_124] : memref<3x512x64xf32, #tpu.memory_space<vmem>> -> memref<1x128x64xf32, #tpu.memory_space<vmem>>
    %dma_start3A_126 = tpu.memref_squeeze %dma_start3A_125 : memref<1x128x64xf32, #tpu.memory_space<vmem>> -> memref<128x64xf32, #tpu.memory_space<vmem>>
    %dma_start3A_127 = arith.constant 0 : i32
    %dma_start3A_128 = tpu.memref_slice %arg5[%dma_start3A_120, %dma_start3A_121, %dma_start3A_127] : memref<3x4x128xi32, #tpu.memory_space<vmem>> -> memref<1x1x128xi32, #tpu.memory_space<vmem>>
    %dma_start3A_129 = tpu.memref_squeeze %dma_start3A_128 : memref<1x1x128xi32, #tpu.memory_space<vmem>> -> memref<128xi32, #tpu.memory_space<vmem>>
    %dma_start3A_130 = arith.constant 0 : i32
    %dma_start3A_131 = arith.constant 0 : i32
    %dma_start3A_132 = tpu.memref_slice %arg2[%dma_start3A_130, %dma_start3A_131] : memref<100000x64xf32, #tpu.memory_space<hbm>> -> memref<100000x64xf32, #tpu.memory_space<hbm>>
    tpu.enqueue_indirect_dma source(%dma_start3A_132 : memref<100000x64xf32, #tpu.memory_space<hbm>>) target(%dma_start3A_126 : memref<128x64xf32, #tpu.memory_space<vmem>>) offsets(%dma_start3A_129 : memref<128xi32, #tpu.memory_space<vmem>>) semaphore(%arg8 : memref<!tpu.dma_semaphore, #tpu.memory_space<semaphore_mem>>)
    %scan3A_133 = arith.constant 0 : i32
    %scan3A_134 = arith.constant 0 : i32
    %scan3A_135 = arith.constant 40 : i32
    %scan3A_136 = arith.addi %scan3A_134, %scan3A_135 : i32
    %scan3A_137 = arith.constant 1 : i32
    scf.for %scan3A_172 = %scan3A_134 to %scan3A_136 step %scan3A_137  : i32 {
      %lt3A_173 = arith.constant 39 : i32
      %lt3A_174 = arith.cmpi slt, %scan3A_172, %lt3A_173 : i32
      %convert_element_type3A = arith.extui %lt3A_174 : i1 to i32
      %cond3A = arith.constant 0 : i32
      %cond3A_175 = arith.cmpi ne, %convert_element_type3A, %cond3A : i32
      scf.if %cond3A_175 {
        %add3A_390 = arith.constant 1 : i32
        %add3A_391 = arith.addi %scan3A_172, %add3A_390 : i32
        %mul3A_392 = arith.constant 4 : i32
        %mul3A_393 = arith.muli %add3A_391, %mul3A_392 : i32
        %add3A_394 = arith.addi %mul3A_45, %mul3A_393 : i32
        %jit3A_395 = arith.constant 256 : i32
        %div3A_396 = arith.divsi %add3A_394, %jit3A_395 : i32
        %sign3A_397 = arith.constant 0 : i32
        %sign3A_398 = arith.cmpi sgt, %add3A_394, %sign3A_397 : i32
        %sign3A_399 = arith.extui %sign3A_398 : i1 to i32
        %sign3A_400 = arith.constant 0 : i32
        %sign3A_401 = arith.cmpi slt, %add3A_394, %sign3A_400 : i32
        %sign3A_402 = arith.extui %sign3A_401 : i1 to i32
        %sign3A_403 = arith.subi %sign3A_399, %sign3A_402 : i32
        %sign3A_404 = arith.constant 0 : i32
        %sign3A_405 = arith.cmpi sgt, %jit3A_395, %sign3A_404 : i32
        %sign3A_406 = arith.extui %sign3A_405 : i1 to i32
        %sign3A_407 = arith.constant 0 : i32
        %sign3A_408 = arith.cmpi slt, %jit3A_395, %sign3A_407 : i32
        %sign3A_409 = arith.extui %sign3A_408 : i1 to i32
        %sign3A_410 = arith.subi %sign3A_406, %sign3A_409 : i32
        %ne3A_411 = arith.cmpi ne, %sign3A_403, %sign3A_410 : i32
        %rem3A_412 = arith.remsi %add3A_394, %jit3A_395 : i32
        %ne3A_413 = arith.constant 0 : i32
        %ne3A_414 = arith.cmpi ne, %rem3A_412, %ne3A_413 : i32
        %and3A_415 = arith.andi %ne3A_411, %ne3A_414 : i1
        %sub3A_416 = arith.constant 1 : i32
        %sub3A_417 = arith.subi %div3A_396, %sub3A_416 : i32
        %select_n3A_418 = arith.select %and3A_415, %sub3A_417, %div3A_396 : i32
        %mul3A_419 = arith.constant 256 : i32
        %mul3A_420 = arith.muli %select_n3A_418, %mul3A_419 : i32
        %sub3A_421 = arith.subi %add3A_394, %mul3A_420 : i32
        %mul3A_422 = arith.constant 16 : i32
        %mul3A_423 = arith.muli %sub3A_421, %mul3A_422 : i32
        "tpu.region"() ({
          %run_scoped3A = tpu.sem_alloc : memref<!tpu.dma_semaphore, #tpu.memory_space<semaphore_mem>>
          %dma_start3A_430 = arith.constant 0 : i32
          %dma_start3A_431 = tpu.memref_slice %arg3[%select_n3A_418, %dma_start3A_430, %mul3A_423] : memref<20x8x4096xi32, #tpu.memory_space<hbm>> -> memref<1x8x64xi32, #tpu.memory_space<hbm>>
          %dma_start3A_432 = arith.constant 0 : i32
          %dma_start3A_433 = tpu.memref_slice %arg3[%select_n3A_418, %dma_start3A_432, %mul3A_423] : memref<20x8x4096xi32, #tpu.memory_space<hbm>> -> memref<1x8x64xi32, #tpu.memory_space<hbm>>
          tpu.enqueue_dma source(%dma_start3A_433 : memref<1x8x64xi32, #tpu.memory_space<hbm>>) target(%arg6 : memref<1x8x64xi32, #tpu.memory_space<vmem>>) target_semaphore(%run_scoped3A : memref<!tpu.dma_semaphore, #tpu.memory_space<semaphore_mem>>)
          %dma_wait3A_434 = arith.constant 0 : i32
          %dma_wait3A_435 = tpu.memref_slice %arg3[%select_n3A_418, %dma_wait3A_434, %mul3A_423] : memref<20x8x4096xi32, #tpu.memory_space<hbm>> -> memref<1x8x64xi32, #tpu.memory_space<hbm>>
          %dma_wait3A_436 = arith.constant 0 : i32
          %dma_wait3A_437 = tpu.memref_slice %arg3[%select_n3A_418, %dma_wait3A_436, %mul3A_423] : memref<20x8x4096xi32, #tpu.memory_space<hbm>> -> memref<1x8x64xi32, #tpu.memory_space<hbm>>
          tpu.wait_dma2 semaphore(%run_scoped3A : memref<!tpu.dma_semaphore, #tpu.memory_space<semaphore_mem>>) src(%dma_wait3A_437 : memref<1x8x64xi32, #tpu.memory_space<hbm>>) dst(%arg6 : memref<1x8x64xi32, #tpu.memory_space<vmem>>)
          tpu.yield
        }) : () -> ()
        %scan3A_424 = arith.constant 0 : i32
        %scan3A_425 = arith.constant 0 : i32
        %scan3A_426 = arith.constant 4 : i32
        %scan3A_427 = arith.addi %scan3A_425, %scan3A_426 : i32
        %scan3A_428 = arith.constant 1 : i32
        scf.for %scan3A_430 = %scan3A_425 to %scan3A_427 step %scan3A_428  : i32 {
          %broadcast_in_dim3A = arith.constant 0 : i32
          %broadcast_in_dim3A_431 = vector.broadcast %broadcast_in_dim3A : i32 to vector<16xi32>
          %mul3A_432 = arith.constant 16 : i32
          %mul3A_433 = arith.muli %mul3A_432, %scan3A_430 : i32
          %add3A_434 = arith.constant 0 : i32
          %add3A_435 = arith.addi %mul3A_433, %add3A_434 : i32
          %add3A_436 = vector.broadcast %add3A_435 : i32 to vector<16xi32>
          %add3A_437 = arith.addi %add3A_436, %select_n3A_43 : vector<16xi32>
          %gather3A = tpu.vector_load_idx %arg6[%broadcast_in_dim3A_431, %select_n3A_15, %add3A_437] : memref<1x8x64xi32, #tpu.memory_space<vmem>>[vector<16xi32>, vector<16xi32>, vector<16xi32>], vector<16xi32>,
          %jit3A_438 = arith.constant 3 : i32
          %eq3A_439 = arith.constant 0 : i32
          %eq3A_440 = arith.cmpi eq, %jit3A_438, %eq3A_439 : i32
          %jit3A_441 = arith.constant 1 : i32
          %select_n3A_442 = arith.select %eq3A_440, %jit3A_441, %jit3A_438 : i32
          %rem3A_443 = arith.remsi %add3A_391, %select_n3A_442 : i32
          %ne3A_444 = arith.constant 0 : i32
          %ne3A_445 = arith.cmpi ne, %rem3A_443, %ne3A_444 : i32
          %lt3A_446 = arith.constant 0 : i32
          %lt3A_447 = arith.cmpi slt, %rem3A_443, %lt3A_446 : i32
          %lt3A_448 = arith.constant 0 : i32
          %lt3A_449 = arith.cmpi slt, %select_n3A_442, %lt3A_448 : i32
          %ne3A_450 = arith.xori %lt3A_447, %lt3A_449 : i1
          %and3A_451 = arith.andi %ne3A_450, %ne3A_445 : i1
          %add3A_452 = arith.addi %rem3A_443, %select_n3A_442 : i32
          %select_n3A_453 = arith.select %and3A_451, %add3A_452, %rem3A_443 : i32
          %swap3A = arith.index_cast %select_n3A_453 : i32 to index
          %swap3A_454 = arith.index_cast %scan3A_430 : i32 to index
          %swap3A_455 = arith.constant 0 : index
          %swap3A_456 = tpu.vector_load %arg5[%swap3A, %swap3A_454, %swap3A_455] {strides = array<i32>} : memref<3x4x128xi32, #tpu.memory_space<vmem>>, vector<16xi32>,
          tpu.vector_store %arg5[%swap3A, %swap3A_454, %swap3A_455], %gather3A {strides = array<i32>} : memref<3x4x128xi32, #tpu.memory_space<vmem>>, vector<16xi32>,
          %broadcast_in_dim3A_457 = arith.constant 0 : i32
          %broadcast_in_dim3A_458 = vector.broadcast %broadcast_in_dim3A_457 : i32 to vector<16xi32>
          %mul3A_459 = arith.constant 16 : i32
          %mul3A_460 = arith.muli %mul3A_459, %scan3A_430 : i32
          %add3A_461 = arith.constant 2 : i32
          %add3A_462 = arith.addi %mul3A_460, %add3A_461 : i32
          %add3A_463 = vector.broadcast %add3A_462 : i32 to vector<16xi32>
          %add3A_464 = arith.addi %add3A_463, %select_n3A_43 : vector<16xi32>
          %gather3A_465 = tpu.vector_load_idx %arg6[%broadcast_in_dim3A_458, %select_n3A_15, %add3A_464] : memref<1x8x64xi32, #tpu.memory_space<vmem>>[vector<16xi32>, vector<16xi32>, vector<16xi32>], vector<16xi32>,
          %jit3A_466 = arith.constant 3 : i32
          %eq3A_467 = arith.constant 0 : i32
          %eq3A_468 = arith.cmpi eq, %jit3A_466, %eq3A_467 : i32
          %jit3A_469 = arith.constant 1 : i32
          %select_n3A_470 = arith.select %eq3A_468, %jit3A_469, %jit3A_466 : i32
          %rem3A_471 = arith.remsi %add3A_391, %select_n3A_470 : i32
          %ne3A_472 = arith.constant 0 : i32
          %ne3A_473 = arith.cmpi ne, %rem3A_471, %ne3A_472 : i32
          %lt3A_474 = arith.constant 0 : i32
          %lt3A_475 = arith.cmpi slt, %rem3A_471, %lt3A_474 : i32
          %lt3A_476 = arith.constant 0 : i32
          %lt3A_477 = arith.cmpi slt, %select_n3A_470, %lt3A_476 : i32
          %ne3A_478 = arith.xori %lt3A_475, %lt3A_477 : i1
          %and3A_479 = arith.andi %ne3A_478, %ne3A_473 : i1
          %add3A_480 = arith.addi %rem3A_471, %select_n3A_470 : i32
          %select_n3A_481 = arith.select %and3A_479, %add3A_480, %rem3A_471 : i32
          %swap3A_482 = arith.index_cast %select_n3A_481 : i32 to index
          %swap3A_483 = arith.index_cast %scan3A_430 : i32 to index
          %swap3A_484 = arith.constant 16 : index
          %swap3A_485 = tpu.vector_load %arg5[%swap3A_482, %swap3A_483, %swap3A_484] {strides = array<i32>} : memref<3x4x128xi32, #tpu.memory_space<vmem>>, vector<16xi32>,
          tpu.vector_store %arg5[%swap3A_482, %swap3A_483, %swap3A_484], %gather3A_465 {strides = array<i32>} : memref<3x4x128xi32, #tpu.memory_space<vmem>>, vector<16xi32>,
          %broadcast_in_dim3A_486 = arith.constant 0 : i32
          %broadcast_in_dim3A_487 = vector.broadcast %broadcast_in_dim3A_486 : i32 to vector<16xi32>
          %mul3A_488 = arith.constant 16 : i32
          %mul3A_489 = arith.muli %mul3A_488, %scan3A_430 : i32
          %add3A_490 = arith.constant 4 : i32
          %add3A_491 = arith.addi %mul3A_489, %add3A_490 : i32
          %add3A_492 = vector.broadcast %add3A_491 : i32 to vector<16xi32>
          %add3A_493 = arith.addi %add3A_492, %select_n3A_43 : vector<16xi32>
          %gather3A_494 = tpu.vector_load_idx %arg6[%broadcast_in_dim3A_487, %select_n3A_15, %add3A_493] : memref<1x8x64xi32, #tpu.memory_space<vmem>>[vector<16xi32>, vector<16xi32>, vector<16xi32>], vector<16xi32>,
          %jit3A_495 = arith.constant 3 : i32
          %eq3A_496 = arith.constant 0 : i32
          %eq3A_497 = arith.cmpi eq, %jit3A_495, %eq3A_496 : i32
          %jit3A_498 = arith.constant 1 : i32
          %select_n3A_499 = arith.select %eq3A_497, %jit3A_498, %jit3A_495 : i32
          %rem3A_500 = arith.remsi %add3A_391, %select_n3A_499 : i32
          %ne3A_501 = arith.constant 0 : i32
          %ne3A_502 = arith.cmpi ne, %rem3A_500, %ne3A_501 : i32
          %lt3A_503 = arith.constant 0 : i32
          %lt3A_504 = arith.cmpi slt, %rem3A_500, %lt3A_503 : i32
          %lt3A_505 = arith.constant 0 : i32
          %lt3A_506 = arith.cmpi slt, %select_n3A_499, %lt3A_505 : i32
          %ne3A_507 = arith.xori %lt3A_504, %lt3A_506 : i1
          %and3A_508 = arith.andi %ne3A_507, %ne3A_502 : i1
          %add3A_509 = arith.addi %rem3A_500, %select_n3A_499 : i32
          %select_n3A_510 = arith.select %and3A_508, %add3A_509, %rem3A_500 : i32
          %swap3A_511 = arith.index_cast %select_n3A_510 : i32 to index
          %swap3A_512 = arith.index_cast %scan3A_430 : i32 to index
          %swap3A_513 = arith.constant 32 : index
          %swap3A_514 = tpu.vector_load %arg5[%swap3A_511, %swap3A_512, %swap3A_513] {strides = array<i32>} : memref<3x4x128xi32, #tpu.memory_space<vmem>>, vector<16xi32>,
          tpu.vector_store %arg5[%swap3A_511, %swap3A_512, %swap3A_513], %gather3A_494 {strides = array<i32>} : memref<3x4x128xi32, #tpu.memory_space<vmem>>, vector<16xi32>,
          %broadcast_in_dim3A_515 = arith.constant 0 : i32
          %broadcast_in_dim3A_516 = vector.broadcast %broadcast_in_dim3A_515 : i32 to vector<16xi32>
          %mul3A_517 = arith.constant 16 : i32
          %mul3A_518 = arith.muli %mul3A_517, %scan3A_430 : i32
          %add3A_519 = arith.constant 6 : i32
          %add3A_520 = arith.addi %mul3A_518, %add3A_519 : i32
          %add3A_521 = vector.broadcast %add3A_520 : i32 to vector<16xi32>
          %add3A_522 = arith.addi %add3A_521, %select_n3A_43 : vector<16xi32>
          %gather3A_523 = tpu.vector_load_idx %arg6[%broadcast_in_dim3A_516, %select_n3A_15, %add3A_522] : memref<1x8x64xi32, #tpu.memory_space<vmem>>[vector<16xi32>, vector<16xi32>, vector<16xi32>], vector<16xi32>,
          %jit3A_524 = arith.constant 3 : i32
          %eq3A_525 = arith.constant 0 : i32
          %eq3A_526 = arith.cmpi eq, %jit3A_524, %eq3A_525 : i32
          %jit3A_527 = arith.constant 1 : i32
          %select_n3A_528 = arith.select %eq3A_526, %jit3A_527, %jit3A_524 : i32
          %rem3A_529 = arith.remsi %add3A_391, %select_n3A_528 : i32
          %ne3A_530 = arith.constant 0 : i32
          %ne3A_531 = arith.cmpi ne, %rem3A_529, %ne3A_530 : i32
          %lt3A_532 = arith.constant 0 : i32
          %lt3A_533 = arith.cmpi slt, %rem3A_529, %lt3A_532 : i32
          %lt3A_534 = arith.constant 0 : i32
          %lt3A_535 = arith.cmpi slt, %select_n3A_528, %lt3A_534 : i32
          %ne3A_536 = arith.xori %lt3A_533, %lt3A_535 : i1
          %and3A_537 = arith.andi %ne3A_536, %ne3A_531 : i1
          %add3A_538 = arith.addi %rem3A_529, %select_n3A_528 : i32
          %select_n3A_539 = arith.select %and3A_537, %add3A_538, %rem3A_529 : i32
          %swap3A_540 = arith.index_cast %select_n3A_539 : i32 to index
          %swap3A_541 = arith.index_cast %scan3A_430 : i32 to index
          %swap3A_542 = arith.constant 48 : index
          %swap3A_543 = tpu.vector_load %arg5[%swap3A_540, %swap3A_541, %swap3A_542] {strides = array<i32>} : memref<3x4x128xi32, #tpu.memory_space<vmem>>, vector<16xi32>,
          tpu.vector_store %arg5[%swap3A_540, %swap3A_541, %swap3A_542], %gather3A_523 {strides = array<i32>} : memref<3x4x128xi32, #tpu.memory_space<vmem>>, vector<16xi32>,
          %broadcast_in_dim3A_544 = arith.constant 0 : i32
          %broadcast_in_dim3A_545 = vector.broadcast %broadcast_in_dim3A_544 : i32 to vector<16xi32>
          %mul3A_546 = arith.constant 16 : i32
          %mul3A_547 = arith.muli %mul3A_546, %scan3A_430 : i32
          %add3A_548 = arith.constant 8 : i32
          %add3A_549 = arith.addi %mul3A_547, %add3A_548 : i32
          %add3A_550 = vector.broadcast %add3A_549 : i32 to vector<16xi32>
          %add3A_551 = arith.addi %add3A_550, %select_n3A_43 : vector<16xi32>
          %gather3A_552 = tpu.vector_load_idx %arg6[%broadcast_in_dim3A_545, %select_n3A_15, %add3A_551] : memref<1x8x64xi32, #tpu.memory_space<vmem>>[vector<16xi32>, vector<16xi32>, vector<16xi32>], vector<16xi32>,
          %jit3A_553 = arith.constant 3 : i32
          %eq3A_554 = arith.constant 0 : i32
          %eq3A_555 = arith.cmpi eq, %jit3A_553, %eq3A_554 : i32
          %jit3A_556 = arith.constant 1 : i32
          %select_n3A_557 = arith.select %eq3A_555, %jit3A_556, %jit3A_553 : i32
          %rem3A_558 = arith.remsi %add3A_391, %select_n3A_557 : i32
          %ne3A_559 = arith.constant 0 : i32
          %ne3A_560 = arith.cmpi ne, %rem3A_558, %ne3A_559 : i32
          %lt3A_561 = arith.constant 0 : i32
          %lt3A_562 = arith.cmpi slt, %rem3A_558, %lt3A_561 : i32
          %lt3A_563 = arith.constant 0 : i32
          %lt3A_564 = arith.cmpi slt, %select_n3A_557, %lt3A_563 : i32
          %ne3A_565 = arith.xori %lt3A_562, %lt3A_564 : i1
          %and3A_566 = arith.andi %ne3A_565, %ne3A_560 : i1
          %add3A_567 = arith.addi %rem3A_558, %select_n3A_557 : i32
          %select_n3A_568 = arith.select %and3A_566, %add3A_567, %rem3A_558 : i32
          %swap3A_569 = arith.index_cast %select_n3A_568 : i32 to index
          %swap3A_570 = arith.index_cast %scan3A_430 : i32 to index
          %swap3A_571 = arith.constant 64 : index
          %swap3A_572 = tpu.vector_load %arg5[%swap3A_569, %swap3A_570, %swap3A_571] {strides = array<i32>} : memref<3x4x128xi32, #tpu.memory_space<vmem>>, vector<16xi32>,
          tpu.vector_store %arg5[%swap3A_569, %swap3A_570, %swap3A_571], %gather3A_552 {strides = array<i32>} : memref<3x4x128xi32, #tpu.memory_space<vmem>>, vector<16xi32>,
          %broadcast_in_dim3A_573 = arith.constant 0 : i32
          %broadcast_in_dim3A_574 = vector.broadcast %broadcast_in_dim3A_573 : i32 to vector<16xi32>
          %mul3A_575 = arith.constant 16 : i32
          %mul3A_576 = arith.muli %mul3A_575, %scan3A_430 : i32
          %add3A_577 = arith.constant 10 : i32
          %add3A_578 = arith.addi %mul3A_576, %add3A_577 : i32
          %add3A_579 = vector.broadcast %add3A_578 : i32 to vector<16xi32>
          %add3A_580 = arith.addi %add3A_579, %select_n3A_43 : vector<16xi32>
          %gather3A_581 = tpu.vector_load_idx %arg6[%broadcast_in_dim3A_574, %select_n3A_15, %add3A_580] : memref<1x8x64xi32, #tpu.memory_space<vmem>>[vector<16xi32>, vector<16xi32>, vector<16xi32>], vector<16xi32>,
          %jit3A_582 = arith.constant 3 : i32
          %eq3A_583 = arith.constant 0 : i32
          %eq3A_584 = arith.cmpi eq, %jit3A_582, %eq3A_583 : i32
          %jit3A_585 = arith.constant 1 : i32
          %select_n3A_586 = arith.select %eq3A_584, %jit3A_585, %jit3A_582 : i32
          %rem3A_587 = arith.remsi %add3A_391, %select_n3A_586 : i32
          %ne3A_588 = arith.constant 0 : i32
          %ne3A_589 = arith.cmpi ne, %rem3A_587, %ne3A_588 : i32
          %lt3A_590 = arith.constant 0 : i32
          %lt3A_591 = arith.cmpi slt, %rem3A_587, %lt3A_590 : i32
          %lt3A_592 = arith.constant 0 : i32
          %lt3A_593 = arith.cmpi slt, %select_n3A_586, %lt3A_592 : i32
          %ne3A_594 = arith.xori %lt3A_591, %lt3A_593 : i1
          %and3A_595 = arith.andi %ne3A_594, %ne3A_589 : i1
          %add3A_596 = arith.addi %rem3A_587, %select_n3A_586 : i32
          %select_n3A_597 = arith.select %and3A_595, %add3A_596, %rem3A_587 : i32
          %swap3A_598 = arith.index_cast %select_n3A_597 : i32 to index
          %swap3A_599 = arith.index_cast %scan3A_430 : i32 to index
          %swap3A_600 = arith.constant 80 : index
          %swap3A_601 = tpu.vector_load %arg5[%swap3A_598, %swap3A_599, %swap3A_600] {strides = array<i32>} : memref<3x4x128xi32, #tpu.memory_space<vmem>>, vector<16xi32>,
          tpu.vector_store %arg5[%swap3A_598, %swap3A_599, %swap3A_600], %gather3A_581 {strides = array<i32>} : memref<3x4x128xi32, #tpu.memory_space<vmem>>, vector<16xi32>,
          %broadcast_in_dim3A_602 = arith.constant 0 : i32
          %broadcast_in_dim3A_603 = vector.broadcast %broadcast_in_dim3A_602 : i32 to vector<16xi32>
          %mul3A_604 = arith.constant 16 : i32
          %mul3A_605 = arith.muli %mul3A_604, %scan3A_430 : i32
          %add3A_606 = arith.constant 12 : i32
          %add3A_607 = arith.addi %mul3A_605, %add3A_606 : i32
          %add3A_608 = vector.broadcast %add3A_607 : i32 to vector<16xi32>
          %add3A_609 = arith.addi %add3A_608, %select_n3A_43 : vector<16xi32>
          %gather3A_610 = tpu.vector_load_idx %arg6[%broadcast_in_dim3A_603, %select_n3A_15, %add3A_609] : memref<1x8x64xi32, #tpu.memory_space<vmem>>[vector<16xi32>, vector<16xi32>, vector<16xi32>], vector<16xi32>,
          %jit3A_611 = arith.constant 3 : i32
          %eq3A_612 = arith.constant 0 : i32
          %eq3A_613 = arith.cmpi eq, %jit3A_611, %eq3A_612 : i32
          %jit3A_614 = arith.constant 1 : i32
          %select_n3A_615 = arith.select %eq3A_613, %jit3A_614, %jit3A_611 : i32
          %rem3A_616 = arith.remsi %add3A_391, %select_n3A_615 : i32
          %ne3A_617 = arith.constant 0 : i32
          %ne3A_618 = arith.cmpi ne, %rem3A_616, %ne3A_617 : i32
          %lt3A_619 = arith.constant 0 : i32
          %lt3A_620 = arith.cmpi slt, %rem3A_616, %lt3A_619 : i32
          %lt3A_621 = arith.constant 0 : i32
          %lt3A_622 = arith.cmpi slt, %select_n3A_615, %lt3A_621 : i32
          %ne3A_623 = arith.xori %lt3A_620, %lt3A_622 : i1
          %and3A_624 = arith.andi %ne3A_623, %ne3A_618 : i1
          %add3A_625 = arith.addi %rem3A_616, %select_n3A_615 : i32
          %select_n3A_626 = arith.select %and3A_624, %add3A_625, %rem3A_616 : i32
          %swap3A_627 = arith.index_cast %select_n3A_626 : i32 to index
          %swap3A_628 = arith.index_cast %scan3A_430 : i32 to index
          %swap3A_629 = arith.constant 96 : index
          %swap3A_630 = tpu.vector_load %arg5[%swap3A_627, %swap3A_628, %swap3A_629] {strides = array<i32>} : memref<3x4x128xi32, #tpu.memory_space<vmem>>, vector<16xi32>,
          tpu.vector_store %arg5[%swap3A_627, %swap3A_628, %swap3A_629], %gather3A_610 {strides = array<i32>} : memref<3x4x128xi32, #tpu.memory_space<vmem>>, vector<16xi32>,
          %broadcast_in_dim3A_631 = arith.constant 0 : i32
          %broadcast_in_dim3A_632 = vector.broadcast %broadcast_in_dim3A_631 : i32 to vector<16xi32>
          %mul3A_633 = arith.constant 16 : i32
          %mul3A_634 = arith.muli %mul3A_633, %scan3A_430 : i32
          %add3A_635 = arith.constant 14 : i32
          %add3A_636 = arith.addi %mul3A_634, %add3A_635 : i32
          %add3A_637 = vector.broadcast %add3A_636 : i32 to vector<16xi32>
          %add3A_638 = arith.addi %add3A_637, %select_n3A_43 : vector<16xi32>
          %gather3A_639 = tpu.vector_load_idx %arg6[%broadcast_in_dim3A_632, %select_n3A_15, %add3A_638] : memref<1x8x64xi32, #tpu.memory_space<vmem>>[vector<16xi32>, vector<16xi32>, vector<16xi32>], vector<16xi32>,
          %jit3A_640 = arith.constant 3 : i32
          %eq3A_641 = arith.constant 0 : i32
          %eq3A_642 = arith.cmpi eq, %jit3A_640, %eq3A_641 : i32
          %jit3A_643 = arith.constant 1 : i32
          %select_n3A_644 = arith.select %eq3A_642, %jit3A_643, %jit3A_640 : i32
          %rem3A_645 = arith.remsi %add3A_391, %select_n3A_644 : i32
          %ne3A_646 = arith.constant 0 : i32
          %ne3A_647 = arith.cmpi ne, %rem3A_645, %ne3A_646 : i32
          %lt3A_648 = arith.constant 0 : i32
          %lt3A_649 = arith.cmpi slt, %rem3A_645, %lt3A_648 : i32
          %lt3A_650 = arith.constant 0 : i32
          %lt3A_651 = arith.cmpi slt, %select_n3A_644, %lt3A_650 : i32
          %ne3A_652 = arith.xori %lt3A_649, %lt3A_651 : i1
          %and3A_653 = arith.andi %ne3A_652, %ne3A_647 : i1
          %add3A_654 = arith.addi %rem3A_645, %select_n3A_644 : i32
          %select_n3A_655 = arith.select %and3A_653, %add3A_654, %rem3A_645 : i32
          %swap3A_656 = arith.index_cast %select_n3A_655 : i32 to index
          %swap3A_657 = arith.index_cast %scan3A_430 : i32 to index
          %swap3A_658 = arith.constant 112 : index
          %swap3A_659 = tpu.vector_load %arg5[%swap3A_656, %swap3A_657, %swap3A_658] {strides = array<i32>} : memref<3x4x128xi32, #tpu.memory_space<vmem>>, vector<16xi32>,
          tpu.vector_store %arg5[%swap3A_656, %swap3A_657, %swap3A_658], %gather3A_639 {strides = array<i32>} : memref<3x4x128xi32, #tpu.memory_space<vmem>>, vector<16xi32>,
        }
        %scan3A_429 = arith.constant 4 : i32
      } else {
      }
      %ge3A = arith.constant 2 : i32
      %ge3A_176 = arith.cmpi sge, %scan3A_172, %ge3A : i32
      %convert_element_type3A_177 = arith.extui %ge3A_176 : i1 to i32
      %cond3A_178 = arith.constant 0 : i32
      %cond3A_179 = arith.cmpi ne, %convert_element_type3A_177, %cond3A_178 : i32
      scf.if %cond3A_179 {
        %sub3A_390 = arith.constant 2 : i32
        %sub3A_391 = arith.subi %scan3A_172, %sub3A_390 : i32
        %jit3A_392 = arith.constant 3 : i32
        %eq3A_393 = arith.constant 0 : i32
        %eq3A_394 = arith.cmpi eq, %jit3A_392, %eq3A_393 : i32
        %jit3A_395 = arith.constant 1 : i32
        %select_n3A_396 = arith.select %eq3A_394, %jit3A_395, %jit3A_392 : i32
        %rem3A_397 = arith.remsi %sub3A_391, %select_n3A_396 : i32
        %ne3A_398 = arith.constant 0 : i32
        %ne3A_399 = arith.cmpi ne, %rem3A_397, %ne3A_398 : i32
        %lt3A_400 = arith.constant 0 : i32
        %lt3A_401 = arith.cmpi slt, %rem3A_397, %lt3A_400 : i32
        %lt3A_402 = arith.constant 0 : i32
        %lt3A_403 = arith.cmpi slt, %select_n3A_396, %lt3A_402 : i32
        %ne3A_404 = arith.xori %lt3A_401, %lt3A_403 : i1
        %and3A_405 = arith.andi %ne3A_404, %ne3A_399 : i1
        %add3A_406 = arith.addi %rem3A_397, %select_n3A_396 : i32
        %select_n3A_407 = arith.select %and3A_405, %add3A_406, %rem3A_397 : i32
        %sub3A_408 = arith.constant 2 : i32
        %sub3A_409 = arith.subi %scan3A_172, %sub3A_408 : i32
        %mul3A_410 = arith.constant 4 : i32
        %mul3A_411 = arith.muli %sub3A_409, %mul3A_410 : i32
        %add3A_412 = arith.addi %mul3A_45, %mul3A_411 : i32
        %mul3A_413 = arith.constant 128 : i32
        %mul3A_414 = arith.muli %add3A_412, %mul3A_413 : i32
        %dma_wait3A_415 = arith.constant 0 : i32
        %dma_wait3A_416 = arith.constant 0 : i32
        %dma_wait3A_417 = tpu.memref_slice %arg7[%select_n3A_407, %dma_wait3A_415, %dma_wait3A_416] : memref<3x512x64xf32, #tpu.memory_space<vmem>> -> memref<1x512x64xf32, #tpu.memory_space<vmem>>
        %dma_wait3A_418 = tpu.memref_squeeze %dma_wait3A_417 : memref<1x512x64xf32, #tpu.memory_space<vmem>> -> memref<512x64xf32, #tpu.memory_space<vmem>>
        %dma_wait3A_419 = arith.constant 0 : i32
        %dma_wait3A_420 = tpu.memref_slice %arg4[%mul3A_414, %dma_wait3A_419] : memref<655360x64xf32, #tpu.memory_space<hbm>> -> memref<512x64xf32, #tpu.memory_space<hbm>>
        %dma_wait3A_421 = arith.constant 0 : i32
        %dma_wait3A_422 = tpu.memref_slice %arg4[%mul3A_414, %dma_wait3A_421] : memref<655360x64xf32, #tpu.memory_space<hbm>> -> memref<512x64xf32, #tpu.memory_space<hbm>>
        %dma_wait3A_423 = arith.constant 0 : i32
        %dma_wait3A_424 = arith.constant 0 : i32
        %dma_wait3A_425 = tpu.memref_slice %arg7[%select_n3A_407, %dma_wait3A_423, %dma_wait3A_424] : memref<3x512x64xf32, #tpu.memory_space<vmem>> -> memref<1x512x64xf32, #tpu.memory_space<vmem>>
        %dma_wait3A_426 = tpu.memref_squeeze %dma_wait3A_425 : memref<1x512x64xf32, #tpu.memory_space<vmem>> -> memref<512x64xf32, #tpu.memory_space<vmem>>
        tpu.wait_dma2 semaphore(%arg9 : memref<!tpu.dma_semaphore, #tpu.memory_space<semaphore_mem>>) src(%dma_wait3A_426 : memref<512x64xf32, #tpu.memory_space<vmem>>) dst(%dma_wait3A_422 : memref<512x64xf32, #tpu.memory_space<hbm>>)
      } else {
      }
      %lt3A_180 = arith.constant 39 : i32
      %lt3A_181 = arith.cmpi slt, %scan3A_172, %lt3A_180 : i32
      %convert_element_type3A_182 = arith.extui %lt3A_181 : i1 to i32
      %cond3A_183 = arith.constant 0 : i32
      %cond3A_184 = arith.cmpi ne, %convert_element_type3A_182, %cond3A_183 : i32
      scf.if %cond3A_184 {
        %add3A_390 = arith.constant 1 : i32
        %add3A_391 = arith.addi %scan3A_172, %add3A_390 : i32
        %jit3A_392 = arith.constant 3 : i32
        %eq3A_393 = arith.constant 0 : i32
        %eq3A_394 = arith.cmpi eq, %jit3A_392, %eq3A_393 : i32
        %jit3A_395 = arith.constant 1 : i32
        %select_n3A_396 = arith.select %eq3A_394, %jit3A_395, %jit3A_392 : i32
        %rem3A_397 = arith.remsi %add3A_391, %select_n3A_396 : i32
        %ne3A_398 = arith.constant 0 : i32
        %ne3A_399 = arith.cmpi ne, %rem3A_397, %ne3A_398 : i32
        %lt3A_400 = arith.constant 0 : i32
        %lt3A_401 = arith.cmpi slt, %rem3A_397, %lt3A_400 : i32
        %lt3A_402 = arith.constant 0 : i32
        %lt3A_403 = arith.cmpi slt, %select_n3A_396, %lt3A_402 : i32
        %ne3A_404 = arith.xori %lt3A_401, %lt3A_403 : i1
        %and3A_405 = arith.andi %ne3A_404, %ne3A_399 : i1
        %add3A_406 = arith.addi %rem3A_397, %select_n3A_396 : i32
        %select_n3A_407 = arith.select %and3A_405, %add3A_406, %rem3A_397 : i32
        %jit3A_408 = arith.constant 3 : i32
        %eq3A_409 = arith.constant 0 : i32
        %eq3A_410 = arith.cmpi eq, %jit3A_408, %eq3A_409 : i32
        %jit3A_411 = arith.constant 1 : i32
        %select_n3A_412 = arith.select %eq3A_410, %jit3A_411, %jit3A_408 : i32
        %rem3A_413 = arith.remsi %add3A_391, %select_n3A_412 : i32
        %ne3A_414 = arith.constant 0 : i32
        %ne3A_415 = arith.cmpi ne, %rem3A_413, %ne3A_414 : i32
        %lt3A_416 = arith.constant 0 : i32
        %lt3A_417 = arith.cmpi slt, %rem3A_413, %lt3A_416 : i32
        %lt3A_418 = arith.constant 0 : i32
        %lt3A_419 = arith.cmpi slt, %select_n3A_412, %lt3A_418 : i32
        %ne3A_420 = arith.xori %lt3A_417, %lt3A_419 : i1
        %and3A_421 = arith.andi %ne3A_420, %ne3A_415 : i1
        %add3A_422 = arith.addi %rem3A_413, %select_n3A_412 : i32
        %select_n3A_423 = arith.select %and3A_421, %add3A_422, %rem3A_413 : i32
        %dma_start3A_424 = arith.constant 0 : i32
        %dma_start3A_425 = arith.constant 0 : i32
        %dma_start3A_426 = arith.constant 0 : i32
        %dma_start3A_427 = tpu.memref_slice %arg7[%select_n3A_423, %dma_start3A_425, %dma_start3A_426] : memref<3x512x64xf32, #tpu.memory_space<vmem>> -> memref<1x128x64xf32, #tpu.memory_space<vmem>>
        %dma_start3A_428 = tpu.memref_squeeze %dma_start3A_427 : memref<1x128x64xf32, #tpu.memory_space<vmem>> -> memref<128x64xf32, #tpu.memory_space<vmem>>
        %dma_start3A_429 = arith.constant 0 : i32
        %dma_start3A_430 = tpu.memref_slice %arg5[%select_n3A_407, %dma_start3A_424, %dma_start3A_429] : memref<3x4x128xi32, #tpu.memory_space<vmem>> -> memref<1x1x128xi32, #tpu.memory_space<vmem>>
        %dma_start3A_431 = tpu.memref_squeeze %dma_start3A_430 : memref<1x1x128xi32, #tpu.memory_space<vmem>> -> memref<128xi32, #tpu.memory_space<vmem>>
        %dma_start3A_432 = arith.constant 0 : i32
        %dma_start3A_433 = arith.constant 0 : i32
        %dma_start3A_434 = tpu.memref_slice %arg2[%dma_start3A_432, %dma_start3A_433] : memref<100000x64xf32, #tpu.memory_space<hbm>> -> memref<100000x64xf32, #tpu.memory_space<hbm>>
        tpu.enqueue_indirect_dma source(%dma_start3A_434 : memref<100000x64xf32, #tpu.memory_space<hbm>>) target(%dma_start3A_428 : memref<128x64xf32, #tpu.memory_space<vmem>>) offsets(%dma_start3A_431 : memref<128xi32, #tpu.memory_space<vmem>>) semaphore(%arg8 : memref<!tpu.dma_semaphore, #tpu.memory_space<semaphore_mem>>)
        %jit3A_435 = arith.constant 3 : i32
        %eq3A_436 = arith.constant 0 : i32
        %eq3A_437 = arith.cmpi eq, %jit3A_435, %eq3A_436 : i32
        %jit3A_438 = arith.constant 1 : i32
        %select_n3A_439 = arith.select %eq3A_437, %jit3A_438, %jit3A_435 : i32
        %rem3A_440 = arith.remsi %add3A_391, %select_n3A_439 : i32
        %ne3A_441 = arith.constant 0 : i32
        %ne3A_442 = arith.cmpi ne, %rem3A_440, %ne3A_441 : i32
        %lt3A_443 = arith.constant 0 : i32
        %lt3A_444 = arith.cmpi slt, %rem3A_440, %lt3A_443 : i32
        %lt3A_445 = arith.constant 0 : i32
        %lt3A_446 = arith.cmpi slt, %select_n3A_439, %lt3A_445 : i32
        %ne3A_447 = arith.xori %lt3A_444, %lt3A_446 : i1
        %and3A_448 = arith.andi %ne3A_447, %ne3A_442 : i1
        %add3A_449 = arith.addi %rem3A_440, %select_n3A_439 : i32
        %select_n3A_450 = arith.select %and3A_448, %add3A_449, %rem3A_440 : i32
        %jit3A_451 = arith.constant 3 : i32
        %eq3A_452 = arith.constant 0 : i32
        %eq3A_453 = arith.cmpi eq, %jit3A_451, %eq3A_452 : i32
        %jit3A_454 = arith.constant 1 : i32
        %select_n3A_455 = arith.select %eq3A_453, %jit3A_454, %jit3A_451 : i32
        %rem3A_456 = arith.remsi %add3A_391, %select_n3A_455 : i32
        %ne3A_457 = arith.constant 0 : i32
        %ne3A_458 = arith.cmpi ne, %rem3A_456, %ne3A_457 : i32
        %lt3A_459 = arith.constant 0 : i32
        %lt3A_460 = arith.cmpi slt, %rem3A_456, %lt3A_459 : i32
        %lt3A_461 = arith.constant 0 : i32
        %lt3A_462 = arith.cmpi slt, %select_n3A_455, %lt3A_461 : i32
        %ne3A_463 = arith.xori %lt3A_460, %lt3A_462 : i1
        %and3A_464 = arith.andi %ne3A_463, %ne3A_458 : i1
        %add3A_465 = arith.addi %rem3A_456, %select_n3A_455 : i32
        %select_n3A_466 = arith.select %and3A_464, %add3A_465, %rem3A_456 : i32
        %dma_start3A_467 = arith.constant 1 : i32
        %dma_start3A_468 = arith.constant 128 : i32
        %dma_start3A_469 = arith.constant 0 : i32
        %dma_start3A_470 = tpu.memref_slice %arg7[%select_n3A_466, %dma_start3A_468, %dma_start3A_469] : memref<3x512x64xf32, #tpu.memory_space<vmem>> -> memref<1x128x64xf32, #tpu.memory_space<vmem>>
        %dma_start3A_471 = tpu.memref_squeeze %dma_start3A_470 : memref<1x128x64xf32, #tpu.memory_space<vmem>> -> memref<128x64xf32, #tpu.memory_space<vmem>>
        %dma_start3A_472 = arith.constant 0 : i32
        %dma_start3A_473 = tpu.memref_slice %arg5[%select_n3A_450, %dma_start3A_467, %dma_start3A_472] : memref<3x4x128xi32, #tpu.memory_space<vmem>> -> memref<1x1x128xi32, #tpu.memory_space<vmem>>
        %dma_start3A_474 = tpu.memref_squeeze %dma_start3A_473 : memref<1x1x128xi32, #tpu.memory_space<vmem>> -> memref<128xi32, #tpu.memory_space<vmem>>
        %dma_start3A_475 = arith.constant 0 : i32
        %dma_start3A_476 = arith.constant 0 : i32
        %dma_start3A_477 = tpu.memref_slice %arg2[%dma_start3A_475, %dma_start3A_476] : memref<100000x64xf32, #tpu.memory_space<hbm>> -> memref<100000x64xf32, #tpu.memory_space<hbm>>
        tpu.enqueue_indirect_dma source(%dma_start3A_477 : memref<100000x64xf32, #tpu.memory_space<hbm>>) target(%dma_start3A_471 : memref<128x64xf32, #tpu.memory_space<vmem>>) offsets(%dma_start3A_474 : memref<128xi32, #tpu.memory_space<vmem>>) semaphore(%arg8 : memref<!tpu.dma_semaphore, #tpu.memory_space<semaphore_mem>>)
        %jit3A_478 = arith.constant 3 : i32
        %eq3A_479 = arith.constant 0 : i32
        %eq3A_480 = arith.cmpi eq, %jit3A_478, %eq3A_479 : i32
        %jit3A_481 = arith.constant 1 : i32
        %select_n3A_482 = arith.select %eq3A_480, %jit3A_481, %jit3A_478 : i32
        %rem3A_483 = arith.remsi %add3A_391, %select_n3A_482 : i32
        %ne3A_484 = arith.constant 0 : i32
        %ne3A_485 = arith.cmpi ne, %rem3A_483, %ne3A_484 : i32
        %lt3A_486 = arith.constant 0 : i32
        %lt3A_487 = arith.cmpi slt, %rem3A_483, %lt3A_486 : i32
        %lt3A_488 = arith.constant 0 : i32
        %lt3A_489 = arith.cmpi slt, %select_n3A_482, %lt3A_488 : i32
        %ne3A_490 = arith.xori %lt3A_487, %lt3A_489 : i1
        %and3A_491 = arith.andi %ne3A_490, %ne3A_485 : i1
        %add3A_492 = arith.addi %rem3A_483, %select_n3A_482 : i32
        %select_n3A_493 = arith.select %and3A_491, %add3A_492, %rem3A_483 : i32
        %jit3A_494 = arith.constant 3 : i32
        %eq3A_495 = arith.constant 0 : i32
        %eq3A_496 = arith.cmpi eq, %jit3A_494, %eq3A_495 : i32
        %jit3A_497 = arith.constant 1 : i32
        %select_n3A_498 = arith.select %eq3A_496, %jit3A_497, %jit3A_494 : i32
        %rem3A_499 = arith.remsi %add3A_391, %select_n3A_498 : i32
        %ne3A_500 = arith.constant 0 : i32
        %ne3A_501 = arith.cmpi ne, %rem3A_499, %ne3A_500 : i32
        %lt3A_502 = arith.constant 0 : i32
        %lt3A_503 = arith.cmpi slt, %rem3A_499, %lt3A_502 : i32
        %lt3A_504 = arith.constant 0 : i32
        %lt3A_505 = arith.cmpi slt, %select_n3A_498, %lt3A_504 : i32
        %ne3A_506 = arith.xori %lt3A_503, %lt3A_505 : i1
        %and3A_507 = arith.andi %ne3A_506, %ne3A_501 : i1
        %add3A_508 = arith.addi %rem3A_499, %select_n3A_498 : i32
        %select_n3A_509 = arith.select %and3A_507, %add3A_508, %rem3A_499 : i32
        %dma_start3A_510 = arith.constant 2 : i32
        %dma_start3A_511 = arith.constant 256 : i32
        %dma_start3A_512 = arith.constant 0 : i32
        %dma_start3A_513 = tpu.memref_slice %arg7[%select_n3A_509, %dma_start3A_511, %dma_start3A_512] : memref<3x512x64xf32, #tpu.memory_space<vmem>> -> memref<1x128x64xf32, #tpu.memory_space<vmem>>
        %dma_start3A_514 = tpu.memref_squeeze %dma_start3A_513 : memref<1x128x64xf32, #tpu.memory_space<vmem>> -> memref<128x64xf32, #tpu.memory_space<vmem>>
        %dma_start3A_515 = arith.constant 0 : i32
        %dma_start3A_516 = tpu.memref_slice %arg5[%select_n3A_493, %dma_start3A_510, %dma_start3A_515] : memref<3x4x128xi32, #tpu.memory_space<vmem>> -> memref<1x1x128xi32, #tpu.memory_space<vmem>>
        %dma_start3A_517 = tpu.memref_squeeze %dma_start3A_516 : memref<1x1x128xi32, #tpu.memory_space<vmem>> -> memref<128xi32, #tpu.memory_space<vmem>>
        %dma_start3A_518 = arith.constant 0 : i32
        %dma_start3A_519 = arith.constant 0 : i32
        %dma_start3A_520 = tpu.memref_slice %arg2[%dma_start3A_518, %dma_start3A_519] : memref<100000x64xf32, #tpu.memory_space<hbm>> -> memref<100000x64xf32, #tpu.memory_space<hbm>>
        tpu.enqueue_indirect_dma source(%dma_start3A_520 : memref<100000x64xf32, #tpu.memory_space<hbm>>) target(%dma_start3A_514 : memref<128x64xf32, #tpu.memory_space<vmem>>) offsets(%dma_start3A_517 : memref<128xi32, #tpu.memory_space<vmem>>) semaphore(%arg8 : memref<!tpu.dma_semaphore, #tpu.memory_space<semaphore_mem>>)
        %jit3A_521 = arith.constant 3 : i32
        %eq3A_522 = arith.constant 0 : i32
        %eq3A_523 = arith.cmpi eq, %jit3A_521, %eq3A_522 : i32
        %jit3A_524 = arith.constant 1 : i32
        %select_n3A_525 = arith.select %eq3A_523, %jit3A_524, %jit3A_521 : i32
        %rem3A_526 = arith.remsi %add3A_391, %select_n3A_525 : i32
        %ne3A_527 = arith.constant 0 : i32
        %ne3A_528 = arith.cmpi ne, %rem3A_526, %ne3A_527 : i32
        %lt3A_529 = arith.constant 0 : i32
        %lt3A_530 = arith.cmpi slt, %rem3A_526, %lt3A_529 : i32
        %lt3A_531 = arith.constant 0 : i32
        %lt3A_532 = arith.cmpi slt, %select_n3A_525, %lt3A_531 : i32
        %ne3A_533 = arith.xori %lt3A_530, %lt3A_532 : i1
        %and3A_534 = arith.andi %ne3A_533, %ne3A_528 : i1
        %add3A_535 = arith.addi %rem3A_526, %select_n3A_525 : i32
        %select_n3A_536 = arith.select %and3A_534, %add3A_535, %rem3A_526 : i32
        %jit3A_537 = arith.constant 3 : i32
        %eq3A_538 = arith.constant 0 : i32
        %eq3A_539 = arith.cmpi eq, %jit3A_537, %eq3A_538 : i32
        %jit3A_540 = arith.constant 1 : i32
        %select_n3A_541 = arith.select %eq3A_539, %jit3A_540, %jit3A_537 : i32
        %rem3A_542 = arith.remsi %add3A_391, %select_n3A_541 : i32
        %ne3A_543 = arith.constant 0 : i32
        %ne3A_544 = arith.cmpi ne, %rem3A_542, %ne3A_543 : i32
        %lt3A_545 = arith.constant 0 : i32
        %lt3A_546 = arith.cmpi slt, %rem3A_542, %lt3A_545 : i32
        %lt3A_547 = arith.constant 0 : i32
        %lt3A_548 = arith.cmpi slt, %select_n3A_541, %lt3A_547 : i32
        %ne3A_549 = arith.xori %lt3A_546, %lt3A_548 : i1
        %and3A_550 = arith.andi %ne3A_549, %ne3A_544 : i1
        %add3A_551 = arith.addi %rem3A_542, %select_n3A_541 : i32
        %select_n3A_552 = arith.select %and3A_550, %add3A_551, %rem3A_542 : i32
        %dma_start3A_553 = arith.constant 3 : i32
        %dma_start3A_554 = arith.constant 384 : i32
        %dma_start3A_555 = arith.constant 0 : i32
        %dma_start3A_556 = tpu.memref_slice %arg7[%select_n3A_552, %dma_start3A_554, %dma_start3A_555] : memref<3x512x64xf32, #tpu.memory_space<vmem>> -> memref<1x128x64xf32, #tpu.memory_space<vmem>>
        %dma_start3A_557 = tpu.memref_squeeze %dma_start3A_556 : memref<1x128x64xf32, #tpu.memory_space<vmem>> -> memref<128x64xf32, #tpu.memory_space<vmem>>
        %dma_start3A_558 = arith.constant 0 : i32
        %dma_start3A_559 = tpu.memref_slice %arg5[%select_n3A_536, %dma_start3A_553, %dma_start3A_558] : memref<3x4x128xi32, #tpu.memory_space<vmem>> -> memref<1x1x128xi32, #tpu.memory_space<vmem>>
        %dma_start3A_560 = tpu.memref_squeeze %dma_start3A_559 : memref<1x1x128xi32, #tpu.memory_space<vmem>> -> memref<128xi32, #tpu.memory_space<vmem>>
        %dma_start3A_561 = arith.constant 0 : i32
        %dma_start3A_562 = arith.constant 0 : i32
        %dma_start3A_563 = tpu.memref_slice %arg2[%dma_start3A_561, %dma_start3A_562] : memref<100000x64xf32, #tpu.memory_space<hbm>> -> memref<100000x64xf32, #tpu.memory_space<hbm>>
        tpu.enqueue_indirect_dma source(%dma_start3A_563 : memref<100000x64xf32, #tpu.memory_space<hbm>>) target(%dma_start3A_557 : memref<128x64xf32, #tpu.memory_space<vmem>>) offsets(%dma_start3A_560 : memref<128xi32, #tpu.memory_space<vmem>>) semaphore(%arg8 : memref<!tpu.dma_semaphore, #tpu.memory_space<semaphore_mem>>)
      } else {
      }
      %jit3A_185 = arith.constant 3 : i32
      %eq3A_186 = arith.constant 0 : i32
      %eq3A_187 = arith.cmpi eq, %jit3A_185, %eq3A_186 : i32
      %jit3A_188 = arith.constant 1 : i32
      %select_n3A_189 = arith.select %eq3A_187, %jit3A_188, %jit3A_185 : i32
      %rem3A_190 = arith.remsi %scan3A_172, %select_n3A_189 : i32
      %ne3A_191 = arith.constant 0 : i32
      %ne3A_192 = arith.cmpi ne, %rem3A_190, %ne3A_191 : i32
      %lt3A_193 = arith.constant 0 : i32
      %lt3A_194 = arith.cmpi slt, %rem3A_190, %lt3A_193 : i32
      %lt3A_195 = arith.constant 0 : i32
      %lt3A_196 = arith.cmpi slt, %select_n3A_189, %lt3A_195 : i32
      %ne3A_197 = arith.xori %lt3A_194, %lt3A_196 : i1
      %and3A_198 = arith.andi %ne3A_197, %ne3A_192 : i1
      %add3A_199 = arith.addi %rem3A_190, %select_n3A_189 : i32
      %select_n3A_200 = arith.select %and3A_198, %add3A_199, %rem3A_190 : i32
      %jit3A_201 = arith.constant 3 : i32
      %eq3A_202 = arith.constant 0 : i32
      %eq3A_203 = arith.cmpi eq, %jit3A_201, %eq3A_202 : i32
      %jit3A_204 = arith.constant 1 : i32
      %select_n3A_205 = arith.select %eq3A_203, %jit3A_204, %jit3A_201 : i32
      %rem3A_206 = arith.remsi %scan3A_172, %select_n3A_205 : i32
      %ne3A_207 = arith.constant 0 : i32
      %ne3A_208 = arith.cmpi ne, %rem3A_206, %ne3A_207 : i32
      %lt3A_209 = arith.constant 0 : i32
      %lt3A_210 = arith.cmpi slt, %rem3A_206, %lt3A_209 : i32
      %lt3A_211 = arith.constant 0 : i32
      %lt3A_212 = arith.cmpi slt, %select_n3A_205, %lt3A_211 : i32
      %ne3A_213 = arith.xori %lt3A_210, %lt3A_212 : i1
      %and3A_214 = arith.andi %ne3A_213, %ne3A_208 : i1
      %add3A_215 = arith.addi %rem3A_206, %select_n3A_205 : i32
      %select_n3A_216 = arith.select %and3A_214, %add3A_215, %rem3A_206 : i32
      %dma_wait3A_217 = arith.constant 0 : i32
      %dma_wait3A_218 = arith.constant 0 : i32
      %dma_wait3A_219 = arith.constant 0 : i32
      %dma_wait3A_220 = tpu.memref_slice %arg7[%select_n3A_216, %dma_wait3A_218, %dma_wait3A_219] : memref<3x512x64xf32, #tpu.memory_space<vmem>> -> memref<1x128x64xf32, #tpu.memory_space<vmem>>
      %dma_wait3A_221 = tpu.memref_squeeze %dma_wait3A_220 : memref<1x128x64xf32, #tpu.memory_space<vmem>> -> memref<128x64xf32, #tpu.memory_space<vmem>>
      %dma_wait3A_222 = arith.constant 0 : i32
      %dma_wait3A_223 = tpu.memref_slice %arg5[%select_n3A_200, %dma_wait3A_217, %dma_wait3A_222] : memref<3x4x128xi32, #tpu.memory_space<vmem>> -> memref<1x1x128xi32, #tpu.memory_space<vmem>>
      %dma_wait3A_224 = tpu.memref_squeeze %dma_wait3A_223 : memref<1x1x128xi32, #tpu.memory_space<vmem>> -> memref<128xi32, #tpu.memory_space<vmem>>
      %dma_wait3A_225 = arith.constant 0 : i32
      %dma_wait3A_226 = arith.constant 0 : i32
      %dma_wait3A_227 = tpu.memref_slice %arg2[%dma_wait3A_225, %dma_wait3A_226] : memref<100000x64xf32, #tpu.memory_space<hbm>> -> memref<100000x64xf32, #tpu.memory_space<hbm>>
      tpu.wait_indirect_dma semaphore(%arg8 : memref<!tpu.dma_semaphore, #tpu.memory_space<semaphore_mem>>) src(%dma_wait3A_227 : memref<100000x64xf32, #tpu.memory_space<hbm>>) dst(%dma_wait3A_221 : memref<128x64xf32, #tpu.memory_space<vmem>>)
      %jit3A_228 = arith.constant 3 : i32
      %eq3A_229 = arith.constant 0 : i32
      %eq3A_230 = arith.cmpi eq, %jit3A_228, %eq3A_229 : i32
      %jit3A_231 = arith.constant 1 : i32
      %select_n3A_232 = arith.select %eq3A_230, %jit3A_231, %jit3A_228 : i32
      %rem3A_233 = arith.remsi %scan3A_172, %select_n3A_232 : i32
      %ne3A_234 = arith.constant 0 : i32
      %ne3A_235 = arith.cmpi ne, %rem3A_233, %ne3A_234 : i32
      %lt3A_236 = arith.constant 0 : i32
      %lt3A_237 = arith.cmpi slt, %rem3A_233, %lt3A_236 : i32
      %lt3A_238 = arith.constant 0 : i32
      %lt3A_239 = arith.cmpi slt, %select_n3A_232, %lt3A_238 : i32
      %ne3A_240 = arith.xori %lt3A_237, %lt3A_239 : i1
      %and3A_241 = arith.andi %ne3A_240, %ne3A_235 : i1
      %add3A_242 = arith.addi %rem3A_233, %select_n3A_232 : i32
      %select_n3A_243 = arith.select %and3A_241, %add3A_242, %rem3A_233 : i32
      %jit3A_244 = arith.constant 3 : i32
      %eq3A_245 = arith.constant 0 : i32
      %eq3A_246 = arith.cmpi eq, %jit3A_244, %eq3A_245 : i32
      %jit3A_247 = arith.constant 1 : i32
      %select_n3A_248 = arith.select %eq3A_246, %jit3A_247, %jit3A_244 : i32
      %rem3A_249 = arith.remsi %scan3A_172, %select_n3A_248 : i32
      %ne3A_250 = arith.constant 0 : i32
      %ne3A_251 = arith.cmpi ne, %rem3A_249, %ne3A_250 : i32
      %lt3A_252 = arith.constant 0 : i32
      %lt3A_253 = arith.cmpi slt, %rem3A_249, %lt3A_252 : i32
      %lt3A_254 = arith.constant 0 : i32
      %lt3A_255 = arith.cmpi slt, %select_n3A_248, %lt3A_254 : i32
      %ne3A_256 = arith.xori %lt3A_253, %lt3A_255 : i1
      %and3A_257 = arith.andi %ne3A_256, %ne3A_251 : i1
      %add3A_258 = arith.addi %rem3A_249, %select_n3A_248 : i32
      %select_n3A_259 = arith.select %and3A_257, %add3A_258, %rem3A_249 : i32
      %dma_wait3A_260 = arith.constant 1 : i32
      %dma_wait3A_261 = arith.constant 128 : i32
      %dma_wait3A_262 = arith.constant 0 : i32
      %dma_wait3A_263 = tpu.memref_slice %arg7[%select_n3A_259, %dma_wait3A_261, %dma_wait3A_262] : memref<3x512x64xf32, #tpu.memory_space<vmem>> -> memref<1x128x64xf32, #tpu.memory_space<vmem>>
      %dma_wait3A_264 = tpu.memref_squeeze %dma_wait3A_263 : memref<1x128x64xf32, #tpu.memory_space<vmem>> -> memref<128x64xf32, #tpu.memory_space<vmem>>
      %dma_wait3A_265 = arith.constant 0 : i32
      %dma_wait3A_266 = tpu.memref_slice %arg5[%select_n3A_243, %dma_wait3A_260, %dma_wait3A_265] : memref<3x4x128xi32, #tpu.memory_space<vmem>> -> memref<1x1x128xi32, #tpu.memory_space<vmem>>
      %dma_wait3A_267 = tpu.memref_squeeze %dma_wait3A_266 : memref<1x1x128xi32, #tpu.memory_space<vmem>> -> memref<128xi32, #tpu.memory_space<vmem>>
      %dma_wait3A_268 = arith.constant 0 : i32
      %dma_wait3A_269 = arith.constant 0 : i32
      %dma_wait3A_270 = tpu.memref_slice %arg2[%dma_wait3A_268, %dma_wait3A_269] : memref<100000x64xf32, #tpu.memory_space<hbm>> -> memref<100000x64xf32, #tpu.memory_space<hbm>>
      tpu.wait_indirect_dma semaphore(%arg8 : memref<!tpu.dma_semaphore, #tpu.memory_space<semaphore_mem>>) src(%dma_wait3A_270 : memref<100000x64xf32, #tpu.memory_space<hbm>>) dst(%dma_wait3A_264 : memref<128x64xf32, #tpu.memory_space<vmem>>)
      %jit3A_271 = arith.constant 3 : i32
      %eq3A_272 = arith.constant 0 : i32
      %eq3A_273 = arith.cmpi eq, %jit3A_271, %eq3A_272 : i32
      %jit3A_274 = arith.constant 1 : i32
      %select_n3A_275 = arith.select %eq3A_273, %jit3A_274, %jit3A_271 : i32
      %rem3A_276 = arith.remsi %scan3A_172, %select_n3A_275 : i32
      %ne3A_277 = arith.constant 0 : i32
      %ne3A_278 = arith.cmpi ne, %rem3A_276, %ne3A_277 : i32
      %lt3A_279 = arith.constant 0 : i32
      %lt3A_280 = arith.cmpi slt, %rem3A_276, %lt3A_279 : i32
      %lt3A_281 = arith.constant 0 : i32
      %lt3A_282 = arith.cmpi slt, %select_n3A_275, %lt3A_281 : i32
      %ne3A_283 = arith.xori %lt3A_280, %lt3A_282 : i1
      %and3A_284 = arith.andi %ne3A_283, %ne3A_278 : i1
      %add3A_285 = arith.addi %rem3A_276, %select_n3A_275 : i32
      %select_n3A_286 = arith.select %and3A_284, %add3A_285, %rem3A_276 : i32
      %jit3A_287 = arith.constant 3 : i32
      %eq3A_288 = arith.constant 0 : i32
      %eq3A_289 = arith.cmpi eq, %jit3A_287, %eq3A_288 : i32
      %jit3A_290 = arith.constant 1 : i32
      %select_n3A_291 = arith.select %eq3A_289, %jit3A_290, %jit3A_287 : i32
      %rem3A_292 = arith.remsi %scan3A_172, %select_n3A_291 : i32
      %ne3A_293 = arith.constant 0 : i32
      %ne3A_294 = arith.cmpi ne, %rem3A_292, %ne3A_293 : i32
      %lt3A_295 = arith.constant 0 : i32
      %lt3A_296 = arith.cmpi slt, %rem3A_292, %lt3A_295 : i32
      %lt3A_297 = arith.constant 0 : i32
      %lt3A_298 = arith.cmpi slt, %select_n3A_291, %lt3A_297 : i32
      %ne3A_299 = arith.xori %lt3A_296, %lt3A_298 : i1
      %and3A_300 = arith.andi %ne3A_299, %ne3A_294 : i1
      %add3A_301 = arith.addi %rem3A_292, %select_n3A_291 : i32
      %select_n3A_302 = arith.select %and3A_300, %add3A_301, %rem3A_292 : i32
      %dma_wait3A_303 = arith.constant 2 : i32
      %dma_wait3A_304 = arith.constant 256 : i32
      %dma_wait3A_305 = arith.constant 0 : i32
      %dma_wait3A_306 = tpu.memref_slice %arg7[%select_n3A_302, %dma_wait3A_304, %dma_wait3A_305] : memref<3x512x64xf32, #tpu.memory_space<vmem>> -> memref<1x128x64xf32, #tpu.memory_space<vmem>>
      %dma_wait3A_307 = tpu.memref_squeeze %dma_wait3A_306 : memref<1x128x64xf32, #tpu.memory_space<vmem>> -> memref<128x64xf32, #tpu.memory_space<vmem>>
      %dma_wait3A_308 = arith.constant 0 : i32
      %dma_wait3A_309 = tpu.memref_slice %arg5[%select_n3A_286, %dma_wait3A_303, %dma_wait3A_308] : memref<3x4x128xi32, #tpu.memory_space<vmem>> -> memref<1x1x128xi32, #tpu.memory_space<vmem>>
      %dma_wait3A_310 = tpu.memref_squeeze %dma_wait3A_309 : memref<1x1x128xi32, #tpu.memory_space<vmem>> -> memref<128xi32, #tpu.memory_space<vmem>>
      %dma_wait3A_311 = arith.constant 0 : i32
      %dma_wait3A_312 = arith.constant 0 : i32
      %dma_wait3A_313 = tpu.memref_slice %arg2[%dma_wait3A_311, %dma_wait3A_312] : memref<100000x64xf32, #tpu.memory_space<hbm>> -> memref<100000x64xf32, #tpu.memory_space<hbm>>
      tpu.wait_indirect_dma semaphore(%arg8 : memref<!tpu.dma_semaphore, #tpu.memory_space<semaphore_mem>>) src(%dma_wait3A_313 : memref<100000x64xf32, #tpu.memory_space<hbm>>) dst(%dma_wait3A_307 : memref<128x64xf32, #tpu.memory_space<vmem>>)
      %jit3A_314 = arith.constant 3 : i32
      %eq3A_315 = arith.constant 0 : i32
      %eq3A_316 = arith.cmpi eq, %jit3A_314, %eq3A_315 : i32
      %jit3A_317 = arith.constant 1 : i32
      %select_n3A_318 = arith.select %eq3A_316, %jit3A_317, %jit3A_314 : i32
      %rem3A_319 = arith.remsi %scan3A_172, %select_n3A_318 : i32
      %ne3A_320 = arith.constant 0 : i32
      %ne3A_321 = arith.cmpi ne, %rem3A_319, %ne3A_320 : i32
      %lt3A_322 = arith.constant 0 : i32
      %lt3A_323 = arith.cmpi slt, %rem3A_319, %lt3A_322 : i32
      %lt3A_324 = arith.constant 0 : i32
      %lt3A_325 = arith.cmpi slt, %select_n3A_318, %lt3A_324 : i32
      %ne3A_326 = arith.xori %lt3A_323, %lt3A_325 : i1
      %and3A_327 = arith.andi %ne3A_326, %ne3A_321 : i1
      %add3A_328 = arith.addi %rem3A_319, %select_n3A_318 : i32
      %select_n3A_329 = arith.select %and3A_327, %add3A_328, %rem3A_319 : i32
      %jit3A_330 = arith.constant 3 : i32
      %eq3A_331 = arith.constant 0 : i32
      %eq3A_332 = arith.cmpi eq, %jit3A_330, %eq3A_331 : i32
      %jit3A_333 = arith.constant 1 : i32
      %select_n3A_334 = arith.select %eq3A_332, %jit3A_333, %jit3A_330 : i32
      %rem3A_335 = arith.remsi %scan3A_172, %select_n3A_334 : i32
      %ne3A_336 = arith.constant 0 : i32
      %ne3A_337 = arith.cmpi ne, %rem3A_335, %ne3A_336 : i32
      %lt3A_338 = arith.constant 0 : i32
      %lt3A_339 = arith.cmpi slt, %rem3A_335, %lt3A_338 : i32
      %lt3A_340 = arith.constant 0 : i32
      %lt3A_341 = arith.cmpi slt, %select_n3A_334, %lt3A_340 : i32
      %ne3A_342 = arith.xori %lt3A_339, %lt3A_341 : i1
      %and3A_343 = arith.andi %ne3A_342, %ne3A_337 : i1
      %add3A_344 = arith.addi %rem3A_335, %select_n3A_334 : i32
      %select_n3A_345 = arith.select %and3A_343, %add3A_344, %rem3A_335 : i32
      %dma_wait3A_346 = arith.constant 3 : i32
      %dma_wait3A_347 = arith.constant 384 : i32
      %dma_wait3A_348 = arith.constant 0 : i32
      %dma_wait3A_349 = tpu.memref_slice %arg7[%select_n3A_345, %dma_wait3A_347, %dma_wait3A_348] : memref<3x512x64xf32, #tpu.memory_space<vmem>> -> memref<1x128x64xf32, #tpu.memory_space<vmem>>
      %dma_wait3A_350 = tpu.memref_squeeze %dma_wait3A_349 : memref<1x128x64xf32, #tpu.memory_space<vmem>> -> memref<128x64xf32, #tpu.memory_space<vmem>>
      %dma_wait3A_351 = arith.constant 0 : i32
      %dma_wait3A_352 = tpu.memref_slice %arg5[%select_n3A_329, %dma_wait3A_346, %dma_wait3A_351] : memref<3x4x128xi32, #tpu.memory_space<vmem>> -> memref<1x1x128xi32, #tpu.memory_space<vmem>>
      %dma_wait3A_353 = tpu.memref_squeeze %dma_wait3A_352 : memref<1x1x128xi32, #tpu.memory_space<vmem>> -> memref<128xi32, #tpu.memory_space<vmem>>
      %dma_wait3A_354 = arith.constant 0 : i32
      %dma_wait3A_355 = arith.constant 0 : i32
      %dma_wait3A_356 = tpu.memref_slice %arg2[%dma_wait3A_354, %dma_wait3A_355] : memref<100000x64xf32, #tpu.memory_space<hbm>> -> memref<100000x64xf32, #tpu.memory_space<hbm>>
      tpu.wait_indirect_dma semaphore(%arg8 : memref<!tpu.dma_semaphore, #tpu.memory_space<semaphore_mem>>) src(%dma_wait3A_356 : memref<100000x64xf32, #tpu.memory_space<hbm>>) dst(%dma_wait3A_350 : memref<128x64xf32, #tpu.memory_space<vmem>>)
      %jit3A_357 = arith.constant 3 : i32
      %eq3A_358 = arith.constant 0 : i32
      %eq3A_359 = arith.cmpi eq, %jit3A_357, %eq3A_358 : i32
      %jit3A_360 = arith.constant 1 : i32
      %select_n3A_361 = arith.select %eq3A_359, %jit3A_360, %jit3A_357 : i32
      %rem3A_362 = arith.remsi %scan3A_172, %select_n3A_361 : i32
      %ne3A_363 = arith.constant 0 : i32
      %ne3A_364 = arith.cmpi ne, %rem3A_362, %ne3A_363 : i32
      %lt3A_365 = arith.constant 0 : i32
      %lt3A_366 = arith.cmpi slt, %rem3A_362, %lt3A_365 : i32
      %lt3A_367 = arith.constant 0 : i32
      %lt3A_368 = arith.cmpi slt, %select_n3A_361, %lt3A_367 : i32
      %ne3A_369 = arith.xori %lt3A_366, %lt3A_368 : i1
      %and3A_370 = arith.andi %ne3A_369, %ne3A_364 : i1
      %add3A_371 = arith.addi %rem3A_362, %select_n3A_361 : i32
      %select_n3A_372 = arith.select %and3A_370, %add3A_371, %rem3A_362 : i32
      %mul3A_373 = arith.constant 4 : i32
      %mul3A_374 = arith.muli %scan3A_172, %mul3A_373 : i32
      %add3A_375 = arith.addi %mul3A_45, %mul3A_374 : i32
      %mul3A_376 = arith.constant 128 : i32
      %mul3A_377 = arith.muli %add3A_375, %mul3A_376 : i32
      %dma_start3A_378 = arith.constant 0 : i32
      %dma_start3A_379 = arith.constant 0 : i32
      %dma_start3A_380 = tpu.memref_slice %arg7[%select_n3A_372, %dma_start3A_378, %dma_start3A_379] : memref<3x512x64xf32, #tpu.memory_space<vmem>> -> memref<1x512x64xf32, #tpu.memory_space<vmem>>
      %dma_start3A_381 = tpu.memref_squeeze %dma_start3A_380 : memref<1x512x64xf32, #tpu.memory_space<vmem>> -> memref<512x64xf32, #tpu.memory_space<vmem>>
      %dma_start3A_382 = arith.constant 0 : i32
      %dma_start3A_383 = tpu.memref_slice %arg4[%mul3A_377, %dma_start3A_382] : memref<655360x64xf32, #tpu.memory_space<hbm>> -> memref<512x64xf32, #tpu.memory_space<hbm>>
      %dma_start3A_384 = arith.constant 0 : i32
      %dma_start3A_385 = tpu.memref_slice %arg4[%mul3A_377, %dma_start3A_384] : memref<655360x64xf32, #tpu.memory_space<hbm>> -> memref<512x64xf32, #tpu.memory_space<hbm>>
      %dma_start3A_386 = arith.constant 0 : i32
      %dma_start3A_387 = arith.constant 0 : i32
      %dma_start3A_388 = tpu.memref_slice %arg7[%select_n3A_372, %dma_start3A_386, %dma_start3A_387] : memref<3x512x64xf32, #tpu.memory_space<vmem>> -> memref<1x512x64xf32, #tpu.memory_space<vmem>>
      %dma_start3A_389 = tpu.memref_squeeze %dma_start3A_388 : memref<1x512x64xf32, #tpu.memory_space<vmem>> -> memref<512x64xf32, #tpu.memory_space<vmem>>
      tpu.enqueue_dma source(%dma_start3A_389 : memref<512x64xf32, #tpu.memory_space<vmem>>) target(%dma_start3A_385 : memref<512x64xf32, #tpu.memory_space<hbm>>) target_semaphore(%arg9 : memref<!tpu.dma_semaphore, #tpu.memory_space<semaphore_mem>>)
    }
    %scan3A_138 = arith.constant 40 : i32
    %add3A_139 = arith.constant 152 : i32
    %add3A_140 = arith.addi %mul3A_45, %add3A_139 : i32
    %mul3A_141 = arith.constant 128 : i32
    %mul3A_142 = arith.muli %add3A_140, %mul3A_141 : i32
    %dma_wait3A = arith.constant 2 : i32
    %dma_wait3A_143 = arith.constant 0 : i32
    %dma_wait3A_144 = arith.constant 0 : i32
    %dma_wait3A_145 = tpu.memref_slice %arg7[%dma_wait3A, %dma_wait3A_143, %dma_wait3A_144] : memref<3x512x64xf32, #tpu.memory_space<vmem>> -> memref<1x512x64xf32, #tpu.memory_space<vmem>>
    %dma_wait3A_146 = tpu.memref_squeeze %dma_wait3A_145 : memref<1x512x64xf32, #tpu.memory_space<vmem>> -> memref<512x64xf32, #tpu.memory_space<vmem>>
    %dma_wait3A_147 = arith.constant 0 : i32
    %dma_wait3A_148 = tpu.memref_slice %arg4[%mul3A_142, %dma_wait3A_147] : memref<655360x64xf32, #tpu.memory_space<hbm>> -> memref<512x64xf32, #tpu.memory_space<hbm>>
    %dma_wait3A_149 = arith.constant 0 : i32
    %dma_wait3A_150 = tpu.memref_slice %arg4[%mul3A_142, %dma_wait3A_149] : memref<655360x64xf32, #tpu.memory_space<hbm>> -> memref<512x64xf32, #tpu.memory_space<hbm>>
    %dma_wait3A_151 = arith.constant 0 : i32
    %dma_wait3A_152 = arith.constant 0 : i32
    %dma_wait3A_153 = tpu.memref_slice %arg7[%dma_wait3A, %dma_wait3A_151, %dma_wait3A_152] : memref<3x512x64xf32, #tpu.memory_space<vmem>> -> memref<1x512x64xf32, #tpu.memory_space<vmem>>
    %dma_wait3A_154 = tpu.memref_squeeze %dma_wait3A_153 : memref<1x512x64xf32, #tpu.memory_space<vmem>> -> memref<512x64xf32, #tpu.memory_space<vmem>>
    tpu.wait_dma2 semaphore(%arg9 : memref<!tpu.dma_semaphore, #tpu.memory_space<semaphore_mem>>) src(%dma_wait3A_154 : memref<512x64xf32, #tpu.memory_space<vmem>>) dst(%dma_wait3A_150 : memref<512x64xf32, #tpu.memory_space<hbm>>)
    %add3A_155 = arith.constant 156 : i32
    %add3A_156 = arith.addi %mul3A_45, %add3A_155 : i32
    %mul3A_157 = arith.constant 128 : i32
    %mul3A_158 = arith.muli %add3A_156, %mul3A_157 : i32
    %dma_wait3A_159 = arith.constant 0 : i32
    %dma_wait3A_160 = arith.constant 0 : i32
    %dma_wait3A_161 = arith.constant 0 : i32
    %dma_wait3A_162 = tpu.memref_slice %arg7[%dma_wait3A_159, %dma_wait3A_160, %dma_wait3A_161] : memref<3x512x64xf32, #tpu.memory_space<vmem>> -> memref<1x512x64xf32, #tpu.memory_space<vmem>>
    %dma_wait3A_163 = tpu.memref_squeeze %dma_wait3A_162 : memref<1x512x64xf32, #tpu.memory_space<vmem>> -> memref<512x64xf32, #tpu.memory_space<vmem>>
    %dma_wait3A_164 = arith.constant 0 : i32
    %dma_wait3A_165 = tpu.memref_slice %arg4[%mul3A_158, %dma_wait3A_164] : memref<655360x64xf32, #tpu.memory_space<hbm>> -> memref<512x64xf32, #tpu.memory_space<hbm>>
    %dma_wait3A_166 = arith.constant 0 : i32
    %dma_wait3A_167 = tpu.memref_slice %arg4[%mul3A_158, %dma_wait3A_166] : memref<655360x64xf32, #tpu.memory_space<hbm>> -> memref<512x64xf32, #tpu.memory_space<hbm>>
    %dma_wait3A_168 = arith.constant 0 : i32
    %dma_wait3A_169 = arith.constant 0 : i32
    %dma_wait3A_170 = tpu.memref_slice %arg7[%dma_wait3A_159, %dma_wait3A_168, %dma_wait3A_169] : memref<3x512x64xf32, #tpu.memory_space<vmem>> -> memref<1x512x64xf32, #tpu.memory_space<vmem>>
    %dma_wait3A_171 = tpu.memref_squeeze %dma_wait3A_170 : memref<1x512x64xf32, #tpu.memory_space<vmem>> -> memref<512x64xf32, #tpu.memory_space<vmem>>
    tpu.wait_dma2 semaphore(%arg9 : memref<!tpu.dma_semaphore, #tpu.memory_space<semaphore_mem>>) src(%dma_wait3A_171 : memref<512x64xf32, #tpu.memory_space<vmem>>) dst(%dma_wait3A_167 : memref<512x64xf32, #tpu.memory_space<hbm>>)
    return
  }
}

#map = affine_map<(d0, d1) -> (0, 0)>
#map1 = affine_map<(d0, d1) -> (0, 0, 0)>
module attributes {stable_mosaic.version = 14 : i64} {
  func.func @k(%arg0: i32, %arg1: i32, %arg2: memref<100000x64xf32, #tpu.memory_space<hbm>>, %arg3: memref<50x4096xi32, #tpu.memory_space<hbm>>, %arg4: memref<50x16x4096xf32, #tpu.memory_space<hbm>>, %arg5: memref<50x80x4096xf32, #tpu.memory_space<hbm>>, %arg6: memref<50x128xi32, #tpu.memory_space<vmem>>, %arg7: memref<2x128x64xf32, #tpu.memory_space<vmem>>, %arg8: memref<3x1x80x128xf32, #tpu.memory_space<vmem>>, %arg9: memref<!tpu.dma_semaphore, #tpu.memory_space<semaphore_mem>>, %arg10: memref<!tpu.dma_semaphore, #tpu.memory_space<semaphore_mem>>, %arg11: memref<!tpu.dma_semaphore, #tpu.memory_space<semaphore_mem>>) attributes {dimension_semantics = [#tpu.dimension_semantics<core_parallel>, #tpu.dimension_semantics<subcore_parallel>], iteration_bounds = array<i64: 2, 16>, scalar_prefetch = 0 : i64, scratch_operands = 6 : i64, tpu.core_type = #tpu.core_type<sc_vector_subcore>, window_params = [{transform_indices = #map}, {transform_indices = #map}, {transform_indices = #map1}, {transform_indices = #map1}]} {
    %mul3A = arith.constant 2 : i32
    %mul3A_0 = arith.muli %arg1, %mul3A : i32
    %add3A = arith.addi %mul3A_0, %arg0 : i32
    %iota3A = tpu.iota {dimensions = array<i32: 0>} : vector<16xi32>
    %mul3A_1 = arith.constant 50 : i32
    %mul3A_2 = arith.muli %add3A, %mul3A_1 : i32
    %scan3A = arith.constant 0 : i32
    %scan3A_3 = arith.constant 0 : i32
    %scan3A_4 = arith.constant 50 : i32
    %scan3A_5 = arith.addi %scan3A_3, %scan3A_4 : i32
    %scan3A_6 = arith.constant 1 : i32
    scf.for %scan3A_154 = %scan3A_3 to %scan3A_5 step %scan3A_6  : i32 {
      %add3A_155 = arith.addi %mul3A_2, %scan3A_154 : i32
      %jit3A_156 = arith.constant 32 : i32
      %div3A_157 = arith.divsi %add3A_155, %jit3A_156 : i32
      %sign3A_158 = arith.constant 0 : i32
      %sign3A_159 = arith.cmpi sgt, %add3A_155, %sign3A_158 : i32
      %sign3A_160 = arith.extui %sign3A_159 : i1 to i32
      %sign3A_161 = arith.constant 0 : i32
      %sign3A_162 = arith.cmpi slt, %add3A_155, %sign3A_161 : i32
      %sign3A_163 = arith.extui %sign3A_162 : i1 to i32
      %sign3A_164 = arith.subi %sign3A_160, %sign3A_163 : i32
      %sign3A_165 = arith.constant 0 : i32
      %sign3A_166 = arith.cmpi sgt, %jit3A_156, %sign3A_165 : i32
      %sign3A_167 = arith.extui %sign3A_166 : i1 to i32
      %sign3A_168 = arith.constant 0 : i32
      %sign3A_169 = arith.cmpi slt, %jit3A_156, %sign3A_168 : i32
      %sign3A_170 = arith.extui %sign3A_169 : i1 to i32
      %sign3A_171 = arith.subi %sign3A_167, %sign3A_170 : i32
      %ne3A_172 = arith.cmpi ne, %sign3A_164, %sign3A_171 : i32
      %rem3A_173 = arith.remsi %add3A_155, %jit3A_156 : i32
      %ne3A_174 = arith.constant 0 : i32
      %ne3A_175 = arith.cmpi ne, %rem3A_173, %ne3A_174 : i32
      %and3A_176 = arith.andi %ne3A_172, %ne3A_175 : i1
      %sub3A_177 = arith.constant 1 : i32
      %sub3A_178 = arith.subi %div3A_157, %sub3A_177 : i32
      %select_n3A_179 = arith.select %and3A_176, %sub3A_178, %div3A_157 : i32
      %mul3A_180 = arith.constant 32 : i32
      %mul3A_181 = arith.muli %select_n3A_179, %mul3A_180 : i32
      %sub3A_182 = arith.subi %add3A_155, %mul3A_181 : i32
      %mul3A_183 = arith.constant 128 : i32
      %mul3A_184 = arith.muli %sub3A_182, %mul3A_183 : i32
      "tpu.region"() ({
        %run_scoped3A = tpu.sem_alloc : memref<!tpu.dma_semaphore, #tpu.memory_space<semaphore_mem>>
        %dma_start3A_185 = arith.constant 0 : i32
        %dma_start3A_186 = tpu.memref_slice %arg6[%scan3A_154, %dma_start3A_185] : memref<50x128xi32, #tpu.memory_space<vmem>> -> memref<1x128xi32, #tpu.memory_space<vmem>>
        %dma_start3A_187 = tpu.memref_slice %arg3[%select_n3A_179, %mul3A_184] : memref<50x4096xi32, #tpu.memory_space<hbm>> -> memref<1x128xi32, #tpu.memory_space<hbm>>
        %dma_start3A_188 = arith.constant 0 : i32
        %dma_start3A_189 = tpu.memref_slice %arg6[%scan3A_154, %dma_start3A_188] : memref<50x128xi32, #tpu.memory_space<vmem>> -> memref<1x128xi32, #tpu.memory_space<vmem>>
        %dma_start3A_190 = tpu.memref_slice %arg3[%select_n3A_179, %mul3A_184] : memref<50x4096xi32, #tpu.memory_space<hbm>> -> memref<1x128xi32, #tpu.memory_space<hbm>>
        tpu.enqueue_dma source(%dma_start3A_190 : memref<1x128xi32, #tpu.memory_space<hbm>>) target(%dma_start3A_189 : memref<1x128xi32, #tpu.memory_space<vmem>>) target_semaphore(%run_scoped3A : memref<!tpu.dma_semaphore, #tpu.memory_space<semaphore_mem>>)
        %dma_wait3A_191 = arith.constant 0 : i32
        %dma_wait3A_192 = tpu.memref_slice %arg6[%scan3A_154, %dma_wait3A_191] : memref<50x128xi32, #tpu.memory_space<vmem>> -> memref<1x128xi32, #tpu.memory_space<vmem>>
        %dma_wait3A_193 = tpu.memref_slice %arg3[%select_n3A_179, %mul3A_184] : memref<50x4096xi32, #tpu.memory_space<hbm>> -> memref<1x128xi32, #tpu.memory_space<hbm>>
        %dma_wait3A_194 = arith.constant 0 : i32
        %dma_wait3A_195 = tpu.memref_slice %arg6[%scan3A_154, %dma_wait3A_194] : memref<50x128xi32, #tpu.memory_space<vmem>> -> memref<1x128xi32, #tpu.memory_space<vmem>>
        %dma_wait3A_196 = tpu.memref_slice %arg3[%select_n3A_179, %mul3A_184] : memref<50x4096xi32, #tpu.memory_space<hbm>> -> memref<1x128xi32, #tpu.memory_space<hbm>>
        tpu.wait_dma2 semaphore(%run_scoped3A : memref<!tpu.dma_semaphore, #tpu.memory_space<semaphore_mem>>) src(%dma_wait3A_196 : memref<1x128xi32, #tpu.memory_space<hbm>>) dst(%dma_wait3A_195 : memref<1x128xi32, #tpu.memory_space<vmem>>)
        tpu.yield
      }) : () -> ()
    }
    %scan3A_7 = arith.constant 50 : i32
    %add3A_8 = arith.constant 0 : i32
    %add3A_9 = arith.addi %mul3A_2, %add3A_8 : i32
    %jit3A = arith.constant 32 : i32
    %div3A = arith.divsi %add3A_9, %jit3A : i32
    %sign3A = arith.constant 0 : i32
    %sign3A_10 = arith.cmpi sgt, %add3A_9, %sign3A : i32
    %sign3A_11 = arith.extui %sign3A_10 : i1 to i32
    %sign3A_12 = arith.constant 0 : i32
    %sign3A_13 = arith.cmpi slt, %add3A_9, %sign3A_12 : i32
    %sign3A_14 = arith.extui %sign3A_13 : i1 to i32
    %sign3A_15 = arith.subi %sign3A_11, %sign3A_14 : i32
    %sign3A_16 = arith.constant 0 : i32
    %sign3A_17 = arith.cmpi sgt, %jit3A, %sign3A_16 : i32
    %sign3A_18 = arith.extui %sign3A_17 : i1 to i32
    %sign3A_19 = arith.constant 0 : i32
    %sign3A_20 = arith.cmpi slt, %jit3A, %sign3A_19 : i32
    %sign3A_21 = arith.extui %sign3A_20 : i1 to i32
    %sign3A_22 = arith.subi %sign3A_18, %sign3A_21 : i32
    %ne3A = arith.cmpi ne, %sign3A_15, %sign3A_22 : i32
    %rem3A = arith.remsi %add3A_9, %jit3A : i32
    %ne3A_23 = arith.constant 0 : i32
    %ne3A_24 = arith.cmpi ne, %rem3A, %ne3A_23 : i32
    %and3A = arith.andi %ne3A, %ne3A_24 : i1
    %sub3A = arith.constant 1 : i32
    %sub3A_25 = arith.subi %div3A, %sub3A : i32
    %select_n3A = arith.select %and3A, %sub3A_25, %div3A : i32
    %mul3A_26 = arith.constant 32 : i32
    %mul3A_27 = arith.muli %select_n3A, %mul3A_26 : i32
    %sub3A_28 = arith.subi %add3A_9, %mul3A_27 : i32
    %mul3A_29 = arith.constant 128 : i32
    %mul3A_30 = arith.muli %sub3A_28, %mul3A_29 : i32
    %dma_start3A = arith.constant 0 : i32
    %dma_start3A_31 = arith.constant 0 : i32
    %dma_start3A_32 = arith.constant 0 : i32
    %dma_start3A_33 = arith.constant 0 : i32
    %dma_start3A_34 = tpu.memref_slice %arg7[%dma_start3A_31, %dma_start3A_32, %dma_start3A_33] : memref<2x128x64xf32, #tpu.memory_space<vmem>> -> memref<1x128x64xf32, #tpu.memory_space<vmem>>
    %dma_start3A_35 = tpu.memref_squeeze %dma_start3A_34 : memref<1x128x64xf32, #tpu.memory_space<vmem>> -> memref<128x64xf32, #tpu.memory_space<vmem>>
    %dma_start3A_36 = arith.constant 0 : i32
    %dma_start3A_37 = tpu.memref_slice %arg6[%dma_start3A, %dma_start3A_36] : memref<50x128xi32, #tpu.memory_space<vmem>> -> memref<1x128xi32, #tpu.memory_space<vmem>>
    %dma_start3A_38 = tpu.memref_squeeze %dma_start3A_37 : memref<1x128xi32, #tpu.memory_space<vmem>> -> memref<128xi32, #tpu.memory_space<vmem>>
    %dma_start3A_39 = arith.constant 0 : i32
    %dma_start3A_40 = arith.constant 0 : i32
    %dma_start3A_41 = tpu.memref_slice %arg2[%dma_start3A_39, %dma_start3A_40] : memref<100000x64xf32, #tpu.memory_space<hbm>> -> memref<100000x64xf32, #tpu.memory_space<hbm>>
    tpu.enqueue_indirect_dma source(%dma_start3A_41 : memref<100000x64xf32, #tpu.memory_space<hbm>>) target(%dma_start3A_35 : memref<128x64xf32, #tpu.memory_space<vmem>>) offsets(%dma_start3A_38 : memref<128xi32, #tpu.memory_space<vmem>>) semaphore(%arg9 : memref<!tpu.dma_semaphore, #tpu.memory_space<semaphore_mem>>)
    %dma_start3A_42 = arith.constant 0 : i32
    %dma_start3A_43 = arith.constant 0 : i32
    %dma_start3A_44 = arith.constant 64 : i32
    %dma_start3A_45 = arith.constant 0 : i32
    %dma_start3A_46 = tpu.memref_slice %arg8[%dma_start3A_42, %dma_start3A_43, %dma_start3A_44, %dma_start3A_45] : memref<3x1x80x128xf32, #tpu.memory_space<vmem>> -> memref<1x1x16x128xf32, #tpu.memory_space<vmem>>
    %dma_start3A_47 = tpu.memref_squeeze %dma_start3A_46 : memref<1x1x16x128xf32, #tpu.memory_space<vmem>> -> memref<1x16x128xf32, #tpu.memory_space<vmem>>
    %dma_start3A_48 = arith.constant 0 : i32
    %dma_start3A_49 = tpu.memref_slice %arg4[%select_n3A, %dma_start3A_48, %mul3A_30] : memref<50x16x4096xf32, #tpu.memory_space<hbm>> -> memref<1x16x128xf32, #tpu.memory_space<hbm>>
    %dma_start3A_50 = arith.constant 0 : i32
    %dma_start3A_51 = arith.constant 64 : i32
    %dma_start3A_52 = arith.constant 0 : i32
    %dma_start3A_53 = tpu.memref_slice %arg8[%dma_start3A_42, %dma_start3A_50, %dma_start3A_51, %dma_start3A_52] : memref<3x1x80x128xf32, #tpu.memory_space<vmem>> -> memref<1x1x16x128xf32, #tpu.memory_space<vmem>>
    %dma_start3A_54 = tpu.memref_squeeze %dma_start3A_53 : memref<1x1x16x128xf32, #tpu.memory_space<vmem>> -> memref<1x16x128xf32, #tpu.memory_space<vmem>>
    %dma_start3A_55 = arith.constant 0 : i32
    %dma_start3A_56 = tpu.memref_slice %arg4[%select_n3A, %dma_start3A_55, %mul3A_30] : memref<50x16x4096xf32, #tpu.memory_space<hbm>> -> memref<1x16x128xf32, #tpu.memory_space<hbm>>
    tpu.enqueue_dma source(%dma_start3A_56 : memref<1x16x128xf32, #tpu.memory_space<hbm>>) target(%dma_start3A_54 : memref<1x16x128xf32, #tpu.memory_space<vmem>>) target_semaphore(%arg10 : memref<!tpu.dma_semaphore, #tpu.memory_space<semaphore_mem>>)
    %scan3A_57 = arith.constant 0 : i32
    %scan3A_58 = arith.constant 0 : i32
    %scan3A_59 = arith.constant 50 : i32
    %scan3A_60 = arith.addi %scan3A_58, %scan3A_59 : i32
    %scan3A_61 = arith.constant 1 : i32
    scf.for %scan3A_154 = %scan3A_58 to %scan3A_60 step %scan3A_61  : i32 {
      %add3A_155 = arith.addi %mul3A_2, %scan3A_154 : i32
      %jit3A_156 = arith.constant 32 : i32
      %div3A_157 = arith.divsi %add3A_155, %jit3A_156 : i32
      %sign3A_158 = arith.constant 0 : i32
      %sign3A_159 = arith.cmpi sgt, %add3A_155, %sign3A_158 : i32
      %sign3A_160 = arith.extui %sign3A_159 : i1 to i32
      %sign3A_161 = arith.constant 0 : i32
      %sign3A_162 = arith.cmpi slt, %add3A_155, %sign3A_161 : i32
      %sign3A_163 = arith.extui %sign3A_162 : i1 to i32
      %sign3A_164 = arith.subi %sign3A_160, %sign3A_163 : i32
      %sign3A_165 = arith.constant 0 : i32
      %sign3A_166 = arith.cmpi sgt, %jit3A_156, %sign3A_165 : i32
      %sign3A_167 = arith.extui %sign3A_166 : i1 to i32
      %sign3A_168 = arith.constant 0 : i32
      %sign3A_169 = arith.cmpi slt, %jit3A_156, %sign3A_168 : i32
      %sign3A_170 = arith.extui %sign3A_169 : i1 to i32
      %sign3A_171 = arith.subi %sign3A_167, %sign3A_170 : i32
      %ne3A_172 = arith.cmpi ne, %sign3A_164, %sign3A_171 : i32
      %rem3A_173 = arith.remsi %add3A_155, %jit3A_156 : i32
      %ne3A_174 = arith.constant 0 : i32
      %ne3A_175 = arith.cmpi ne, %rem3A_173, %ne3A_174 : i32
      %and3A_176 = arith.andi %ne3A_172, %ne3A_175 : i1
      %sub3A_177 = arith.constant 1 : i32
      %sub3A_178 = arith.subi %div3A_157, %sub3A_177 : i32
      %select_n3A_179 = arith.select %and3A_176, %sub3A_178, %div3A_157 : i32
      %mul3A_180 = arith.constant 32 : i32
      %mul3A_181 = arith.muli %select_n3A_179, %mul3A_180 : i32
      %sub3A_182 = arith.subi %add3A_155, %mul3A_181 : i32
      %mul3A_183 = arith.constant 128 : i32
      %mul3A_184 = arith.muli %sub3A_182, %mul3A_183 : i32
      %jit3A_185 = arith.constant 3 : i32
      %eq3A = arith.constant 0 : i32
      %eq3A_186 = arith.cmpi eq, %jit3A_185, %eq3A : i32
      %jit3A_187 = arith.constant 1 : i32
      %select_n3A_188 = arith.select %eq3A_186, %jit3A_187, %jit3A_185 : i32
      %rem3A_189 = arith.remsi %scan3A_154, %select_n3A_188 : i32
      %ne3A_190 = arith.constant 0 : i32
      %ne3A_191 = arith.cmpi ne, %rem3A_189, %ne3A_190 : i32
      %lt3A = arith.constant 0 : i32
      %lt3A_192 = arith.cmpi slt, %rem3A_189, %lt3A : i32
      %lt3A_193 = arith.constant 0 : i32
      %lt3A_194 = arith.cmpi slt, %select_n3A_188, %lt3A_193 : i32
      %ne3A_195 = arith.xori %lt3A_192, %lt3A_194 : i1
      %and3A_196 = arith.andi %ne3A_195, %ne3A_191 : i1
      %add3A_197 = arith.addi %rem3A_189, %select_n3A_188 : i32
      %select_n3A_198 = arith.select %and3A_196, %add3A_197, %rem3A_189 : i32
      %ge3A = arith.constant 2 : i32
      %ge3A_199 = arith.cmpi sge, %scan3A_154, %ge3A : i32
      %convert_element_type3A = arith.extui %ge3A_199 : i1 to i32
      %cond3A = arith.constant 0 : i32
      %cond3A_200 = arith.cmpi ne, %convert_element_type3A, %cond3A : i32
      scf.if %cond3A_200 {
        %sub3A_283 = arith.constant 2 : i32
        %sub3A_284 = arith.subi %scan3A_154, %sub3A_283 : i32
        %add3A_285 = arith.addi %mul3A_2, %sub3A_284 : i32
        %jit3A_286 = arith.constant 32 : i32
        %div3A_287 = arith.divsi %add3A_285, %jit3A_286 : i32
        %sign3A_288 = arith.constant 0 : i32
        %sign3A_289 = arith.cmpi sgt, %add3A_285, %sign3A_288 : i32
        %sign3A_290 = arith.extui %sign3A_289 : i1 to i32
        %sign3A_291 = arith.constant 0 : i32
        %sign3A_292 = arith.cmpi slt, %add3A_285, %sign3A_291 : i32
        %sign3A_293 = arith.extui %sign3A_292 : i1 to i32
        %sign3A_294 = arith.subi %sign3A_290, %sign3A_293 : i32
        %sign3A_295 = arith.constant 0 : i32
        %sign3A_296 = arith.cmpi sgt, %jit3A_286, %sign3A_295 : i32
        %sign3A_297 = arith.extui %sign3A_296 : i1 to i32
        %sign3A_298 = arith.constant 0 : i32
        %sign3A_299 = arith.cmpi slt, %jit3A_286, %sign3A_298 : i32
        %sign3A_300 = arith.extui %sign3A_299 : i1 to i32
        %sign3A_301 = arith.subi %sign3A_297, %sign3A_300 : i32
        %ne3A_302 = arith.cmpi ne, %sign3A_294, %sign3A_301 : i32
        %rem3A_303 = arith.remsi %add3A_285, %jit3A_286 : i32
        %ne3A_304 = arith.constant 0 : i32
        %ne3A_305 = arith.cmpi ne, %rem3A_303, %ne3A_304 : i32
        %and3A_306 = arith.andi %ne3A_302, %ne3A_305 : i1
        %sub3A_307 = arith.constant 1 : i32
        %sub3A_308 = arith.subi %div3A_287, %sub3A_307 : i32
        %select_n3A_309 = arith.select %and3A_306, %sub3A_308, %div3A_287 : i32
        %mul3A_310 = arith.constant 32 : i32
        %mul3A_311 = arith.muli %select_n3A_309, %mul3A_310 : i32
        %sub3A_312 = arith.subi %add3A_285, %mul3A_311 : i32
        %mul3A_313 = arith.constant 128 : i32
        %mul3A_314 = arith.muli %sub3A_312, %mul3A_313 : i32
        %jit3A_315 = arith.constant 3 : i32
        %eq3A_316 = arith.constant 0 : i32
        %eq3A_317 = arith.cmpi eq, %jit3A_315, %eq3A_316 : i32
        %jit3A_318 = arith.constant 1 : i32
        %select_n3A_319 = arith.select %eq3A_317, %jit3A_318, %jit3A_315 : i32
        %rem3A_320 = arith.remsi %sub3A_284, %select_n3A_319 : i32
        %ne3A_321 = arith.constant 0 : i32
        %ne3A_322 = arith.cmpi ne, %rem3A_320, %ne3A_321 : i32
        %lt3A_323 = arith.constant 0 : i32
        %lt3A_324 = arith.cmpi slt, %rem3A_320, %lt3A_323 : i32
        %lt3A_325 = arith.constant 0 : i32
        %lt3A_326 = arith.cmpi slt, %select_n3A_319, %lt3A_325 : i32
        %ne3A_327 = arith.xori %lt3A_324, %lt3A_326 : i1
        %and3A_328 = arith.andi %ne3A_327, %ne3A_322 : i1
        %add3A_329 = arith.addi %rem3A_320, %select_n3A_319 : i32
        %select_n3A_330 = arith.select %and3A_328, %add3A_329, %rem3A_320 : i32
        %dma_wait3A_331 = arith.constant 0 : i32
        %dma_wait3A_332 = arith.constant 0 : i32
        %dma_wait3A_333 = arith.constant 0 : i32
        %dma_wait3A_334 = tpu.memref_slice %arg8[%select_n3A_330, %dma_wait3A_331, %dma_wait3A_332, %dma_wait3A_333] : memref<3x1x80x128xf32, #tpu.memory_space<vmem>> -> memref<1x1x80x128xf32, #tpu.memory_space<vmem>>
        %dma_wait3A_335 = tpu.memref_squeeze %dma_wait3A_334 : memref<1x1x80x128xf32, #tpu.memory_space<vmem>> -> memref<1x80x128xf32, #tpu.memory_space<vmem>>
        %dma_wait3A_336 = arith.constant 0 : i32
        %dma_wait3A_337 = tpu.memref_slice %arg5[%select_n3A_309, %dma_wait3A_336, %mul3A_314] : memref<50x80x4096xf32, #tpu.memory_space<hbm>> -> memref<1x80x128xf32, #tpu.memory_space<hbm>>
        %dma_wait3A_338 = arith.constant 0 : i32
        %dma_wait3A_339 = tpu.memref_slice %arg5[%select_n3A_309, %dma_wait3A_338, %mul3A_314] : memref<50x80x4096xf32, #tpu.memory_space<hbm>> -> memref<1x80x128xf32, #tpu.memory_space<hbm>>
        %dma_wait3A_340 = arith.constant 0 : i32
        %dma_wait3A_341 = arith.constant 0 : i32
        %dma_wait3A_342 = arith.constant 0 : i32
        %dma_wait3A_343 = tpu.memref_slice %arg8[%select_n3A_330, %dma_wait3A_340, %dma_wait3A_341, %dma_wait3A_342] : memref<3x1x80x128xf32, #tpu.memory_space<vmem>> -> memref<1x1x80x128xf32, #tpu.memory_space<vmem>>
        %dma_wait3A_344 = tpu.memref_squeeze %dma_wait3A_343 : memref<1x1x80x128xf32, #tpu.memory_space<vmem>> -> memref<1x80x128xf32, #tpu.memory_space<vmem>>
        tpu.wait_dma2 semaphore(%arg11 : memref<!tpu.dma_semaphore, #tpu.memory_space<semaphore_mem>>) src(%dma_wait3A_344 : memref<1x80x128xf32, #tpu.memory_space<vmem>>) dst(%dma_wait3A_339 : memref<1x80x128xf32, #tpu.memory_space<hbm>>)
      } else {
      }
      %lt3A_201 = arith.constant 49 : i32
      %lt3A_202 = arith.cmpi slt, %scan3A_154, %lt3A_201 : i32
      %convert_element_type3A_203 = arith.extui %lt3A_202 : i1 to i32
      %cond3A_204 = arith.constant 0 : i32
      %cond3A_205 = arith.cmpi ne, %convert_element_type3A_203, %cond3A_204 : i32
      scf.if %cond3A_205 {
        %add3A_283 = arith.constant 1 : i32
        %add3A_284 = arith.addi %scan3A_154, %add3A_283 : i32
        %add3A_285 = arith.addi %mul3A_2, %add3A_284 : i32
        %jit3A_286 = arith.constant 32 : i32
        %div3A_287 = arith.divsi %add3A_285, %jit3A_286 : i32
        %sign3A_288 = arith.constant 0 : i32
        %sign3A_289 = arith.cmpi sgt, %add3A_285, %sign3A_288 : i32
        %sign3A_290 = arith.extui %sign3A_289 : i1 to i32
        %sign3A_291 = arith.constant 0 : i32
        %sign3A_292 = arith.cmpi slt, %add3A_285, %sign3A_291 : i32
        %sign3A_293 = arith.extui %sign3A_292 : i1 to i32
        %sign3A_294 = arith.subi %sign3A_290, %sign3A_293 : i32
        %sign3A_295 = arith.constant 0 : i32
        %sign3A_296 = arith.cmpi sgt, %jit3A_286, %sign3A_295 : i32
        %sign3A_297 = arith.extui %sign3A_296 : i1 to i32
        %sign3A_298 = arith.constant 0 : i32
        %sign3A_299 = arith.cmpi slt, %jit3A_286, %sign3A_298 : i32
        %sign3A_300 = arith.extui %sign3A_299 : i1 to i32
        %sign3A_301 = arith.subi %sign3A_297, %sign3A_300 : i32
        %ne3A_302 = arith.cmpi ne, %sign3A_294, %sign3A_301 : i32
        %rem3A_303 = arith.remsi %add3A_285, %jit3A_286 : i32
        %ne3A_304 = arith.constant 0 : i32
        %ne3A_305 = arith.cmpi ne, %rem3A_303, %ne3A_304 : i32
        %and3A_306 = arith.andi %ne3A_302, %ne3A_305 : i1
        %sub3A_307 = arith.constant 1 : i32
        %sub3A_308 = arith.subi %div3A_287, %sub3A_307 : i32
        %select_n3A_309 = arith.select %and3A_306, %sub3A_308, %div3A_287 : i32
        %mul3A_310 = arith.constant 32 : i32
        %mul3A_311 = arith.muli %select_n3A_309, %mul3A_310 : i32
        %sub3A_312 = arith.subi %add3A_285, %mul3A_311 : i32
        %mul3A_313 = arith.constant 128 : i32
        %mul3A_314 = arith.muli %sub3A_312, %mul3A_313 : i32
        %jit3A_315 = arith.constant 2 : i32
        %eq3A_316 = arith.constant 0 : i32
        %eq3A_317 = arith.cmpi eq, %jit3A_315, %eq3A_316 : i32
        %jit3A_318 = arith.constant 1 : i32
        %select_n3A_319 = arith.select %eq3A_317, %jit3A_318, %jit3A_315 : i32
        %rem3A_320 = arith.remsi %add3A_284, %select_n3A_319 : i32
        %ne3A_321 = arith.constant 0 : i32
        %ne3A_322 = arith.cmpi ne, %rem3A_320, %ne3A_321 : i32
        %lt3A_323 = arith.constant 0 : i32
        %lt3A_324 = arith.cmpi slt, %rem3A_320, %lt3A_323 : i32
        %lt3A_325 = arith.constant 0 : i32
        %lt3A_326 = arith.cmpi slt, %select_n3A_319, %lt3A_325 : i32
        %ne3A_327 = arith.xori %lt3A_324, %lt3A_326 : i1
        %and3A_328 = arith.andi %ne3A_327, %ne3A_322 : i1
        %add3A_329 = arith.addi %rem3A_320, %select_n3A_319 : i32
        %select_n3A_330 = arith.select %and3A_328, %add3A_329, %rem3A_320 : i32
        %dma_start3A_331 = arith.constant 0 : i32
        %dma_start3A_332 = arith.constant 0 : i32
        %dma_start3A_333 = tpu.memref_slice %arg7[%select_n3A_330, %dma_start3A_331, %dma_start3A_332] : memref<2x128x64xf32, #tpu.memory_space<vmem>> -> memref<1x128x64xf32, #tpu.memory_space<vmem>>
        %dma_start3A_334 = tpu.memref_squeeze %dma_start3A_333 : memref<1x128x64xf32, #tpu.memory_space<vmem>> -> memref<128x64xf32, #tpu.memory_space<vmem>>
        %dma_start3A_335 = arith.constant 0 : i32
        %dma_start3A_336 = tpu.memref_slice %arg6[%add3A_284, %dma_start3A_335] : memref<50x128xi32, #tpu.memory_space<vmem>> -> memref<1x128xi32, #tpu.memory_space<vmem>>
        %dma_start3A_337 = tpu.memref_squeeze %dma_start3A_336 : memref<1x128xi32, #tpu.memory_space<vmem>> -> memref<128xi32, #tpu.memory_space<vmem>>
        %dma_start3A_338 = arith.constant 0 : i32
        %dma_start3A_339 = arith.constant 0 : i32
        %dma_start3A_340 = tpu.memref_slice %arg2[%dma_start3A_338, %dma_start3A_339] : memref<100000x64xf32, #tpu.memory_space<hbm>> -> memref<100000x64xf32, #tpu.memory_space<hbm>>
        tpu.enqueue_indirect_dma source(%dma_start3A_340 : memref<100000x64xf32, #tpu.memory_space<hbm>>) target(%dma_start3A_334 : memref<128x64xf32, #tpu.memory_space<vmem>>) offsets(%dma_start3A_337 : memref<128xi32, #tpu.memory_space<vmem>>) semaphore(%arg9 : memref<!tpu.dma_semaphore, #tpu.memory_space<semaphore_mem>>)
        %jit3A_341 = arith.constant 3 : i32
        %eq3A_342 = arith.constant 0 : i32
        %eq3A_343 = arith.cmpi eq, %jit3A_341, %eq3A_342 : i32
        %jit3A_344 = arith.constant 1 : i32
        %select_n3A_345 = arith.select %eq3A_343, %jit3A_344, %jit3A_341 : i32
        %rem3A_346 = arith.remsi %add3A_284, %select_n3A_345 : i32
        %ne3A_347 = arith.constant 0 : i32
        %ne3A_348 = arith.cmpi ne, %rem3A_346, %ne3A_347 : i32
        %lt3A_349 = arith.constant 0 : i32
        %lt3A_350 = arith.cmpi slt, %rem3A_346, %lt3A_349 : i32
        %lt3A_351 = arith.constant 0 : i32
        %lt3A_352 = arith.cmpi slt, %select_n3A_345, %lt3A_351 : i32
        %ne3A_353 = arith.xori %lt3A_350, %lt3A_352 : i1
        %and3A_354 = arith.andi %ne3A_353, %ne3A_348 : i1
        %add3A_355 = arith.addi %rem3A_346, %select_n3A_345 : i32
        %select_n3A_356 = arith.select %and3A_354, %add3A_355, %rem3A_346 : i32
        %dma_start3A_357 = arith.constant 0 : i32
        %dma_start3A_358 = arith.constant 64 : i32
        %dma_start3A_359 = arith.constant 0 : i32
        %dma_start3A_360 = tpu.memref_slice %arg8[%select_n3A_356, %dma_start3A_357, %dma_start3A_358, %dma_start3A_359] : memref<3x1x80x128xf32, #tpu.memory_space<vmem>> -> memref<1x1x16x128xf32, #tpu.memory_space<vmem>>
        %dma_start3A_361 = tpu.memref_squeeze %dma_start3A_360 : memref<1x1x16x128xf32, #tpu.memory_space<vmem>> -> memref<1x16x128xf32, #tpu.memory_space<vmem>>
        %dma_start3A_362 = arith.constant 0 : i32
        %dma_start3A_363 = tpu.memref_slice %arg4[%select_n3A_309, %dma_start3A_362, %mul3A_314] : memref<50x16x4096xf32, #tpu.memory_space<hbm>> -> memref<1x16x128xf32, #tpu.memory_space<hbm>>
        %dma_start3A_364 = arith.constant 0 : i32
        %dma_start3A_365 = arith.constant 64 : i32
        %dma_start3A_366 = arith.constant 0 : i32
        %dma_start3A_367 = tpu.memref_slice %arg8[%select_n3A_356, %dma_start3A_364, %dma_start3A_365, %dma_start3A_366] : memref<3x1x80x128xf32, #tpu.memory_space<vmem>> -> memref<1x1x16x128xf32, #tpu.memory_space<vmem>>
        %dma_start3A_368 = tpu.memref_squeeze %dma_start3A_367 : memref<1x1x16x128xf32, #tpu.memory_space<vmem>> -> memref<1x16x128xf32, #tpu.memory_space<vmem>>
        %dma_start3A_369 = arith.constant 0 : i32
        %dma_start3A_370 = tpu.memref_slice %arg4[%select_n3A_309, %dma_start3A_369, %mul3A_314] : memref<50x16x4096xf32, #tpu.memory_space<hbm>> -> memref<1x16x128xf32, #tpu.memory_space<hbm>>
        tpu.enqueue_dma source(%dma_start3A_370 : memref<1x16x128xf32, #tpu.memory_space<hbm>>) target(%dma_start3A_368 : memref<1x16x128xf32, #tpu.memory_space<vmem>>) target_semaphore(%arg10 : memref<!tpu.dma_semaphore, #tpu.memory_space<semaphore_mem>>)
      } else {
      }
      %jit3A_206 = arith.constant 2 : i32
      %eq3A_207 = arith.constant 0 : i32
      %eq3A_208 = arith.cmpi eq, %jit3A_206, %eq3A_207 : i32
      %jit3A_209 = arith.constant 1 : i32
      %select_n3A_210 = arith.select %eq3A_208, %jit3A_209, %jit3A_206 : i32
      %rem3A_211 = arith.remsi %scan3A_154, %select_n3A_210 : i32
      %ne3A_212 = arith.constant 0 : i32
      %ne3A_213 = arith.cmpi ne, %rem3A_211, %ne3A_212 : i32
      %lt3A_214 = arith.constant 0 : i32
      %lt3A_215 = arith.cmpi slt, %rem3A_211, %lt3A_214 : i32
      %lt3A_216 = arith.constant 0 : i32
      %lt3A_217 = arith.cmpi slt, %select_n3A_210, %lt3A_216 : i32
      %ne3A_218 = arith.xori %lt3A_215, %lt3A_217 : i1
      %and3A_219 = arith.andi %ne3A_218, %ne3A_213 : i1
      %add3A_220 = arith.addi %rem3A_211, %select_n3A_210 : i32
      %select_n3A_221 = arith.select %and3A_219, %add3A_220, %rem3A_211 : i32
      %dma_wait3A_222 = arith.constant 0 : i32
      %dma_wait3A_223 = arith.constant 0 : i32
      %dma_wait3A_224 = tpu.memref_slice %arg7[%select_n3A_221, %dma_wait3A_222, %dma_wait3A_223] : memref<2x128x64xf32, #tpu.memory_space<vmem>> -> memref<1x128x64xf32, #tpu.memory_space<vmem>>
      %dma_wait3A_225 = tpu.memref_squeeze %dma_wait3A_224 : memref<1x128x64xf32, #tpu.memory_space<vmem>> -> memref<128x64xf32, #tpu.memory_space<vmem>>
      %dma_wait3A_226 = arith.constant 0 : i32
      %dma_wait3A_227 = tpu.memref_slice %arg6[%scan3A_154, %dma_wait3A_226] : memref<50x128xi32, #tpu.memory_space<vmem>> -> memref<1x128xi32, #tpu.memory_space<vmem>>
      %dma_wait3A_228 = tpu.memref_squeeze %dma_wait3A_227 : memref<1x128xi32, #tpu.memory_space<vmem>> -> memref<128xi32, #tpu.memory_space<vmem>>
      %dma_wait3A_229 = arith.constant 0 : i32
      %dma_wait3A_230 = arith.constant 0 : i32
      %dma_wait3A_231 = tpu.memref_slice %arg2[%dma_wait3A_229, %dma_wait3A_230] : memref<100000x64xf32, #tpu.memory_space<hbm>> -> memref<100000x64xf32, #tpu.memory_space<hbm>>
      tpu.wait_indirect_dma semaphore(%arg9 : memref<!tpu.dma_semaphore, #tpu.memory_space<semaphore_mem>>) src(%dma_wait3A_231 : memref<100000x64xf32, #tpu.memory_space<hbm>>) dst(%dma_wait3A_225 : memref<128x64xf32, #tpu.memory_space<vmem>>)
      %dma_wait3A_232 = arith.constant 0 : i32
      %dma_wait3A_233 = arith.constant 64 : i32
      %dma_wait3A_234 = arith.constant 0 : i32
      %dma_wait3A_235 = tpu.memref_slice %arg8[%select_n3A_198, %dma_wait3A_232, %dma_wait3A_233, %dma_wait3A_234] : memref<3x1x80x128xf32, #tpu.memory_space<vmem>> -> memref<1x1x16x128xf32, #tpu.memory_space<vmem>>
      %dma_wait3A_236 = tpu.memref_squeeze %dma_wait3A_235 : memref<1x1x16x128xf32, #tpu.memory_space<vmem>> -> memref<1x16x128xf32, #tpu.memory_space<vmem>>
      %dma_wait3A_237 = arith.constant 0 : i32
      %dma_wait3A_238 = tpu.memref_slice %arg4[%select_n3A_179, %dma_wait3A_237, %mul3A_184] : memref<50x16x4096xf32, #tpu.memory_space<hbm>> -> memref<1x16x128xf32, #tpu.memory_space<hbm>>
      %dma_wait3A_239 = arith.constant 0 : i32
      %dma_wait3A_240 = arith.constant 64 : i32
      %dma_wait3A_241 = arith.constant 0 : i32
      %dma_wait3A_242 = tpu.memref_slice %arg8[%select_n3A_198, %dma_wait3A_239, %dma_wait3A_240, %dma_wait3A_241] : memref<3x1x80x128xf32, #tpu.memory_space<vmem>> -> memref<1x1x16x128xf32, #tpu.memory_space<vmem>>
      %dma_wait3A_243 = tpu.memref_squeeze %dma_wait3A_242 : memref<1x1x16x128xf32, #tpu.memory_space<vmem>> -> memref<1x16x128xf32, #tpu.memory_space<vmem>>
      %dma_wait3A_244 = arith.constant 0 : i32
      %dma_wait3A_245 = tpu.memref_slice %arg4[%select_n3A_179, %dma_wait3A_244, %mul3A_184] : memref<50x16x4096xf32, #tpu.memory_space<hbm>> -> memref<1x16x128xf32, #tpu.memory_space<hbm>>
      tpu.wait_dma2 semaphore(%arg10 : memref<!tpu.dma_semaphore, #tpu.memory_space<semaphore_mem>>) src(%dma_wait3A_245 : memref<1x16x128xf32, #tpu.memory_space<hbm>>) dst(%dma_wait3A_243 : memref<1x16x128xf32, #tpu.memory_space<vmem>>)
      %jit3A_246 = arith.constant 2 : i32
      %eq3A_247 = arith.constant 0 : i32
      %eq3A_248 = arith.cmpi eq, %jit3A_246, %eq3A_247 : i32
      %jit3A_249 = arith.constant 1 : i32
      %select_n3A_250 = arith.select %eq3A_248, %jit3A_249, %jit3A_246 : i32
      %rem3A_251 = arith.remsi %scan3A_154, %select_n3A_250 : i32
      %ne3A_252 = arith.constant 0 : i32
      %ne3A_253 = arith.cmpi ne, %rem3A_251, %ne3A_252 : i32
      %lt3A_254 = arith.constant 0 : i32
      %lt3A_255 = arith.cmpi slt, %rem3A_251, %lt3A_254 : i32
      %lt3A_256 = arith.constant 0 : i32
      %lt3A_257 = arith.cmpi slt, %select_n3A_250, %lt3A_256 : i32
      %ne3A_258 = arith.xori %lt3A_255, %lt3A_257 : i1
      %and3A_259 = arith.andi %ne3A_258, %ne3A_253 : i1
      %add3A_260 = arith.addi %rem3A_251, %select_n3A_250 : i32
      %select_n3A_261 = arith.select %and3A_259, %add3A_260, %rem3A_251 : i32
      %scan3A_262 = arith.constant 0 : i32
      %scan3A_263 = arith.constant 0 : i32
      %scan3A_264 = arith.constant 0 : i32
      %scan3A_265 = arith.constant 32 : i32
      %scan3A_266 = arith.addi %scan3A_264, %scan3A_265 : i32
      %scan3A_267 = arith.constant 1 : i32
      scf.for %scan3A_283 = %scan3A_264 to %scan3A_266 step %scan3A_267  : i32 {
        %jit3A_284 = arith.constant 4 : i32
        %div3A_285 = arith.divsi %scan3A_283, %jit3A_284 : i32
        %sign3A_286 = arith.constant 0 : i32
        %sign3A_287 = arith.cmpi sgt, %scan3A_283, %sign3A_286 : i32
        %sign3A_288 = arith.extui %sign3A_287 : i1 to i32
        %sign3A_289 = arith.constant 0 : i32
        %sign3A_290 = arith.cmpi slt, %scan3A_283, %sign3A_289 : i32
        %sign3A_291 = arith.extui %sign3A_290 : i1 to i32
        %sign3A_292 = arith.subi %sign3A_288, %sign3A_291 : i32
        %sign3A_293 = arith.constant 0 : i32
        %sign3A_294 = arith.cmpi sgt, %jit3A_284, %sign3A_293 : i32
        %sign3A_295 = arith.extui %sign3A_294 : i1 to i32
        %sign3A_296 = arith.constant 0 : i32
        %sign3A_297 = arith.cmpi slt, %jit3A_284, %sign3A_296 : i32
        %sign3A_298 = arith.extui %sign3A_297 : i1 to i32
        %sign3A_299 = arith.subi %sign3A_295, %sign3A_298 : i32
        %ne3A_300 = arith.cmpi ne, %sign3A_292, %sign3A_299 : i32
        %rem3A_301 = arith.remsi %scan3A_283, %jit3A_284 : i32
        %ne3A_302 = arith.constant 0 : i32
        %ne3A_303 = arith.cmpi ne, %rem3A_301, %ne3A_302 : i32
        %and3A_304 = arith.andi %ne3A_300, %ne3A_303 : i1
        %sub3A_305 = arith.constant 1 : i32
        %sub3A_306 = arith.subi %div3A_285, %sub3A_305 : i32
        %select_n3A_307 = arith.select %and3A_304, %sub3A_306, %div3A_285 : i32
        %mul3A_308 = arith.constant 16 : i32
        %mul3A_309 = arith.muli %select_n3A_307, %mul3A_308 : i32
        %jit3A_310 = arith.constant 4 : i32
        %div3A_311 = arith.divsi %scan3A_283, %jit3A_310 : i32
        %sign3A_312 = arith.constant 0 : i32
        %sign3A_313 = arith.cmpi sgt, %scan3A_283, %sign3A_312 : i32
        %sign3A_314 = arith.extui %sign3A_313 : i1 to i32
        %sign3A_315 = arith.constant 0 : i32
        %sign3A_316 = arith.cmpi slt, %scan3A_283, %sign3A_315 : i32
        %sign3A_317 = arith.extui %sign3A_316 : i1 to i32
        %sign3A_318 = arith.subi %sign3A_314, %sign3A_317 : i32
        %sign3A_319 = arith.constant 0 : i32
        %sign3A_320 = arith.cmpi sgt, %jit3A_310, %sign3A_319 : i32
        %sign3A_321 = arith.extui %sign3A_320 : i1 to i32
        %sign3A_322 = arith.constant 0 : i32
        %sign3A_323 = arith.cmpi slt, %jit3A_310, %sign3A_322 : i32
        %sign3A_324 = arith.extui %sign3A_323 : i1 to i32
        %sign3A_325 = arith.subi %sign3A_321, %sign3A_324 : i32
        %ne3A_326 = arith.cmpi ne, %sign3A_318, %sign3A_325 : i32
        %rem3A_327 = arith.remsi %scan3A_283, %jit3A_310 : i32
        %ne3A_328 = arith.constant 0 : i32
        %ne3A_329 = arith.cmpi ne, %rem3A_327, %ne3A_328 : i32
        %and3A_330 = arith.andi %ne3A_326, %ne3A_329 : i1
        %sub3A_331 = arith.constant 1 : i32
        %sub3A_332 = arith.subi %div3A_311, %sub3A_331 : i32
        %select_n3A_333 = arith.select %and3A_330, %sub3A_332, %div3A_311 : i32
        %mul3A_334 = arith.constant 4 : i32
        %mul3A_335 = arith.muli %select_n3A_333, %mul3A_334 : i32
        %sub3A_336 = arith.subi %scan3A_283, %mul3A_335 : i32
        %mul3A_337 = arith.constant 16 : i32
        %mul3A_338 = arith.muli %sub3A_336, %mul3A_337 : i32
        %add3A_339 = vector.broadcast %mul3A_309 : i32 to vector<16xi32>
        %add3A_340 = arith.addi %add3A_339, %iota3A : vector<16xi32>
        %add3A_341 = arith.constant 0 : i32
        %add3A_342 = vector.broadcast %add3A_341 : i32 to vector<16xi32>
        %add3A_343 = arith.addi %iota3A, %add3A_342 : vector<16xi32>
        %and3A_344 = arith.constant 15 : i32
        %and3A_345 = vector.broadcast %and3A_344 : i32 to vector<16xi32>
        %and3A_346 = arith.andi %add3A_343, %and3A_345 : vector<16xi32>
        %add3A_347 = vector.broadcast %mul3A_338 : i32 to vector<16xi32>
        %add3A_348 = arith.addi %add3A_347, %and3A_346 : vector<16xi32>
        %gather3A = arith.constant 0 : i32
        %gather3A_349 = arith.constant 0 : i32
        %gather3A_350 = tpu.memref_slice %arg7[%select_n3A_261, %gather3A, %gather3A_349] : memref<2x128x64xf32, #tpu.memory_space<vmem>> -> memref<1x128x64xf32, #tpu.memory_space<vmem>>
        %gather3A_351 = tpu.memref_squeeze %gather3A_350 : memref<1x128x64xf32, #tpu.memory_space<vmem>> -> memref<128x64xf32, #tpu.memory_space<vmem>>
        %gather3A_352 = tpu.vector_load_idx %gather3A_351[%add3A_340, %add3A_348] : memref<128x64xf32, #tpu.memory_space<vmem>>[vector<16xi32>, vector<16xi32>], vector<16xf32>,
        %scatter3A = arith.constant 0 : i32
        %scatter3A_353 = arith.constant 0 : i32
        %scatter3A_354 = tpu.memref_slice %arg8[%select_n3A_198, %scan3A_263, %scatter3A, %scatter3A_353] : memref<3x1x80x128xf32, #tpu.memory_space<vmem>> -> memref<1x1x80x128xf32, #tpu.memory_space<vmem>>
        %scatter3A_355 = tpu.memref_squeeze %scatter3A_354 : memref<1x1x80x128xf32, #tpu.memory_space<vmem>> -> memref<80x128xf32, #tpu.memory_space<vmem>>
        tpu.vector_store_idx %scatter3A_355[%add3A_348, %add3A_340], %gather3A_352 : memref<80x128xf32, #tpu.memory_space<vmem>>[vector<16xi32>, vector<16xi32>], vector<16xf32>,
        %add3A_356 = arith.constant 1 : i32
        %add3A_357 = vector.broadcast %add3A_356 : i32 to vector<16xi32>
        %add3A_358 = arith.addi %iota3A, %add3A_357 : vector<16xi32>
        %and3A_359 = arith.constant 15 : i32
        %and3A_360 = vector.broadcast %and3A_359 : i32 to vector<16xi32>
        %and3A_361 = arith.andi %add3A_358, %and3A_360 : vector<16xi32>
        %add3A_362 = vector.broadcast %mul3A_338 : i32 to vector<16xi32>
        %add3A_363 = arith.addi %add3A_362, %and3A_361 : vector<16xi32>
        %gather3A_364 = arith.constant 0 : i32
        %gather3A_365 = arith.constant 0 : i32
        %gather3A_366 = tpu.memref_slice %arg7[%select_n3A_261, %gather3A_364, %gather3A_365] : memref<2x128x64xf32, #tpu.memory_space<vmem>> -> memref<1x128x64xf32, #tpu.memory_space<vmem>>
        %gather3A_367 = tpu.memref_squeeze %gather3A_366 : memref<1x128x64xf32, #tpu.memory_space<vmem>> -> memref<128x64xf32, #tpu.memory_space<vmem>>
        %gather3A_368 = tpu.vector_load_idx %gather3A_367[%add3A_340, %add3A_363] : memref<128x64xf32, #tpu.memory_space<vmem>>[vector<16xi32>, vector<16xi32>], vector<16xf32>,
        %scatter3A_369 = arith.constant 0 : i32
        %scatter3A_370 = arith.constant 0 : i32
        %scatter3A_371 = tpu.memref_slice %arg8[%select_n3A_198, %scan3A_263, %scatter3A_369, %scatter3A_370] : memref<3x1x80x128xf32, #tpu.memory_space<vmem>> -> memref<1x1x80x128xf32, #tpu.memory_space<vmem>>
        %scatter3A_372 = tpu.memref_squeeze %scatter3A_371 : memref<1x1x80x128xf32, #tpu.memory_space<vmem>> -> memref<80x128xf32, #tpu.memory_space<vmem>>
        tpu.vector_store_idx %scatter3A_372[%add3A_363, %add3A_340], %gather3A_368 : memref<80x128xf32, #tpu.memory_space<vmem>>[vector<16xi32>, vector<16xi32>], vector<16xf32>,
        %add3A_373 = arith.constant 2 : i32
        %add3A_374 = vector.broadcast %add3A_373 : i32 to vector<16xi32>
        %add3A_375 = arith.addi %iota3A, %add3A_374 : vector<16xi32>
        %and3A_376 = arith.constant 15 : i32
        %and3A_377 = vector.broadcast %and3A_376 : i32 to vector<16xi32>
        %and3A_378 = arith.andi %add3A_375, %and3A_377 : vector<16xi32>
        %add3A_379 = vector.broadcast %mul3A_338 : i32 to vector<16xi32>
        %add3A_380 = arith.addi %add3A_379, %and3A_378 : vector<16xi32>
        %gather3A_381 = arith.constant 0 : i32
        %gather3A_382 = arith.constant 0 : i32
        %gather3A_383 = tpu.memref_slice %arg7[%select_n3A_261, %gather3A_381, %gather3A_382] : memref<2x128x64xf32, #tpu.memory_space<vmem>> -> memref<1x128x64xf32, #tpu.memory_space<vmem>>
        %gather3A_384 = tpu.memref_squeeze %gather3A_383 : memref<1x128x64xf32, #tpu.memory_space<vmem>> -> memref<128x64xf32, #tpu.memory_space<vmem>>
        %gather3A_385 = tpu.vector_load_idx %gather3A_384[%add3A_340, %add3A_380] : memref<128x64xf32, #tpu.memory_space<vmem>>[vector<16xi32>, vector<16xi32>], vector<16xf32>,
        %scatter3A_386 = arith.constant 0 : i32
        %scatter3A_387 = arith.constant 0 : i32
        %scatter3A_388 = tpu.memref_slice %arg8[%select_n3A_198, %scan3A_263, %scatter3A_386, %scatter3A_387] : memref<3x1x80x128xf32, #tpu.memory_space<vmem>> -> memref<1x1x80x128xf32, #tpu.memory_space<vmem>>
        %scatter3A_389 = tpu.memref_squeeze %scatter3A_388 : memref<1x1x80x128xf32, #tpu.memory_space<vmem>> -> memref<80x128xf32, #tpu.memory_space<vmem>>
        tpu.vector_store_idx %scatter3A_389[%add3A_380, %add3A_340], %gather3A_385 : memref<80x128xf32, #tpu.memory_space<vmem>>[vector<16xi32>, vector<16xi32>], vector<16xf32>,
        %add3A_390 = arith.constant 3 : i32
        %add3A_391 = vector.broadcast %add3A_390 : i32 to vector<16xi32>
        %add3A_392 = arith.addi %iota3A, %add3A_391 : vector<16xi32>
        %and3A_393 = arith.constant 15 : i32
        %and3A_394 = vector.broadcast %and3A_393 : i32 to vector<16xi32>
        %and3A_395 = arith.andi %add3A_392, %and3A_394 : vector<16xi32>
        %add3A_396 = vector.broadcast %mul3A_338 : i32 to vector<16xi32>
        %add3A_397 = arith.addi %add3A_396, %and3A_395 : vector<16xi32>
        %gather3A_398 = arith.constant 0 : i32
        %gather3A_399 = arith.constant 0 : i32
        %gather3A_400 = tpu.memref_slice %arg7[%select_n3A_261, %gather3A_398, %gather3A_399] : memref<2x128x64xf32, #tpu.memory_space<vmem>> -> memref<1x128x64xf32, #tpu.memory_space<vmem>>
        %gather3A_401 = tpu.memref_squeeze %gather3A_400 : memref<1x128x64xf32, #tpu.memory_space<vmem>> -> memref<128x64xf32, #tpu.memory_space<vmem>>
        %gather3A_402 = tpu.vector_load_idx %gather3A_401[%add3A_340, %add3A_397] : memref<128x64xf32, #tpu.memory_space<vmem>>[vector<16xi32>, vector<16xi32>], vector<16xf32>,
        %scatter3A_403 = arith.constant 0 : i32
        %scatter3A_404 = arith.constant 0 : i32
        %scatter3A_405 = tpu.memref_slice %arg8[%select_n3A_198, %scan3A_263, %scatter3A_403, %scatter3A_404] : memref<3x1x80x128xf32, #tpu.memory_space<vmem>> -> memref<1x1x80x128xf32, #tpu.memory_space<vmem>>
        %scatter3A_406 = tpu.memref_squeeze %scatter3A_405 : memref<1x1x80x128xf32, #tpu.memory_space<vmem>> -> memref<80x128xf32, #tpu.memory_space<vmem>>
        tpu.vector_store_idx %scatter3A_406[%add3A_397, %add3A_340], %gather3A_402 : memref<80x128xf32, #tpu.memory_space<vmem>>[vector<16xi32>, vector<16xi32>], vector<16xf32>,
        %add3A_407 = arith.constant 4 : i32
        %add3A_408 = vector.broadcast %add3A_407 : i32 to vector<16xi32>
        %add3A_409 = arith.addi %iota3A, %add3A_408 : vector<16xi32>
        %and3A_410 = arith.constant 15 : i32
        %and3A_411 = vector.broadcast %and3A_410 : i32 to vector<16xi32>
        %and3A_412 = arith.andi %add3A_409, %and3A_411 : vector<16xi32>
        %add3A_413 = vector.broadcast %mul3A_338 : i32 to vector<16xi32>
        %add3A_414 = arith.addi %add3A_413, %and3A_412 : vector<16xi32>
        %gather3A_415 = arith.constant 0 : i32
        %gather3A_416 = arith.constant 0 : i32
        %gather3A_417 = tpu.memref_slice %arg7[%select_n3A_261, %gather3A_415, %gather3A_416] : memref<2x128x64xf32, #tpu.memory_space<vmem>> -> memref<1x128x64xf32, #tpu.memory_space<vmem>>
        %gather3A_418 = tpu.memref_squeeze %gather3A_417 : memref<1x128x64xf32, #tpu.memory_space<vmem>> -> memref<128x64xf32, #tpu.memory_space<vmem>>
        %gather3A_419 = tpu.vector_load_idx %gather3A_418[%add3A_340, %add3A_414] : memref<128x64xf32, #tpu.memory_space<vmem>>[vector<16xi32>, vector<16xi32>], vector<16xf32>,
        %scatter3A_420 = arith.constant 0 : i32
        %scatter3A_421 = arith.constant 0 : i32
        %scatter3A_422 = tpu.memref_slice %arg8[%select_n3A_198, %scan3A_263, %scatter3A_420, %scatter3A_421] : memref<3x1x80x128xf32, #tpu.memory_space<vmem>> -> memref<1x1x80x128xf32, #tpu.memory_space<vmem>>
        %scatter3A_423 = tpu.memref_squeeze %scatter3A_422 : memref<1x1x80x128xf32, #tpu.memory_space<vmem>> -> memref<80x128xf32, #tpu.memory_space<vmem>>
        tpu.vector_store_idx %scatter3A_423[%add3A_414, %add3A_340], %gather3A_419 : memref<80x128xf32, #tpu.memory_space<vmem>>[vector<16xi32>, vector<16xi32>], vector<16xf32>,
        %add3A_424 = arith.constant 5 : i32
        %add3A_425 = vector.broadcast %add3A_424 : i32 to vector<16xi32>
        %add3A_426 = arith.addi %iota3A, %add3A_425 : vector<16xi32>
        %and3A_427 = arith.constant 15 : i32
        %and3A_428 = vector.broadcast %and3A_427 : i32 to vector<16xi32>
        %and3A_429 = arith.andi %add3A_426, %and3A_428 : vector<16xi32>
        %add3A_430 = vector.broadcast %mul3A_338 : i32 to vector<16xi32>
        %add3A_431 = arith.addi %add3A_430, %and3A_429 : vector<16xi32>
        %gather3A_432 = arith.constant 0 : i32
        %gather3A_433 = arith.constant 0 : i32
        %gather3A_434 = tpu.memref_slice %arg7[%select_n3A_261, %gather3A_432, %gather3A_433] : memref<2x128x64xf32, #tpu.memory_space<vmem>> -> memref<1x128x64xf32, #tpu.memory_space<vmem>>
        %gather3A_435 = tpu.memref_squeeze %gather3A_434 : memref<1x128x64xf32, #tpu.memory_space<vmem>> -> memref<128x64xf32, #tpu.memory_space<vmem>>
        %gather3A_436 = tpu.vector_load_idx %gather3A_435[%add3A_340, %add3A_431] : memref<128x64xf32, #tpu.memory_space<vmem>>[vector<16xi32>, vector<16xi32>], vector<16xf32>,
        %scatter3A_437 = arith.constant 0 : i32
        %scatter3A_438 = arith.constant 0 : i32
        %scatter3A_439 = tpu.memref_slice %arg8[%select_n3A_198, %scan3A_263, %scatter3A_437, %scatter3A_438] : memref<3x1x80x128xf32, #tpu.memory_space<vmem>> -> memref<1x1x80x128xf32, #tpu.memory_space<vmem>>
        %scatter3A_440 = tpu.memref_squeeze %scatter3A_439 : memref<1x1x80x128xf32, #tpu.memory_space<vmem>> -> memref<80x128xf32, #tpu.memory_space<vmem>>
        tpu.vector_store_idx %scatter3A_440[%add3A_431, %add3A_340], %gather3A_436 : memref<80x128xf32, #tpu.memory_space<vmem>>[vector<16xi32>, vector<16xi32>], vector<16xf32>,
        %add3A_441 = arith.constant 6 : i32
        %add3A_442 = vector.broadcast %add3A_441 : i32 to vector<16xi32>
        %add3A_443 = arith.addi %iota3A, %add3A_442 : vector<16xi32>
        %and3A_444 = arith.constant 15 : i32
        %and3A_445 = vector.broadcast %and3A_444 : i32 to vector<16xi32>
        %and3A_446 = arith.andi %add3A_443, %and3A_445 : vector<16xi32>
        %add3A_447 = vector.broadcast %mul3A_338 : i32 to vector<16xi32>
        %add3A_448 = arith.addi %add3A_447, %and3A_446 : vector<16xi32>
        %gather3A_449 = arith.constant 0 : i32
        %gather3A_450 = arith.constant 0 : i32
        %gather3A_451 = tpu.memref_slice %arg7[%select_n3A_261, %gather3A_449, %gather3A_450] : memref<2x128x64xf32, #tpu.memory_space<vmem>> -> memref<1x128x64xf32, #tpu.memory_space<vmem>>
        %gather3A_452 = tpu.memref_squeeze %gather3A_451 : memref<1x128x64xf32, #tpu.memory_space<vmem>> -> memref<128x64xf32, #tpu.memory_space<vmem>>
        %gather3A_453 = tpu.vector_load_idx %gather3A_452[%add3A_340, %add3A_448] : memref<128x64xf32, #tpu.memory_space<vmem>>[vector<16xi32>, vector<16xi32>], vector<16xf32>,
        %scatter3A_454 = arith.constant 0 : i32
        %scatter3A_455 = arith.constant 0 : i32
        %scatter3A_456 = tpu.memref_slice %arg8[%select_n3A_198, %scan3A_263, %scatter3A_454, %scatter3A_455] : memref<3x1x80x128xf32, #tpu.memory_space<vmem>> -> memref<1x1x80x128xf32, #tpu.memory_space<vmem>>
        %scatter3A_457 = tpu.memref_squeeze %scatter3A_456 : memref<1x1x80x128xf32, #tpu.memory_space<vmem>> -> memref<80x128xf32, #tpu.memory_space<vmem>>
        tpu.vector_store_idx %scatter3A_457[%add3A_448, %add3A_340], %gather3A_453 : memref<80x128xf32, #tpu.memory_space<vmem>>[vector<16xi32>, vector<16xi32>], vector<16xf32>,
        %add3A_458 = arith.constant 7 : i32
        %add3A_459 = vector.broadcast %add3A_458 : i32 to vector<16xi32>
        %add3A_460 = arith.addi %iota3A, %add3A_459 : vector<16xi32>
        %and3A_461 = arith.constant 15 : i32
        %and3A_462 = vector.broadcast %and3A_461 : i32 to vector<16xi32>
        %and3A_463 = arith.andi %add3A_460, %and3A_462 : vector<16xi32>
        %add3A_464 = vector.broadcast %mul3A_338 : i32 to vector<16xi32>
        %add3A_465 = arith.addi %add3A_464, %and3A_463 : vector<16xi32>
        %gather3A_466 = arith.constant 0 : i32
        %gather3A_467 = arith.constant 0 : i32
        %gather3A_468 = tpu.memref_slice %arg7[%select_n3A_261, %gather3A_466, %gather3A_467] : memref<2x128x64xf32, #tpu.memory_space<vmem>> -> memref<1x128x64xf32, #tpu.memory_space<vmem>>
        %gather3A_469 = tpu.memref_squeeze %gather3A_468 : memref<1x128x64xf32, #tpu.memory_space<vmem>> -> memref<128x64xf32, #tpu.memory_space<vmem>>
        %gather3A_470 = tpu.vector_load_idx %gather3A_469[%add3A_340, %add3A_465] : memref<128x64xf32, #tpu.memory_space<vmem>>[vector<16xi32>, vector<16xi32>], vector<16xf32>,
        %scatter3A_471 = arith.constant 0 : i32
        %scatter3A_472 = arith.constant 0 : i32
        %scatter3A_473 = tpu.memref_slice %arg8[%select_n3A_198, %scan3A_263, %scatter3A_471, %scatter3A_472] : memref<3x1x80x128xf32, #tpu.memory_space<vmem>> -> memref<1x1x80x128xf32, #tpu.memory_space<vmem>>
        %scatter3A_474 = tpu.memref_squeeze %scatter3A_473 : memref<1x1x80x128xf32, #tpu.memory_space<vmem>> -> memref<80x128xf32, #tpu.memory_space<vmem>>
        tpu.vector_store_idx %scatter3A_474[%add3A_465, %add3A_340], %gather3A_470 : memref<80x128xf32, #tpu.memory_space<vmem>>[vector<16xi32>, vector<16xi32>], vector<16xf32>,
        %add3A_475 = arith.constant 8 : i32
        %add3A_476 = vector.broadcast %add3A_475 : i32 to vector<16xi32>
        %add3A_477 = arith.addi %iota3A, %add3A_476 : vector<16xi32>
        %and3A_478 = arith.constant 15 : i32
        %and3A_479 = vector.broadcast %and3A_478 : i32 to vector<16xi32>
        %and3A_480 = arith.andi %add3A_477, %and3A_479 : vector<16xi32>
        %add3A_481 = vector.broadcast %mul3A_338 : i32 to vector<16xi32>
        %add3A_482 = arith.addi %add3A_481, %and3A_480 : vector<16xi32>
        %gather3A_483 = arith.constant 0 : i32
        %gather3A_484 = arith.constant 0 : i32
        %gather3A_485 = tpu.memref_slice %arg7[%select_n3A_261, %gather3A_483, %gather3A_484] : memref<2x128x64xf32, #tpu.memory_space<vmem>> -> memref<1x128x64xf32, #tpu.memory_space<vmem>>
        %gather3A_486 = tpu.memref_squeeze %gather3A_485 : memref<1x128x64xf32, #tpu.memory_space<vmem>> -> memref<128x64xf32, #tpu.memory_space<vmem>>
        %gather3A_487 = tpu.vector_load_idx %gather3A_486[%add3A_340, %add3A_482] : memref<128x64xf32, #tpu.memory_space<vmem>>[vector<16xi32>, vector<16xi32>], vector<16xf32>,
        %scatter3A_488 = arith.constant 0 : i32
        %scatter3A_489 = arith.constant 0 : i32
        %scatter3A_490 = tpu.memref_slice %arg8[%select_n3A_198, %scan3A_263, %scatter3A_488, %scatter3A_489] : memref<3x1x80x128xf32, #tpu.memory_space<vmem>> -> memref<1x1x80x128xf32, #tpu.memory_space<vmem>>
        %scatter3A_491 = tpu.memref_squeeze %scatter3A_490 : memref<1x1x80x128xf32, #tpu.memory_space<vmem>> -> memref<80x128xf32, #tpu.memory_space<vmem>>
        tpu.vector_store_idx %scatter3A_491[%add3A_482, %add3A_340], %gather3A_487 : memref<80x128xf32, #tpu.memory_space<vmem>>[vector<16xi32>, vector<16xi32>], vector<16xf32>,
        %add3A_492 = arith.constant 9 : i32
        %add3A_493 = vector.broadcast %add3A_492 : i32 to vector<16xi32>
        %add3A_494 = arith.addi %iota3A, %add3A_493 : vector<16xi32>
        %and3A_495 = arith.constant 15 : i32
        %and3A_496 = vector.broadcast %and3A_495 : i32 to vector<16xi32>
        %and3A_497 = arith.andi %add3A_494, %and3A_496 : vector<16xi32>
        %add3A_498 = vector.broadcast %mul3A_338 : i32 to vector<16xi32>
        %add3A_499 = arith.addi %add3A_498, %and3A_497 : vector<16xi32>
        %gather3A_500 = arith.constant 0 : i32
        %gather3A_501 = arith.constant 0 : i32
        %gather3A_502 = tpu.memref_slice %arg7[%select_n3A_261, %gather3A_500, %gather3A_501] : memref<2x128x64xf32, #tpu.memory_space<vmem>> -> memref<1x128x64xf32, #tpu.memory_space<vmem>>
        %gather3A_503 = tpu.memref_squeeze %gather3A_502 : memref<1x128x64xf32, #tpu.memory_space<vmem>> -> memref<128x64xf32, #tpu.memory_space<vmem>>
        %gather3A_504 = tpu.vector_load_idx %gather3A_503[%add3A_340, %add3A_499] : memref<128x64xf32, #tpu.memory_space<vmem>>[vector<16xi32>, vector<16xi32>], vector<16xf32>,
        %scatter3A_505 = arith.constant 0 : i32
        %scatter3A_506 = arith.constant 0 : i32
        %scatter3A_507 = tpu.memref_slice %arg8[%select_n3A_198, %scan3A_263, %scatter3A_505, %scatter3A_506] : memref<3x1x80x128xf32, #tpu.memory_space<vmem>> -> memref<1x1x80x128xf32, #tpu.memory_space<vmem>>
        %scatter3A_508 = tpu.memref_squeeze %scatter3A_507 : memref<1x1x80x128xf32, #tpu.memory_space<vmem>> -> memref<80x128xf32, #tpu.memory_space<vmem>>
        tpu.vector_store_idx %scatter3A_508[%add3A_499, %add3A_340], %gather3A_504 : memref<80x128xf32, #tpu.memory_space<vmem>>[vector<16xi32>, vector<16xi32>], vector<16xf32>,
        %add3A_509 = arith.constant 10 : i32
        %add3A_510 = vector.broadcast %add3A_509 : i32 to vector<16xi32>
        %add3A_511 = arith.addi %iota3A, %add3A_510 : vector<16xi32>
        %and3A_512 = arith.constant 15 : i32
        %and3A_513 = vector.broadcast %and3A_512 : i32 to vector<16xi32>
        %and3A_514 = arith.andi %add3A_511, %and3A_513 : vector<16xi32>
        %add3A_515 = vector.broadcast %mul3A_338 : i32 to vector<16xi32>
        %add3A_516 = arith.addi %add3A_515, %and3A_514 : vector<16xi32>
        %gather3A_517 = arith.constant 0 : i32
        %gather3A_518 = arith.constant 0 : i32
        %gather3A_519 = tpu.memref_slice %arg7[%select_n3A_261, %gather3A_517, %gather3A_518] : memref<2x128x64xf32, #tpu.memory_space<vmem>> -> memref<1x128x64xf32, #tpu.memory_space<vmem>>
        %gather3A_520 = tpu.memref_squeeze %gather3A_519 : memref<1x128x64xf32, #tpu.memory_space<vmem>> -> memref<128x64xf32, #tpu.memory_space<vmem>>
        %gather3A_521 = tpu.vector_load_idx %gather3A_520[%add3A_340, %add3A_516] : memref<128x64xf32, #tpu.memory_space<vmem>>[vector<16xi32>, vector<16xi32>], vector<16xf32>,
        %scatter3A_522 = arith.constant 0 : i32
        %scatter3A_523 = arith.constant 0 : i32
        %scatter3A_524 = tpu.memref_slice %arg8[%select_n3A_198, %scan3A_263, %scatter3A_522, %scatter3A_523] : memref<3x1x80x128xf32, #tpu.memory_space<vmem>> -> memref<1x1x80x128xf32, #tpu.memory_space<vmem>>
        %scatter3A_525 = tpu.memref_squeeze %scatter3A_524 : memref<1x1x80x128xf32, #tpu.memory_space<vmem>> -> memref<80x128xf32, #tpu.memory_space<vmem>>
        tpu.vector_store_idx %scatter3A_525[%add3A_516, %add3A_340], %gather3A_521 : memref<80x128xf32, #tpu.memory_space<vmem>>[vector<16xi32>, vector<16xi32>], vector<16xf32>,
        %add3A_526 = arith.constant 11 : i32
        %add3A_527 = vector.broadcast %add3A_526 : i32 to vector<16xi32>
        %add3A_528 = arith.addi %iota3A, %add3A_527 : vector<16xi32>
        %and3A_529 = arith.constant 15 : i32
        %and3A_530 = vector.broadcast %and3A_529 : i32 to vector<16xi32>
        %and3A_531 = arith.andi %add3A_528, %and3A_530 : vector<16xi32>
        %add3A_532 = vector.broadcast %mul3A_338 : i32 to vector<16xi32>
        %add3A_533 = arith.addi %add3A_532, %and3A_531 : vector<16xi32>
        %gather3A_534 = arith.constant 0 : i32
        %gather3A_535 = arith.constant 0 : i32
        %gather3A_536 = tpu.memref_slice %arg7[%select_n3A_261, %gather3A_534, %gather3A_535] : memref<2x128x64xf32, #tpu.memory_space<vmem>> -> memref<1x128x64xf32, #tpu.memory_space<vmem>>
        %gather3A_537 = tpu.memref_squeeze %gather3A_536 : memref<1x128x64xf32, #tpu.memory_space<vmem>> -> memref<128x64xf32, #tpu.memory_space<vmem>>
        %gather3A_538 = tpu.vector_load_idx %gather3A_537[%add3A_340, %add3A_533] : memref<128x64xf32, #tpu.memory_space<vmem>>[vector<16xi32>, vector<16xi32>], vector<16xf32>,
        %scatter3A_539 = arith.constant 0 : i32
        %scatter3A_540 = arith.constant 0 : i32
        %scatter3A_541 = tpu.memref_slice %arg8[%select_n3A_198, %scan3A_263, %scatter3A_539, %scatter3A_540] : memref<3x1x80x128xf32, #tpu.memory_space<vmem>> -> memref<1x1x80x128xf32, #tpu.memory_space<vmem>>
        %scatter3A_542 = tpu.memref_squeeze %scatter3A_541 : memref<1x1x80x128xf32, #tpu.memory_space<vmem>> -> memref<80x128xf32, #tpu.memory_space<vmem>>
        tpu.vector_store_idx %scatter3A_542[%add3A_533, %add3A_340], %gather3A_538 : memref<80x128xf32, #tpu.memory_space<vmem>>[vector<16xi32>, vector<16xi32>], vector<16xf32>,
        %add3A_543 = arith.constant 12 : i32
        %add3A_544 = vector.broadcast %add3A_543 : i32 to vector<16xi32>
        %add3A_545 = arith.addi %iota3A, %add3A_544 : vector<16xi32>
        %and3A_546 = arith.constant 15 : i32
        %and3A_547 = vector.broadcast %and3A_546 : i32 to vector<16xi32>
        %and3A_548 = arith.andi %add3A_545, %and3A_547 : vector<16xi32>
        %add3A_549 = vector.broadcast %mul3A_338 : i32 to vector<16xi32>
        %add3A_550 = arith.addi %add3A_549, %and3A_548 : vector<16xi32>
        %gather3A_551 = arith.constant 0 : i32
        %gather3A_552 = arith.constant 0 : i32
        %gather3A_553 = tpu.memref_slice %arg7[%select_n3A_261, %gather3A_551, %gather3A_552] : memref<2x128x64xf32, #tpu.memory_space<vmem>> -> memref<1x128x64xf32, #tpu.memory_space<vmem>>
        %gather3A_554 = tpu.memref_squeeze %gather3A_553 : memref<1x128x64xf32, #tpu.memory_space<vmem>> -> memref<128x64xf32, #tpu.memory_space<vmem>>
        %gather3A_555 = tpu.vector_load_idx %gather3A_554[%add3A_340, %add3A_550] : memref<128x64xf32, #tpu.memory_space<vmem>>[vector<16xi32>, vector<16xi32>], vector<16xf32>,
        %scatter3A_556 = arith.constant 0 : i32
        %scatter3A_557 = arith.constant 0 : i32
        %scatter3A_558 = tpu.memref_slice %arg8[%select_n3A_198, %scan3A_263, %scatter3A_556, %scatter3A_557] : memref<3x1x80x128xf32, #tpu.memory_space<vmem>> -> memref<1x1x80x128xf32, #tpu.memory_space<vmem>>
        %scatter3A_559 = tpu.memref_squeeze %scatter3A_558 : memref<1x1x80x128xf32, #tpu.memory_space<vmem>> -> memref<80x128xf32, #tpu.memory_space<vmem>>
        tpu.vector_store_idx %scatter3A_559[%add3A_550, %add3A_340], %gather3A_555 : memref<80x128xf32, #tpu.memory_space<vmem>>[vector<16xi32>, vector<16xi32>], vector<16xf32>,
        %add3A_560 = arith.constant 13 : i32
        %add3A_561 = vector.broadcast %add3A_560 : i32 to vector<16xi32>
        %add3A_562 = arith.addi %iota3A, %add3A_561 : vector<16xi32>
        %and3A_563 = arith.constant 15 : i32
        %and3A_564 = vector.broadcast %and3A_563 : i32 to vector<16xi32>
        %and3A_565 = arith.andi %add3A_562, %and3A_564 : vector<16xi32>
        %add3A_566 = vector.broadcast %mul3A_338 : i32 to vector<16xi32>
        %add3A_567 = arith.addi %add3A_566, %and3A_565 : vector<16xi32>
        %gather3A_568 = arith.constant 0 : i32
        %gather3A_569 = arith.constant 0 : i32
        %gather3A_570 = tpu.memref_slice %arg7[%select_n3A_261, %gather3A_568, %gather3A_569] : memref<2x128x64xf32, #tpu.memory_space<vmem>> -> memref<1x128x64xf32, #tpu.memory_space<vmem>>
        %gather3A_571 = tpu.memref_squeeze %gather3A_570 : memref<1x128x64xf32, #tpu.memory_space<vmem>> -> memref<128x64xf32, #tpu.memory_space<vmem>>
        %gather3A_572 = tpu.vector_load_idx %gather3A_571[%add3A_340, %add3A_567] : memref<128x64xf32, #tpu.memory_space<vmem>>[vector<16xi32>, vector<16xi32>], vector<16xf32>,
        %scatter3A_573 = arith.constant 0 : i32
        %scatter3A_574 = arith.constant 0 : i32
        %scatter3A_575 = tpu.memref_slice %arg8[%select_n3A_198, %scan3A_263, %scatter3A_573, %scatter3A_574] : memref<3x1x80x128xf32, #tpu.memory_space<vmem>> -> memref<1x1x80x128xf32, #tpu.memory_space<vmem>>
        %scatter3A_576 = tpu.memref_squeeze %scatter3A_575 : memref<1x1x80x128xf32, #tpu.memory_space<vmem>> -> memref<80x128xf32, #tpu.memory_space<vmem>>
        tpu.vector_store_idx %scatter3A_576[%add3A_567, %add3A_340], %gather3A_572 : memref<80x128xf32, #tpu.memory_space<vmem>>[vector<16xi32>, vector<16xi32>], vector<16xf32>,
        %add3A_577 = arith.constant 14 : i32
        %add3A_578 = vector.broadcast %add3A_577 : i32 to vector<16xi32>
        %add3A_579 = arith.addi %iota3A, %add3A_578 : vector<16xi32>
        %and3A_580 = arith.constant 15 : i32
        %and3A_581 = vector.broadcast %and3A_580 : i32 to vector<16xi32>
        %and3A_582 = arith.andi %add3A_579, %and3A_581 : vector<16xi32>
        %add3A_583 = vector.broadcast %mul3A_338 : i32 to vector<16xi32>
        %add3A_584 = arith.addi %add3A_583, %and3A_582 : vector<16xi32>
        %gather3A_585 = arith.constant 0 : i32
        %gather3A_586 = arith.constant 0 : i32
        %gather3A_587 = tpu.memref_slice %arg7[%select_n3A_261, %gather3A_585, %gather3A_586] : memref<2x128x64xf32, #tpu.memory_space<vmem>> -> memref<1x128x64xf32, #tpu.memory_space<vmem>>
        %gather3A_588 = tpu.memref_squeeze %gather3A_587 : memref<1x128x64xf32, #tpu.memory_space<vmem>> -> memref<128x64xf32, #tpu.memory_space<vmem>>
        %gather3A_589 = tpu.vector_load_idx %gather3A_588[%add3A_340, %add3A_584] : memref<128x64xf32, #tpu.memory_space<vmem>>[vector<16xi32>, vector<16xi32>], vector<16xf32>,
        %scatter3A_590 = arith.constant 0 : i32
        %scatter3A_591 = arith.constant 0 : i32
        %scatter3A_592 = tpu.memref_slice %arg8[%select_n3A_198, %scan3A_263, %scatter3A_590, %scatter3A_591] : memref<3x1x80x128xf32, #tpu.memory_space<vmem>> -> memref<1x1x80x128xf32, #tpu.memory_space<vmem>>
        %scatter3A_593 = tpu.memref_squeeze %scatter3A_592 : memref<1x1x80x128xf32, #tpu.memory_space<vmem>> -> memref<80x128xf32, #tpu.memory_space<vmem>>
        tpu.vector_store_idx %scatter3A_593[%add3A_584, %add3A_340], %gather3A_589 : memref<80x128xf32, #tpu.memory_space<vmem>>[vector<16xi32>, vector<16xi32>], vector<16xf32>,
        %add3A_594 = arith.constant 15 : i32
        %add3A_595 = vector.broadcast %add3A_594 : i32 to vector<16xi32>
        %add3A_596 = arith.addi %iota3A, %add3A_595 : vector<16xi32>
        %and3A_597 = arith.constant 15 : i32
        %and3A_598 = vector.broadcast %and3A_597 : i32 to vector<16xi32>
        %and3A_599 = arith.andi %add3A_596, %and3A_598 : vector<16xi32>
        %add3A_600 = vector.broadcast %mul3A_338 : i32 to vector<16xi32>
        %add3A_601 = arith.addi %add3A_600, %and3A_599 : vector<16xi32>
        %gather3A_602 = arith.constant 0 : i32
        %gather3A_603 = arith.constant 0 : i32
        %gather3A_604 = tpu.memref_slice %arg7[%select_n3A_261, %gather3A_602, %gather3A_603] : memref<2x128x64xf32, #tpu.memory_space<vmem>> -> memref<1x128x64xf32, #tpu.memory_space<vmem>>
        %gather3A_605 = tpu.memref_squeeze %gather3A_604 : memref<1x128x64xf32, #tpu.memory_space<vmem>> -> memref<128x64xf32, #tpu.memory_space<vmem>>
        %gather3A_606 = tpu.vector_load_idx %gather3A_605[%add3A_340, %add3A_601] : memref<128x64xf32, #tpu.memory_space<vmem>>[vector<16xi32>, vector<16xi32>], vector<16xf32>,
        %scatter3A_607 = arith.constant 0 : i32
        %scatter3A_608 = arith.constant 0 : i32
        %scatter3A_609 = tpu.memref_slice %arg8[%select_n3A_198, %scan3A_263, %scatter3A_607, %scatter3A_608] : memref<3x1x80x128xf32, #tpu.memory_space<vmem>> -> memref<1x1x80x128xf32, #tpu.memory_space<vmem>>
        %scatter3A_610 = tpu.memref_squeeze %scatter3A_609 : memref<1x1x80x128xf32, #tpu.memory_space<vmem>> -> memref<80x128xf32, #tpu.memory_space<vmem>>
        tpu.vector_store_idx %scatter3A_610[%add3A_601, %add3A_340], %gather3A_606 : memref<80x128xf32, #tpu.memory_space<vmem>>[vector<16xi32>, vector<16xi32>], vector<16xf32>,
      }
      %scan3A_268 = arith.constant 32 : i32
      %dma_start3A_269 = arith.constant 0 : i32
      %dma_start3A_270 = arith.constant 0 : i32
      %dma_start3A_271 = arith.constant 0 : i32
      %dma_start3A_272 = tpu.memref_slice %arg8[%select_n3A_198, %dma_start3A_269, %dma_start3A_270, %dma_start3A_271] : memref<3x1x80x128xf32, #tpu.memory_space<vmem>> -> memref<1x1x80x128xf32, #tpu.memory_space<vmem>>
      %dma_start3A_273 = tpu.memref_squeeze %dma_start3A_272 : memref<1x1x80x128xf32, #tpu.memory_space<vmem>> -> memref<1x80x128xf32, #tpu.memory_space<vmem>>
      %dma_start3A_274 = arith.constant 0 : i32
      %dma_start3A_275 = tpu.memref_slice %arg5[%select_n3A_179, %dma_start3A_274, %mul3A_184] : memref<50x80x4096xf32, #tpu.memory_space<hbm>> -> memref<1x80x128xf32, #tpu.memory_space<hbm>>
      %dma_start3A_276 = arith.constant 0 : i32
      %dma_start3A_277 = tpu.memref_slice %arg5[%select_n3A_179, %dma_start3A_276, %mul3A_184] : memref<50x80x4096xf32, #tpu.memory_space<hbm>> -> memref<1x80x128xf32, #tpu.memory_space<hbm>>
      %dma_start3A_278 = arith.constant 0 : i32
      %dma_start3A_279 = arith.constant 0 : i32
      %dma_start3A_280 = arith.constant 0 : i32
      %dma_start3A_281 = tpu.memref_slice %arg8[%select_n3A_198, %dma_start3A_278, %dma_start3A_279, %dma_start3A_280] : memref<3x1x80x128xf32, #tpu.memory_space<vmem>> -> memref<1x1x80x128xf32, #tpu.memory_space<vmem>>
      %dma_start3A_282 = tpu.memref_squeeze %dma_start3A_281 : memref<1x1x80x128xf32, #tpu.memory_space<vmem>> -> memref<1x80x128xf32, #tpu.memory_space<vmem>>
      tpu.enqueue_dma source(%dma_start3A_282 : memref<1x80x128xf32, #tpu.memory_space<vmem>>) target(%dma_start3A_277 : memref<1x80x128xf32, #tpu.memory_space<hbm>>) target_semaphore(%arg11 : memref<!tpu.dma_semaphore, #tpu.memory_space<semaphore_mem>>)
    }
    %scan3A_62 = arith.constant 50 : i32
    %add3A_63 = arith.constant 48 : i32
    %add3A_64 = arith.addi %mul3A_2, %add3A_63 : i32
    %jit3A_65 = arith.constant 32 : i32
    %div3A_66 = arith.divsi %add3A_64, %jit3A_65 : i32
    %sign3A_67 = arith.constant 0 : i32
    %sign3A_68 = arith.cmpi sgt, %add3A_64, %sign3A_67 : i32
    %sign3A_69 = arith.extui %sign3A_68 : i1 to i32
    %sign3A_70 = arith.constant 0 : i32
    %sign3A_71 = arith.cmpi slt, %add3A_64, %sign3A_70 : i32
    %sign3A_72 = arith.extui %sign3A_71 : i1 to i32
    %sign3A_73 = arith.subi %sign3A_69, %sign3A_72 : i32
    %sign3A_74 = arith.constant 0 : i32
    %sign3A_75 = arith.cmpi sgt, %jit3A_65, %sign3A_74 : i32
    %sign3A_76 = arith.extui %sign3A_75 : i1 to i32
    %sign3A_77 = arith.constant 0 : i32
    %sign3A_78 = arith.cmpi slt, %jit3A_65, %sign3A_77 : i32
    %sign3A_79 = arith.extui %sign3A_78 : i1 to i32
    %sign3A_80 = arith.subi %sign3A_76, %sign3A_79 : i32
    %ne3A_81 = arith.cmpi ne, %sign3A_73, %sign3A_80 : i32
    %rem3A_82 = arith.remsi %add3A_64, %jit3A_65 : i32
    %ne3A_83 = arith.constant 0 : i32
    %ne3A_84 = arith.cmpi ne, %rem3A_82, %ne3A_83 : i32
    %and3A_85 = arith.andi %ne3A_81, %ne3A_84 : i1
    %sub3A_86 = arith.constant 1 : i32
    %sub3A_87 = arith.subi %div3A_66, %sub3A_86 : i32
    %select_n3A_88 = arith.select %and3A_85, %sub3A_87, %div3A_66 : i32
    %mul3A_89 = arith.constant 32 : i32
    %mul3A_90 = arith.muli %select_n3A_88, %mul3A_89 : i32
    %sub3A_91 = arith.subi %add3A_64, %mul3A_90 : i32
    %mul3A_92 = arith.constant 128 : i32
    %mul3A_93 = arith.muli %sub3A_91, %mul3A_92 : i32
    %dma_wait3A = arith.constant 0 : i32
    %dma_wait3A_94 = arith.constant 0 : i32
    %dma_wait3A_95 = arith.constant 0 : i32
    %dma_wait3A_96 = arith.constant 0 : i32
    %dma_wait3A_97 = tpu.memref_slice %arg8[%dma_wait3A, %dma_wait3A_94, %dma_wait3A_95, %dma_wait3A_96] : memref<3x1x80x128xf32, #tpu.memory_space<vmem>> -> memref<1x1x80x128xf32, #tpu.memory_space<vmem>>
    %dma_wait3A_98 = tpu.memref_squeeze %dma_wait3A_97 : memref<1x1x80x128xf32, #tpu.memory_space<vmem>> -> memref<1x80x128xf32, #tpu.memory_space<vmem>>
    %dma_wait3A_99 = arith.constant 0 : i32
    %dma_wait3A_100 = tpu.memref_slice %arg5[%select_n3A_88, %dma_wait3A_99, %mul3A_93] : memref<50x80x4096xf32, #tpu.memory_space<hbm>> -> memref<1x80x128xf32, #tpu.memory_space<hbm>>
    %dma_wait3A_101 = arith.constant 0 : i32
    %dma_wait3A_102 = tpu.memref_slice %arg5[%select_n3A_88, %dma_wait3A_101, %mul3A_93] : memref<50x80x4096xf32, #tpu.memory_space<hbm>> -> memref<1x80x128xf32, #tpu.memory_space<hbm>>
    %dma_wait3A_103 = arith.constant 0 : i32
    %dma_wait3A_104 = arith.constant 0 : i32
    %dma_wait3A_105 = arith.constant 0 : i32
    %dma_wait3A_106 = tpu.memref_slice %arg8[%dma_wait3A, %dma_wait3A_103, %dma_wait3A_104, %dma_wait3A_105] : memref<3x1x80x128xf32, #tpu.memory_space<vmem>> -> memref<1x1x80x128xf32, #tpu.memory_space<vmem>>
    %dma_wait3A_107 = tpu.memref_squeeze %dma_wait3A_106 : memref<1x1x80x128xf32, #tpu.memory_space<vmem>> -> memref<1x80x128xf32, #tpu.memory_space<vmem>>
    tpu.wait_dma2 semaphore(%arg11 : memref<!tpu.dma_semaphore, #tpu.memory_space<semaphore_mem>>) src(%dma_wait3A_107 : memref<1x80x128xf32, #tpu.memory_space<vmem>>) dst(%dma_wait3A_102 : memref<1x80x128xf32, #tpu.memory_space<hbm>>)
    %add3A_108 = arith.constant 49 : i32
    %add3A_109 = arith.addi %mul3A_2, %add3A_108 : i32
    %jit3A_110 = arith.constant 32 : i32
    %div3A_111 = arith.divsi %add3A_109, %jit3A_110 : i32
    %sign3A_112 = arith.constant 0 : i32
    %sign3A_113 = arith.cmpi sgt, %add3A_109, %sign3A_112 : i32
    %sign3A_114 = arith.extui %sign3A_113 : i1 to i32
    %sign3A_115 = arith.constant 0 : i32
    %sign3A_116 = arith.cmpi slt, %add3A_109, %sign3A_115 : i32
    %sign3A_117 = arith.extui %sign3A_116 : i1 to i32
    %sign3A_118 = arith.subi %sign3A_114, %sign3A_117 : i32
    %sign3A_119 = arith.constant 0 : i32
    %sign3A_120 = arith.cmpi sgt, %jit3A_110, %sign3A_119 : i32
    %sign3A_121 = arith.extui %sign3A_120 : i1 to i32
    %sign3A_122 = arith.constant 0 : i32
    %sign3A_123 = arith.cmpi slt, %jit3A_110, %sign3A_122 : i32
    %sign3A_124 = arith.extui %sign3A_123 : i1 to i32
    %sign3A_125 = arith.subi %sign3A_121, %sign3A_124 : i32
    %ne3A_126 = arith.cmpi ne, %sign3A_118, %sign3A_125 : i32
    %rem3A_127 = arith.remsi %add3A_109, %jit3A_110 : i32
    %ne3A_128 = arith.constant 0 : i32
    %ne3A_129 = arith.cmpi ne, %rem3A_127, %ne3A_128 : i32
    %and3A_130 = arith.andi %ne3A_126, %ne3A_129 : i1
    %sub3A_131 = arith.constant 1 : i32
    %sub3A_132 = arith.subi %div3A_111, %sub3A_131 : i32
    %select_n3A_133 = arith.select %and3A_130, %sub3A_132, %div3A_111 : i32
    %mul3A_134 = arith.constant 32 : i32
    %mul3A_135 = arith.muli %select_n3A_133, %mul3A_134 : i32
    %sub3A_136 = arith.subi %add3A_109, %mul3A_135 : i32
    %mul3A_137 = arith.constant 128 : i32
    %mul3A_138 = arith.muli %sub3A_136, %mul3A_137 : i32
    %dma_wait3A_139 = arith.constant 1 : i32
    %dma_wait3A_140 = arith.constant 0 : i32
    %dma_wait3A_141 = arith.constant 0 : i32
    %dma_wait3A_142 = arith.constant 0 : i32
    %dma_wait3A_143 = tpu.memref_slice %arg8[%dma_wait3A_139, %dma_wait3A_140, %dma_wait3A_141, %dma_wait3A_142] : memref<3x1x80x128xf32, #tpu.memory_space<vmem>> -> memref<1x1x80x128xf32, #tpu.memory_space<vmem>>
    %dma_wait3A_144 = tpu.memref_squeeze %dma_wait3A_143 : memref<1x1x80x128xf32, #tpu.memory_space<vmem>> -> memref<1x80x128xf32, #tpu.memory_space<vmem>>
    %dma_wait3A_145 = arith.constant 0 : i32
    %dma_wait3A_146 = tpu.memref_slice %arg5[%select_n3A_133, %dma_wait3A_145, %mul3A_138] : memref<50x80x4096xf32, #tpu.memory_space<hbm>> -> memref<1x80x128xf32, #tpu.memory_space<hbm>>
    %dma_wait3A_147 = arith.constant 0 : i32
    %dma_wait3A_148 = tpu.memref_slice %arg5[%select_n3A_133, %dma_wait3A_147, %mul3A_138] : memref<50x80x4096xf32, #tpu.memory_space<hbm>> -> memref<1x80x128xf32, #tpu.memory_space<hbm>>
    %dma_wait3A_149 = arith.constant 0 : i32
    %dma_wait3A_150 = arith.constant 0 : i32
    %dma_wait3A_151 = arith.constant 0 : i32
    %dma_wait3A_152 = tpu.memref_slice %arg8[%dma_wait3A_139, %dma_wait3A_149, %dma_wait3A_150, %dma_wait3A_151] : memref<3x1x80x128xf32, #tpu.memory_space<vmem>> -> memref<1x1x80x128xf32, #tpu.memory_space<vmem>>
    %dma_wait3A_153 = tpu.memref_squeeze %dma_wait3A_152 : memref<1x1x80x128xf32, #tpu.memory_space<vmem>> -> memref<1x80x128xf32, #tpu.memory_space<vmem>>
    tpu.wait_dma2 semaphore(%arg11 : memref<!tpu.dma_semaphore, #tpu.memory_space<semaphore_mem>>) src(%dma_wait3A_153 : memref<1x80x128xf32, #tpu.memory_space<vmem>>) dst(%dma_wait3A_148 : memref<1x80x128xf32, #tpu.memory_space<hbm>>)
    return
  }
}

</mosaic_0001>

<sc_bundles>
// kernel: kernel.4.cloned.1.call-start
scs
__scs_entry_jumppad:
0x0: {  	(pc) =	sbr.rel $0x88, $3  }
0x1: {  	(tag) =	ssettag $0x0;
	lr =	simm.s32 $0x1  }
0x2: {  	[smem:$0x3F9C] =	sst lr;
	_ =	strace $0xD0000000  }
0x3: {  	_ = 	snop  }
0x4: {  	_ = 	snop  }
0x5: {  	_ = 	snop  }
0x6: {  	_ = 	snop  }
0x7: {  	_ = 	snop  }
__scs_overlays_trampoline_lowered:
0x8: {  	[smem:$0x3FAB] =	sst s0  }
0x9: {  	[smem:$0x3FAC] =	sst s1  }
0xa: {  	[smem:$0x3FAD] =	sst s2  }
0xb: {  	[smem:$0x3FAE] =	sst s3  }
0xc: {  	[smem:$0x3FAF] =	sst s4  }
0xd: {  	[smem:$0x3FB0] =	sst s5  }
0xe: {  	[smem:$0x3FB1] =	sst s6  }
0xf: {  	[smem:$0x3FB2] =	sst s7  }
0x10: {  	[smem:$0x3FB3] =	sst s8  }
0x11: {  	[smem:$0x3FB4] =	sst s9;
	s0 =	simm.s32 @!p0 $0x0  }
0x12: {  	s1 =	sld [smem:$0x3F9A];
	s0 =	simm.s32 @p0 $0x1  }
0x13: {  	[smem:$0x3FB5] =	sst s0;
	s0 =	simm.s32 @!p1 $0x0  }
0x14: {  	s2 =	sld [smem:$0x3F99];
	s0 =	simm.s32 @p1 $0x1  }
0x15: {  	[smem:$0x3FB6] =	sst s0;
	s0 =	simm.s32 @!p2 $0x0  }
0x16: {  	s3 =	sld [smem:$0x3FDB];
	s0 =	simm.s32 @p2 $0x1  }
0x17: {  	s4 =	simm.s32 $0x1BF5;
	[smem:$0x3FB8] =	sst s0  }
0x18: {  	s0 =	sld [smem:$0x3F9B];
	_ =	swait.ge [sflag:s4], $0x0  }
0x19: {  	s7 =	sld [smem:$0x3F9C]  }
0x1a: {  	s8 =	sadd.s32 $0xFFFFE003, lr  }
0x1b: {  	s9 =	sadd.s32 $0xFFFFFEF7, lr;
	s5 =	simm.s32 $0xFFFFFFFF;
	p2 =	slt.u32 s8, $0xFFFFF086  }
0x1c: {  	p1 =	slt.u32 s9, $0xF7A;
	s5 =	simm.s32 @!p2 $0x0  }
0x1d: {  	s5 =	simm.s32 @p1 $0x1;
	p0 =	seq.s32 s7, s2  }
0x1e: {  	s7 =	smul.u32 @!p0 $0xF7A, s2;
	p2 =	seq.s32 @!p0 s5, $0x0  }
0x1f: {  	s9 =	smul.u32 $0xF7A, s1;
	s8 =	simm.s32 @!p0 $0x1BF5;
	p2 =	por !p2, p0  }
0x20: {  	[sflag:s8] =	ssyncset.s32 @!p0 $0xFFFFF086;
	s6 =	sadd.s32 @!p0 s3, s7;
	s7 =	simm.s32 @!p0 $0x108  }
0x21: {  	s3 =	sadd.s32 s3, s9;
	s6 =	sadd.s32 @!p0 $0x88, s6;
	s7 =	simm.s32 @p2 $0x1082  }
0x22: {  	[simem:s7], [sflag:s8] =	dma.local @!p0 [hbm:s6], $0xF7A  }
0x23: {  	s9 =	sor.u32 $0xD0000000, s2;
	s6 =	simm.s32 $0x108;
	_ =	swait.ge @!p0 [sflag:s8], $0x0  }
0x24: {  	s3 =	sadd.s32 $0x88, s3;
	s6 =	simm.s32 @!p1 $0x1082;
	[sflag:s4] =	ssyncset.s32 $0xFFFFF086  }
0x25: {  	[simem:s6], [sflag:s4] =	dma.local [hbm:s3], $0xF7A  }
0x26: {  	[smem:$0x3F9C] =	sst s1;
	(tag) =	ssettag s2;
	_ =	strace s9  }
0x27: {  	s1 =	sld [smem:$0x3FAC]  }
0x28: {  	s2 =	sld [smem:$0x3FAD]  }
0x29: {  	s4 =	sld [smem:$0x3FAF]  }
0x2a: {  	p0 =	seq.s32 s5, $0x0;
	s5 =	sld [smem:$0x3FB0]  }
0x2b: {  	s6 =	sld [smem:$0x3FB1]  }
0x2c: {  	s7 =	sld [smem:$0x3FB2]  }
0x2d: {  	s3 =	simm.s32 $0x108;
	s8 =	sld [smem:$0x3FB3]  }
0x2e: {  	s3 =	simm.s32 @!p0 $0x1082;
	s9 =	sld [smem:$0x3FB4]  }
0x2f: {  	lr =	sadd.s32 s0, s3;
	s0 =	sld [smem:$0x3FAB]  }
0x30: {  	s3 =	sld [smem:$0x3FAE]  }
0x31: {  	[smem:$0x3FB7] =	sst s10  }
0x32: {  	s10 =	sld [smem:$0x3FB5];
	_ =	sdelay $0x3  }
0x33: {  	p0 =	seq.s32 s10, $0x1;
	s10 =	sld [smem:$0x3FB7];
	_ =	sdelay $0x3  }
0x34: {  	[smem:$0x3FB7] =	sst s10  }
0x35: {  	s10 =	sld [smem:$0x3FB6];
	_ =	sdelay $0x3  }
0x36: {  	p1 =	seq.s32 s10, $0x1;
	s10 =	sld [smem:$0x3FB7];
	_ =	sdelay $0x3  }
0x37: {  	[smem:$0x3FB7] =	sst s10  }
0x38: {  	s10 =	sld [smem:$0x3FB8]  }
0x39: {  	_ = 	snop;
	(pc) =	sbr.ind lr, $3  }
0x3a: {  	_ = 	snop  }
0x3b: {  	_ = 	snop  }
0x3c: {  	p2 =	seq.s32 s10, $0x1;
	s10 =	sld [smem:$0x3FB7]  }
0x3d: {  	_ =	shalt  }
0x3e: {  	_ =	shalt  }
0x3f: {  	_ =	shalt  }
0x40: {  	_ =	shalt  }
0x41: {  	_ =	shalt  }
0x42: {  	_ =	shalt  }
0x43: {  	_ =	shalt  }
0x44: {  	_ =	shalt  }
0x45: {  	_ =	shalt  }
0x46: {  	_ =	shalt  }
0x47: {  	_ =	shalt  }
0x48: {  	_ =	shalt  }
0x49: {  	_ =	shalt  }
0x4a: {  	_ =	shalt  }
0x4b: {  	_ =	shalt  }
0x4c: {  	_ =	shalt  }
0x4d: {  	_ =	shalt  }
0x4e: {  	_ =	shalt  }
0x4f: {  	_ =	shalt  }
0x50: {  	_ =	shalt  }
0x51: {  	_ =	shalt  }
0x52: {  	_ =	shalt  }
0x53: {  	_ =	shalt  }
0x54: {  	_ =	shalt  }
0x55: {  	_ =	shalt  }
0x56: {  	_ =	shalt  }
0x57: {  	_ =	shalt  }
0x58: {  	_ =	shalt  }
0x59: {  	_ =	shalt  }
0x5a: {  	_ =	shalt  }
0x5b: {  	_ =	shalt  }
0x5c: {  	_ =	shalt  }
0x5d: {  	_ =	shalt  }
0x5e: {  	_ =	shalt  }
0x5f: {  	_ =	shalt  }
0x60: {  	_ =	shalt  }
0x61: {  	_ =	shalt  }
0x62: {  	_ =	shalt  }
0x63: {  	_ =	shalt  }
0x64: {  	_ =	shalt  }
0x65: {  	_ =	shalt  }
0x66: {  	_ =	shalt  }
0x67: {  	_ =	shalt  }
0x68: {  	_ =	shalt  }
0x69: {  	_ =	shalt  }
0x6a: {  	_ =	shalt  }
0x6b: {  	_ =	shalt  }
0x6c: {  	_ =	shalt  }
0x6d: {  	_ =	shalt  }
0x6e: {  	_ =	shalt  }
0x6f: {  	_ =	shalt  }
0x70: {  	_ =	shalt  }
0x71: {  	_ =	shalt  }
0x72: {  	_ =	shalt  }
0x73: {  	_ =	shalt  }
0x74: {  	_ =	shalt  }
0x75: {  	_ =	shalt  }
0x76: {  	_ =	shalt  }
0x77: {  	_ =	shalt  }
0x78: {  	_ =	shalt  }
0x79: {  	_ =	shalt  }
0x7a: {  	_ =	shalt  }
0x7b: {  	_ =	shalt  }
0x7c: {  	_ =	shalt  }
0x7d: {  	_ =	shalt  }
0x7e: {  	_ =	shalt  }
0x7f: {  	_ =	shalt  }
0x80: {  	_ =	shalt  }
0x81: {  	_ =	shalt  }
0x82: {  	_ =	shalt  }
0x83: {  	_ =	shalt  }
0x84: {  	_ =	shalt  }
0x85: {  	_ =	shalt  }
0x86: {  	_ =	shalt  }
0x87: {  	_ =	shalt  }
.Lfunc_end0:
.L_simem_size_0:
called_computation_lowered:
.L_overlay_start_0:
0x88: {  	s2 =	sld [smem:$0x3FD9]  }
0x89: {  	s3 =	sld [smem:$0x3FFE];
	_ =	sdelay $0x1  }
0x8a: {  	s1 =	srdreg.scid  }
0x8b: {  	s0 =	sand.u32 $0x1, s1  }
0x8c: {  	s14 =	sshll.u32 s0, $0xA;
	s2 =	sadd.s32 s3, s2  }
0x8d: {  	s2 =	sadd.s32 s2, s14  }
0x8e: {  	[smem:$0x3FC3] =	sst s2  }
0x8f: {  	_ = 	snop  }
0x90: {  	s2 =	sld [smem:$0x3FD0];
	_ =	sdelay $0x2  }
0x91: {  	s15 =	simm.s32 $0xB;
	s4 =	simm.s32 $0x10  }
0x92: {  	[smem:s4], [sflag:s15] =	dma.local [hbm:s2], $0x1  }
0x93: {  	_ =	swait.eq [sflag:s15], $0x1  }
0x94: {  	[sflag:s15] =	ssyncset.done $0x0  }
0x95: {  	[sflag:s15] =	ssyncadd.s32 $0xFFFFFFFF  }
0x96: {  	s16 =	sld [smem:$0x12];
	(tm) =	ssettm $0x1  }
0x97: {  	s17 =	sld [smem:$0x3FFB];
	_ =	sdelay $0x3  }
0x98: {  	_ =	strace s17  }
0x99: {  	s3 =	sld [smem:$0x3FFC];
	_ =	sdelay $0x3  }
0x9a: {  	_ =	strace s3  }
0x9b: {  	s3 =	sld [smem:$0x3FFD];
	_ =	sdelay $0x3  }
0x9c: {  	_ =	strace s3  }
0x9d: {  	_ =	strace $0x8FFFFFFF  }
0x9e: {  	s18 =	sld [smem:$0x3FDB];
	_ =	sdelay $0x1  }
0x9f: {  	s19 =	simm.s32 $_scs_section_size  }
0xa0: {  	s5 =	simm.s32 $_size__tile_overlayer_lowered;
	s6 =	simm.s32 $_tile_overlayer_lowered  }
0xa1: {  	s22 =	simm.s32 $0x1BFF;
	s21 =	sshll.u32 s6, $0x1;
	s3 =	sadd.s32 s19, s18  }
0xa2: {  	s7 =	simm.s32 $0x0;
	s20 =	sshll.u32 s5, $0x1;
	s5 =	sadd.s32 s21, s3  }
0xa3: {  	[timem:s7], [sflag:s22] =	dma.local [hbm:s5], s20  }
0xa4: {  	_ =	swait.ge [sflag:s22], s20  }
0xa5: {  	s4 =	ssub.s32 $0x0, s20;
	[sflag:s22] =	ssyncset.done $0x0  }
0xa6: {  	[sflag:s22] =	ssyncadd.s32 s4;
	_ =	sdelay $0x1  }
0xa7: {  	s23 =	simm.s32 $0x1B8B  }
0xa8: {  	_ =	swait.ge [sflag:s23], $0x1  }
0xa9: {  	[sflag:s23] =	ssyncset.done $0x0  }
0xaa: {  	s25 =	simm.s32 $0x1B8E;
	s24 =	sld [smem:$0x3FFE];
	[sflag:s23] =	ssyncadd.s32 $0xFFFFFFFF  }
0xab: {  	s26 =	simm.s32 $execute0_lowered;
	[smem:$0x3FD2] =	sst s25  }
0xac: {  	s5 =	sshll.u32 s26, $0x1;
	_ =	strace $0x80000046;
	[dreg:$0x1] =	wrdreg $0xFFFFFFFF  }
0xad: {  	s28 =	simm.s32 $_size_execute0_lowered;
	s3 =	sadd.s32 s3, s5;
	[dreg:$0x0] =	wrdreg $0x0  }
0xae: {  	s5 =	sshll.u32 s28, $0x1;
	[dreg:$0x2] =	wrdreg s3  }
0xaf: {  	[dreg:$0x3] =	wrdreg s5  }
0xb0: {  	[dreg:$0x4] =	wrdreg $0xC0  }
0xb1: {  	_ =	task [dreg:s7], $0x5FFFF  }
0xb2: {  	[dreg:$0x1] =	wrdreg $0xFFFFFFFF  }
0xb3: {  	[dreg:$0x0] =	wrdreg $0x60  }
0xb4: {  	[dreg:$0x2] =	wrdreg s24  }
0xb5: {  	[dreg:$0x3] =	wrdreg s16  }
0xb6: {  	[dreg:$0x4] =	wrdreg $0x9  }
0xb7: {  	_ =	task.clear_ibuf [dreg:s7], $0x5FFFF;
	_ =	strace $0x90000046  }
0xb8: {  	s29 =	simm.s32 $0x9;
	_ =	strace $0x80000048  }
0xb9: {  	_ =	swait.ge [sflag:s29], $0x1  }
0xba: {  	[sflag:s29] =	ssyncadd.s32 $0xFFFFFFFF  }
0xbb: {  	_ =	strace $0x90000048  }
0xbc: {  	_ =	sfence  }
0xbd: {  	s30 =	sld [smem:$0x0];
	_ =	sdelay $0x2  }
0xbe: {  	s31 =	sshll.u32 s1, $0xD;
	s1 =	sshrl.u32 s1, $0x2  }
0xbf: {  	s3 =	sand.u32 $0x4000, s31;
	s1 =	sadd.s32 s1, s30  }
0xc0: {  	s0 =	sor.u32 s3, s0;
	s1 =	sshll.u32 s1, $0x11  }
0xc1: {  	s0 =	sor.u32 s1, s0  }
0xc2: {  	s0 =	sadd.s32 $0x8F2B, s0  }
0xc3: {  	[sflag:s0] =	ssyncadd.remote.s32 $0x1  }
0xc4: {  	_ =	sfence.sel $0xFFFF  }
0xc5: {  	[dreg:$0x0] =	wrdreg $0xFFFFFFFF;
	(pc) =	sbr.abs _section_cstart, $3  }
0xc6: {  	[dreg:$0x1] =	wrdreg $0xFFFFFFFF  }
0xc7: {  	_ =	task.clear_ibuf [dreg:s7], $0x2FFFF;
	_ =	strace $0x9FFFFFFF  }
0xc8: {  	(tm) =	ssettm $0x7FFFFFFF  }
0xc9: {  	_ =	shalt  }
tec
execute0_lowered:
.L_overlay_start_1:
0x0: {  	(tag) =	ssettag $0x1  }
0x1: {  	v0 =	vimm.s32 $0xC0804000;
	vm5 =	vcmask $0xF00;
	vm4 =	vcmask $0x1310  }
0x2: {  	vm3 =	vcmask $0x1714;
	v1 =	vimm.s32 $0xC2824202;
	vm2 =	vcmask $0x1B18  }
0x3: {  	v2 =	vimm.s32 $0xC1814101;
	v0 =	vunpack.c.0.s8.s32 v0;
	v1 =	vunpack.c.0.s8.s32 v1  }
0x4: {  	vm0 =	vcmask $0x1F1C;
	vm1 =	vcmask $0x2F20;
	v3 =	vimm.s32 $0xC3834303  }
0x5: {  	v4 =	vimm.s32 $0xC4844404;
	v0 =	vand.u32 $0xFF, v0;
	v1 =	vand.u32 $0xFF, v1  }
0x6: {  	v5 =	vimm.s32 $0x0;
	v0 =	vnsel vm5, $0x1C1, v0;
	v1 =	vnsel vm5, $0x1C3, v1  }
0x7: {  	v2 =	vunpack.c.0.s8.s32 v2;
	v0 =	vsel vm4, $0x100, v0;
	v1 =	vsel vm4, $0x102, v1  }
0x8: {  	v3 =	vunpack.c.0.s8.s32 v3;
	v0 =	vsel vm3, $0x140, v0;
	v1 =	vsel vm3, $0x142, v1  }
0x9: {  	v4 =	vunpack.c.0.s8.s32 v4;
	v0 =	vsel vm2, $0x180, v0;
	v1 =	vsel vm2, $0x182, v1  }
0xa: {  	v2 =	vand.u32 $0xFF, v2;
	v0 =	vsel vm0, $0x1C0, v0;
	v1 =	vsel vm0, $0x1C2, v1  }
0xb: {  	s1 =	srdreg.scid;
	s7 =	rddreg [dreg:$0x0];
	v0 =	vsel vm1, v2, v0;
	v2 =	vand.u32 $0xFF, v3;
	v3 =	vand.u32 $0xFF, v4  }
0xc: {  	s0 =	stileid.u32;
	s2 =	rddreg [dreg:$0x1];
	s4 =	simm.s32 $0x0;
	v2 =	vsel vm1, v2, v1;
	v1 =	vnsel vm5, $0x1C5, v3;
	v3 =	vimm.s32 $0xC6864606  }
0xd: {  	s12 =	simm.s32 $0x3;
	s13 =	simm.s32 $0x80;
	s14 =	simm.s32 $0x800;
	v4 =	vimm.s32 $0xC5854505;
	v1 =	vsel vm4, $0x104, v1;
	v3 =	vunpack.c.0.s8.s32 v3  }
0xe: {  	vm6 =	vcmask $0x3330;
	s15 =	simm.s32 $0x2800;
	s16 =	simm.s32 $0x100;
	s17 =	simm.s32 $0x4800;
	v4 =	vunpack.c.0.s8.s32 v4;
	v1 =	vsel vm3, $0x144, v1  }
0xf: {  	vm13 =	vcmask $0x3734;
	s18 =	simm.s32 $0x180;
	s6 =	sand.u32 $0x1, s1;
	s29 =	sshll.u32 s0, $0x1;
	v1 =	vsel vm2, $0x184, v1;
	v3 =	vand.u32 $0xFF, v3  }
0x10: {  	s19 =	simm.s32 $0x6800;
	s20 =	simm.s32 $0x2;
	s8 =	sor.u32 s6, s29;
	v4 =	vand.u32 $0xFF, v4;
	v1 =	vsel vm0, $0x1C4, v1;
	v3 =	vnsel vm5, $0x1C7, v3  }
0x11: {  	s21 =	simm.s32 $0x1;
	[smem:$0x7FF] =	sst s4;
	s3 =	smul.u32 $0xA0, s8;
	v4 =	vsel vm1, v4, v1;
	v1 =	vsel vm4, $0x106, v3;
	v3 =	vimm.s32 $0xC7874707  }
0x12: {  	s22 =	simm.s32 $0x40;
	s23 =	simm.s32 $0x0;
	_ =	strace $0x80000047;
	v0 =	vsel vm6, $0x101, v0;
	v1 =	vsel vm3, $0x146, v1;
	v3 =	vunpack.c.0.s8.s32 v3  }
0x13: {  	vm14 =	vcmask $0x300;
	s30 =	ssub.s32 $0x2, s6;
	s9 =	smul.u32 $0xA00, s8;
	s5 =	sshrl.u32 s3, $0x8;
	v6 =	vsel vm13, $0x141, v0;
	v0 =	vsel vm2, $0x186, v1  }
.Ltmp0:
0x14: {  	s6 =	sadd.s32 $0xC4600, s7;
	s10 =	sshll.u32 s5, $0xC;
	v2 =	vsel vm6, $0x103, v2;
	v7 =	vsel vm0, $0x1C6, v0;
	v3 =	vand.u32 $0xFF, v3;
	(pc) =	sbr.rel .LBB2_1-.Ltmp0, $4  }
0x15: {  	vm15 =	vcmask $0x3B38;
	s31 =	sshrl.u32 s30, $0x1;
	s11 =	sshll.u32 s5, $0xF;
	s9 =	ssub.s32 s9, s10;
	v2 =	vsel vm13, $0x143, v2;
	v3 =	vsel vm1, v3, v7  }
0x16: {  	s8 =	smul.u32 $0x140000, s8;
	s5 =	sadd.s32 $0x1000, s7;
	s9 =	sadd.s32 s11, s9;
	v2 =	vsel vm15, $0x183, v2;
	v4 =	vsel vm6, $0x105, v4;
	v3 =	vsel vm6, $0x107, v3  }
0x17: {  	s10 =	ssub.s32 s30, s31;
	s11 =	simm.s32 $0x600;
	s9 =	sshrl.u32 s9, $0x3;
	v4 =	vsel vm13, $0x145, v4;
	v0 =	vsel vm14, $0x3, v5;
	v5 =	vsel vm13, $0x147, v3  }
0x18: {  	s7 =	sadd.s32 s2, s9;
	s9 =	smax.u32 s10, $0x1;
	s10 =	simm.s32 $0x1000;
	v1 =	vsel vm15, $0x181, v6;
	v3 =	vsel vm15, $0x185, v4;
	v4 =	vsel vm15, $0x187, v5  }
.LBB2_10:
0x19: {  	s23 =	sadd.s32 $0x1, s23  }
0x1a: {  	_ =	swait.ge [sflag:s20], $0x8000;
	p0 =	sne.s32 s23, s9  }
.Ltmp1:
0x1b: {  	[sflag:s20] =	ssyncset.done $0x0;
	(pc) =	sbr.rel @!p0 .LBB2_11-.Ltmp1, $4  }
0x1c: {  	[sflag:s20] =	ssyncadd.s32 $0xFFFF8000  }
0x1d: {  	_ =	swait.ge [sflag:s20], $0x8000  }
0x1e: {  	[sflag:s20] =	ssyncset.done $0x0  }
0x1f: {  	[sflag:s20] =	ssyncadd.s32 $0xFFFF8000  }
.LBB2_1:
0x20: {  	v5 =	vmov s4  }
0x21: {  	v5 =	vshrl.u32 v5, $0x3  }
0x22: {  	v5 =	vshll.u32 v5, v0  }
0x23: {  	v5 =	vbroadcast v5, $0x0;
	_ =	sdelay $0x1  }
0x24: {  	v6 =	vor.u32 v1, v5  }
0x25: {  	[tilespmem:s11], [sflag:$0x3] =	stream.strided.gather [hbm4b:s7+s22], $0x200, s10, s22, $0x38;
	[tilespmem:$0x18800] =	vst v63  }
0x26: {  	_ =	swait.ge [sflag:s12], $0x200  }
0x27: {  	[sflag:s12] =	ssyncset.done $0x0  }
0x28: {  	[sflag:s12] =	ssyncadd.s32 $0xFFFFFE00  }
0x29: {  	v6 =	vld.idx.msk [tilespmem:v6+s11+$0x0], $0xffff  }
0x2a: {  	v7 =	vadd.s32 v2, v5;
	_ =	sdelay $0x3  }
0x2b: {  	[tilespmem:s22+$0xFFFFFFC0] =	vst v6  }
0x2c: {  	v6 =	vld.idx.msk [tilespmem:v7+s11+$0x0], $0xffff  }
0x2d: {  	v7 =	vadd.s32 v3, v5;
	_ =	sdelay $0x3  }
0x2e: {  	[tilespmem:s22+$0xFFFFFFD0] =	vst v6  }
0x2f: {  	v6 =	vld.idx.msk [tilespmem:v7+s11+$0x0], $0xffff  }
0x30: {  	s24 =	simm.s32 $0x8;
	v5 =	vadd.s32 v4, v5  }
0x31: {  	v7 =	vmov s24  }
0x32: {  	v7 =	vshrl.u32 v7, $0x3  }
0x33: {  	v7 =	vshll.u32 v7, v0  }
0x34: {  	[tilespmem:s22+$0xFFFFFFE0] =	vst v6;
	v6 =	vbroadcast v7, $0x0  }
0x35: {  	v5 =	vld.idx.msk [tilespmem:v5+s11+$0x0], $0xffff  }
0x36: {  	s29 =	simm.s32 $0xA;
	v6 =	vadd.s32 v1, v6  }
0x37: {  	v7 =	vmov s29  }
0x38: {  	v7 =	vshrl.u32 v7, $0x3  }
0x39: {  	v7 =	vshll.u32 v7, v0  }
0x3a: {  	[tilespmem:s22+$0xFFFFFFF0] =	vst v5;
	v5 =	vbroadcast v7, $0x0  }
0x3b: {  	v6 =	vld.idx.msk [tilespmem:v6+s11+$0x0], $0xffff  }
0x3c: {  	s30 =	simm.s32 $0xC;
	v5 =	vadd.s32 v2, v5  }
0x3d: {  	v7 =	vmov s30  }
0x3e: {  	v7 =	vshrl.u32 v7, $0x3  }
0x3f: {  	v7 =	vshll.u32 v7, v0  }
0x40: {  	[tilespmem:s22+$0x0] =	vst v6;
	v6 =	vbroadcast v7, $0x0  }
0x41: {  	v5 =	vld.idx.msk [tilespmem:v5+s11+$0x0], $0xffff  }
0x42: {  	s31 =	simm.s32 $0xE;
	v6 =	vadd.s32 v3, v6  }
0x43: {  	v7 =	vmov s31  }
0x44: {  	v7 =	vshrl.u32 v7, $0x3  }
0x45: {  	v7 =	vshll.u32 v7, v0  }
0x46: {  	v7 =	vbroadcast v7, $0x0;
	[tilespmem:s22+$0x10] =	vst v5  }
0x47: {  	v5 =	vld.idx.msk [tilespmem:v6+s11+$0x0], $0xffff  }
0x48: {  	v6 =	vadd.s32 v4, v7  }
0x49: {  	s24 =	simm.s32 $0x10  }
0x4a: {  	s26 =	simm.s32 $0x20;
	s25 =	simm.s32 $0x40;
	v7 =	vmov s24  }
.LBB2_2:
0x4b: {  	p0 =	sne.s32 s26, $0x30;
	v7 =	vshrl.u32 v7, $0x3  }
0x4c: {  	v7 =	vshll.u32 v7, v0;
	[tilespmem:s25+$0x20] =	vst v5  }
0x4d: {  	v5 =	vbroadcast v7, $0x0;
	v6 =	vld.idx.msk [tilespmem:v6+s11+$0x0], $0xffff;
	_ =	sdelay $0x1  }
0x4e: {  	v7 =	vor.u32 v1, v5;
	_ =	sdelay $0x3  }
0x4f: {  	[tilespmem:s25+$0x30] =	vst v6  }
0x50: {  	v6 =	vld.idx.msk [tilespmem:v7+s11+$0x0], $0xffff;
	_ =	sdelay $0x1  }
0x51: {  	v7 =	vadd.s32 v2, v5;
	_ =	sdelay $0x2  }
0x52: {  	s25 =	sadd.s32 $0x80, s25  }
0x53: {  	[tilespmem:s25+$0xFFFFFFC0] =	vst v6  }
0x54: {  	v6 =	vld.idx.msk [tilespmem:v7+s11+$0x0], $0xffff;
	_ =	sdelay $0x1  }
0x55: {  	v7 =	vadd.s32 v3, v5;
	_ =	sdelay $0x3  }
0x56: {  	[tilespmem:s25+$0xFFFFFFD0] =	vst v6  }
0x57: {  	v6 =	vld.idx.msk [tilespmem:v7+s11+$0x0], $0xffff;
	_ =	sdelay $0x1  }
0x58: {  	v5 =	vadd.s32 v4, v5  }
0x59: {  	s28 =	sadd.s32 $0x8, s24  }
0x5a: {  	v7 =	vmov s28  }
0x5b: {  	v7 =	vshrl.u32 v7, $0x3  }
0x5c: {  	[tilespmem:s25+$0xFFFFFFE0] =	vst v6;
	v6 =	vshll.u32 v7, v0  }
0x5d: {  	v5 =	vld.idx.msk [tilespmem:v5+s11+$0x0], $0xffff;
	v6 =	vbroadcast v6, $0x0;
	_ =	sdelay $0x1  }
0x5e: {  	v6 =	vadd.s32 v1, v6  }
0x5f: {  	s28 =	sadd.s32 $0xA, s24  }
0x60: {  	v7 =	vmov s28  }
0x61: {  	v7 =	vshrl.u32 v7, $0x3  }
0x62: {  	[tilespmem:s25+$0xFFFFFFF0] =	vst v5;
	v5 =	vshll.u32 v7, v0  }
0x63: {  	v6 =	vld.idx.msk [tilespmem:v6+s11+$0x0], $0xffff;
	v5 =	vbroadcast v5, $0x0;
	_ =	sdelay $0x1  }
0x64: {  	v5 =	vadd.s32 v2, v5  }
0x65: {  	s28 =	sadd.s32 $0xC, s24  }
0x66: {  	v7 =	vmov s28  }
0x67: {  	v7 =	vshrl.u32 v7, $0x3  }
0x68: {  	[tilespmem:s25+$0x0] =	vst v6;
	v6 =	vshll.u32 v7, v0  }
0x69: {  	v5 =	vld.idx.msk [tilespmem:v5+s11+$0x0], $0xffff;
	v6 =	vbroadcast v6, $0x0;
	_ =	sdelay $0x1  }
0x6a: {  	v6 =	vadd.s32 v3, v6  }
0x6b: {  	s28 =	sadd.s32 $0xE, s24;
	s24 =	smov.u32 s26  }
0x6c: {  	v7 =	vmov s28  }
0x6d: {  	v7 =	vshrl.u32 v7, $0x3  }
0x6e: {  	v7 =	vshll.u32 v7, v0;
	[tilespmem:s25+$0x10] =	vst v5  }
.Ltmp2:
0x6f: {  	v5 =	vld.idx.msk [tilespmem:v6+s11+$0x0], $0xffff;
	v6 =	vbroadcast v7, $0x0;
	(pc) =	sbr.rel @p0 .LBB2_2-.Ltmp2, $3  }
0x70: {  	_ = 	snop  }
0x71: {  	v6 =	vadd.s32 v4, v6;
	_ =	sdelay $0x1  }
0x72: {  	s26 =	sadd.s32 $0x10, s26;
	v7 =	vmov s24  }
0x73: {  	_ = 	snop  }
0x74: {  	v7 =	vshrl.u32 v7, $0x3  }
0x75: {  	v7 =	vshll.u32 v7, v0  }
0x76: {  	[tilespmem:s25+$0x20] =	vst v5;
	v5 =	vbroadcast v7, $0x0  }
0x77: {  	v6 =	vld.idx.msk [tilespmem:v6+s11+$0x0], $0xffff  }
0x78: {  	v7 =	vor.u32 v1, v5;
	_ =	sdelay $0x3  }
0x79: {  	[tilespmem:s25+$0x30] =	vst v6  }
0x7a: {  	v6 =	vld.idx.msk [tilespmem:v7+s11+$0x0], $0xffff  }
0x7b: {  	v7 =	vadd.s32 v2, v5;
	_ =	sdelay $0x2  }
0x7c: {  	s28 =	sadd.s32 $0x80, s25  }
0x7d: {  	[tilespmem:s28+$0xFFFFFFC0] =	vst v6  }
0x7e: {  	v6 =	vld.idx.msk [tilespmem:v7+s11+$0x0], $0xffff  }
0x7f: {  	v7 =	vadd.s32 v3, v5;
	_ =	sdelay $0x3  }
0x80: {  	[tilespmem:s28+$0xFFFFFFD0] =	vst v6  }
0x81: {  	v6 =	vld.idx.msk [tilespmem:v7+s11+$0x0], $0xffff  }
0x82: {  	s26 =	sadd.s32 $0x8, s24;
	v5 =	vadd.s32 v4, v5  }
0x83: {  	v7 =	vmov s26  }
0x84: {  	v7 =	vshrl.u32 v7, $0x3  }
0x85: {  	v7 =	vshll.u32 v7, v0  }
0x86: {  	[tilespmem:s28+$0xFFFFFFE0] =	vst v6;
	v6 =	vbroadcast v7, $0x0  }
0x87: {  	v5 =	vld.idx.msk [tilespmem:v5+s11+$0x0], $0xffff  }
0x88: {  	s29 =	sadd.s32 $0xA, s24;
	v6 =	vadd.s32 v1, v6  }
0x89: {  	v7 =	vmov s29  }
0x8a: {  	v7 =	vshrl.u32 v7, $0x3  }
0x8b: {  	v7 =	vshll.u32 v7, v0  }
0x8c: {  	[tilespmem:s28+$0xFFFFFFF0] =	vst v5;
	v5 =	vbroadcast v7, $0x0  }
0x8d: {  	v6 =	vld.idx.msk [tilespmem:v6+s11+$0x0], $0xffff  }
0x8e: {  	s30 =	sadd.s32 $0xC, s24;
	v5 =	vadd.s32 v2, v5  }
0x8f: {  	v7 =	vmov s30  }
0x90: {  	v7 =	vshrl.u32 v7, $0x3  }
0x91: {  	v7 =	vshll.u32 v7, v0  }
0x92: {  	[tilespmem:s28+$0x0] =	vst v6;
	v6 =	vbroadcast v7, $0x0  }
0x93: {  	v5 =	vld.idx.msk [tilespmem:v5+s11+$0x0], $0xffff  }
0x94: {  	s31 =	sadd.s32 $0xE, s24;
	v6 =	vadd.s32 v3, v6  }
0x95: {  	v7 =	vmov s31  }
0x96: {  	v7 =	vshrl.u32 v7, $0x3  }
0x97: {  	v7 =	vshll.u32 v7, v0  }
0x98: {  	[tilespmem:s28+$0x10] =	vst v5;
	v5 =	vbroadcast v7, $0x0  }
0x99: {  	v6 =	vld.idx.msk [tilespmem:v6+s11+$0x0], $0xffff  }
0x9a: {  	v5 =	vadd.s32 v4, v5;
	_ =	sdelay $0x3  }
0x9b: {  	[tilespmem:s28+$0x20] =	vst v6  }
0x9c: {  	v5 =	vld.idx.msk [tilespmem:v5+s11+$0x0], $0xffff;
	_ =	sdelay $0x4  }
0x9d: {  	s24 =	simm.s32 $0x0;
	[tilespmem:s28+$0x30] =	vst v5  }
0x9e: {  	[tilespmem:s14], [sflag:$0x1] =	stream.indirect.gather [hbm4b:s5+s13], $0x40, s24, s13, $0xb8;
	[tilespmem:$0x18800] =	vst v63  }
0x9f: {  	_ = 	snop  }
0xa0: {  	[tilespmem:s15], [sflag:$0x1] =	stream.indirect.gather [hbm4b:s5+s13], $0x40, s13, s13, $0xb8;
	[tilespmem:$0x18800] =	vst v63  }
.Ltmp3:
0xa1: {  	_ = 	snop;
	(pc) =	sbr.rel .LBB2_4-.Ltmp3, $4  }
0xa2: {  	_ = 	snop  }
0xa3: {  	[tilespmem:s17], [sflag:$0x1] =	stream.indirect.gather [hbm4b:s5+s13], $0x40, s16, s13, $0xb8;
	[tilespmem:$0x18800] =	vst v63  }
0xa4: {  	_ = 	snop  }
0xa5: {  	[tilespmem:s19], [sflag:$0x1] =	stream.indirect.gather [hbm4b:s5+s13], $0x40, s18, s13, $0xb8;
	[tilespmem:$0x18800] =	vst v63  }
.LBB2_5:
0xa6: {  	_ =	swait.ge [sflag:s20], $0x8000  }
0xa7: {  	[sflag:s20] =	ssyncset.done $0x0  }
0xa8: {  	s25 =	simm.s32 $0x28;
	[sflag:s20] =	ssyncadd.s32 $0xFFFF8000  }
.LBB2_9:
0xa9: {  	_ =	swait.ge [sflag:s21], $0x2000  }
0xaa: {  	[sflag:s21] =	ssyncset.done $0x0  }
0xab: {  	[sflag:s21] =	ssyncadd.s32 $0xFFFFE000  }
0xac: {  	_ =	swait.ge [sflag:s21], $0x2000  }
0xad: {  	s1 =	smulhi.u32 $0xAAAAAAAB, s24;
	[sflag:s21] =	ssyncset.done $0x0  }
0xae: {  	[sflag:s21] =	ssyncadd.s32 $0xFFFFE000  }
0xaf: {  	s1 =	sshrl.u32 s1, $0x1;
	_ =	swait.ge [sflag:s21], $0x2000  }
0xb0: {  	s26 =	sshll.u32 s24, $0xF;
	s1 =	smul.u32 $0x3, s1;
	[sflag:s21] =	ssyncset.done $0x0  }
0xb1: {  	p0 =	sne.s32 s25, $0x28;
	s26 =	sadd.s32 s8, s26;
	[sflag:s21] =	ssyncadd.s32 $0xFFFFE000  }
.Ltmp4:
0xb2: {  	s1 =	ssub.s32 s24, s1;
	_ =	swait.ge [sflag:s21], $0x2000;
	(pc) =	sbr.rel @!p0 .LBB2_10-.Ltmp4, $4  }
0xb3: {  	s31 =	sshrl.u32 s26, $0x3;
	s1 =	sshll.u32 s1, $0xF;
	[sflag:s21] =	ssyncset.done $0x0  }
0xb4: {  	s24 =	sadd.s32 s6, s31;
	s1 =	sor.u32 $0x800, s1;
	[sflag:s21] =	ssyncadd.s32 $0xFFFFE000  }
0xb5: {  	[hbm4b:s24+s4] =	stream.linear.scatter [tilespmem:s1], [sflag:$0x2], $0x8000, $0x38;
	[tilespmem:$0x18800] =	vst v63  }
0xb6: {  	s24 =	smov.u32 s25  }
.LBB2_4:
0xb7: {  	p0 =	sne.s32 s24, $0x27  }
.Ltmp5:
0xb8: {  	_ = 	snop;
	(pc) =	sbr.rel @!p0 .LBB2_5-.Ltmp5, $1  }
0xb9: {  	_ =	sdelay $0x3  }
0xba: {  	s25 =	sadd.s32 $0x1, s24  }
0xbb: {  	s26 =	sshll.u32 s25, $0x2  }
0xbc: {  	s28 =	simm.s32 $0x0;
	s26 =	sadd.s32 s3, s26  }
0xbd: {  	v5 =	vmov s28;
	s29 =	sshrl.u32 s26, $0x8  }
0xbe: {  	v5 =	vshrl.u32 v5, $0x3;
	s26 =	sshll.u32 s26, $0x4;
	s28 =	sshll.u32 s29, $0xC  }
0xbf: {  	v5 =	vshll.u32 v5, v0;
	s29 =	sshll.u32 s29, $0xF;
	s26 =	ssub.s32 s26, s28  }
0xc0: {  	v5 =	vbroadcast v5, $0x0;
	s26 =	sadd.s32 s29, s26  }
0xc1: {  	s26 =	sshrl.u32 s26, $0x3  }
0xc2: {  	v6 =	vor.u32 v1, v5;
	s26 =	sadd.s32 s2, s26  }
0xc3: {  	[tilespmem:s11], [sflag:$0x3] =	stream.strided.gather [hbm4b:s26+s22], $0x200, s10, s22, $0x38;
	[tilespmem:$0x18800] =	vst v63  }
0xc4: {  	s1 =	smulhi.u32 $0xAAAAAAAB, s25;
	_ =	swait.ge [sflag:s12], $0x200  }
0xc5: {  	[sflag:s12] =	ssyncset.done $0x0  }
0xc6: {  	s26 =	sshrl.u32 s1, $0x1;
	[sflag:s12] =	ssyncadd.s32 $0xFFFFFE00  }
0xc7: {  	s28 =	smul.u32 $0x1800, s26;
	v6 =	vld.idx.msk [tilespmem:v6+s11+$0x0], $0xffff  }
0xc8: {  	s29 =	sshll.u32 s24, $0xB;
	v7 =	vadd.s32 v2, v5  }
0xc9: {  	s28 =	ssub.s32 s29, s28  }
0xca: {  	s28 =	sshra.s32 s28, $0x2  }
0xcb: {  	s29 =	sadd.s32 $0x270, s28  }
0xcc: {  	[tilespmem:s29+$0xFFFFFF90] =	vst v6  }
0xcd: {  	v6 =	vld.idx.msk [tilespmem:v7+s11+$0x0], $0xffff  }
0xce: {  	v7 =	vadd.s32 v3, v5;
	_ =	sdelay $0x3  }
0xcf: {  	[tilespmem:s29+$0xFFFFFFA0] =	vst v6  }
0xd0: {  	v6 =	vld.idx.msk [tilespmem:v7+s11+$0x0], $0xffff  }
0xd1: {  	s28 =	simm.s32 $0x8;
	v5 =	vadd.s32 v4, v5  }
0xd2: {  	v7 =	vmov s28  }
0xd3: {  	v7 =	vshrl.u32 v7, $0x3  }
0xd4: {  	v7 =	vshll.u32 v7, v0  }
0xd5: {  	[tilespmem:s29+$0xFFFFFFB0] =	vst v6;
	v6 =	vbroadcast v7, $0x0  }
0xd6: {  	v5 =	vld.idx.msk [tilespmem:v5+s11+$0x0], $0xffff  }
0xd7: {  	s28 =	simm.s32 $0xA;
	v6 =	vadd.s32 v1, v6  }
0xd8: {  	v7 =	vmov s28  }
0xd9: {  	v7 =	vshrl.u32 v7, $0x3  }
0xda: {  	v7 =	vshll.u32 v7, v0  }
0xdb: {  	[tilespmem:s29+$0xFFFFFFC0] =	vst v5;
	v5 =	vbroadcast v7, $0x0  }
0xdc: {  	v6 =	vld.idx.msk [tilespmem:v6+s11+$0x0], $0xffff  }
0xdd: {  	s28 =	simm.s32 $0xC;
	v5 =	vadd.s32 v2, v5  }
0xde: {  	v7 =	vmov s28  }
0xdf: {  	v7 =	vshrl.u32 v7, $0x3  }
0xe0: {  	v7 =	vshll.u32 v7, v0  }
0xe1: {  	[tilespmem:s29+$0xFFFFFFD0] =	vst v6;
	v6 =	vbroadcast v7, $0x0  }
0xe2: {  	v5 =	vld.idx.msk [tilespmem:v5+s11+$0x0], $0xffff  }
0xe3: {  	s28 =	simm.s32 $0xE;
	v6 =	vadd.s32 v3, v6  }
0xe4: {  	v7 =	vmov s28  }
0xe5: {  	v7 =	vshrl.u32 v7, $0x3  }
0xe6: {  	v7 =	vshll.u32 v7, v0  }
0xe7: {  	s26 =	smul.u32 $0x3, s26;
	v7 =	vbroadcast v7, $0x0;
	[tilespmem:s29+$0xFFFFFFE0] =	vst v5  }
0xe8: {  	v5 =	vld.idx.msk [tilespmem:v6+s11+$0x0], $0xffff  }
0xe9: {  	s28 =	ssub.s32 s25, s26;
	v6 =	vadd.s32 v4, v7  }
0xea: {  	s30 =	simm.s32 $0x10;
	s26 =	sshll.u32 s28, $0x9  }
0xeb: {  	s31 =	simm.s32 $0x20;
	s26 =	sand.u32 $0x3FFFFE00, s26;
	v7 =	vmov s30  }
.LBB2_7:
0xec: {  	p0 =	sne.s32 s31, $0x30;
	v7 =	vshrl.u32 v7, $0x3  }
0xed: {  	v7 =	vshll.u32 v7, v0;
	[tilespmem:s29+$0xFFFFFFF0] =	vst v5  }
0xee: {  	v5 =	vbroadcast v7, $0x0;
	v6 =	vld.idx.msk [tilespmem:v6+s11+$0x0], $0xffff;
	_ =	sdelay $0x1  }
0xef: {  	v7 =	vor.u32 v1, v5;
	_ =	sdelay $0x3  }
0xf0: {  	[tilespmem:s29+$0x0] =	vst v6  }
0xf1: {  	v6 =	vld.idx.msk [tilespmem:v7+s11+$0x0], $0xffff;
	_ =	sdelay $0x1  }
0xf2: {  	v7 =	vadd.s32 v2, v5;
	_ =	sdelay $0x2  }
0xf3: {  	s29 =	sadd.s32 $0x80, s29  }
0xf4: {  	[tilespmem:s29+$0xFFFFFF90] =	vst v6  }
0xf5: {  	v6 =	vld.idx.msk [tilespmem:v7+s11+$0x0], $0xffff;
	_ =	sdelay $0x1  }
0xf6: {  	v7 =	vadd.s32 v3, v5;
	_ =	sdelay $0x3  }
0xf7: {  	[tilespmem:s29+$0xFFFFFFA0] =	vst v6  }
0xf8: {  	v6 =	vld.idx.msk [tilespmem:v7+s11+$0x0], $0xffff;
	_ =	sdelay $0x1  }
0xf9: {  	v5 =	vadd.s32 v4, v5  }
0xfa: {  	s1 =	sadd.s32 $0x8, s30  }
0xfb: {  	v7 =	vmov s1  }
0xfc: {  	v7 =	vshrl.u32 v7, $0x3  }
0xfd: {  	[tilespmem:s29+$0xFFFFFFB0] =	vst v6;
	v6 =	vshll.u32 v7, v0  }
0xfe: {  	v5 =	vld.idx.msk [tilespmem:v5+s11+$0x0], $0xffff;
	v6 =	vbroadcast v6, $0x0;
	_ =	sdelay $0x1  }
0xff: {  	v6 =	vadd.s32 v1, v6  }
0x100: {  	s1 =	sadd.s32 $0xA, s30  }
0x101: {  	v7 =	vmov s1  }
0x102: {  	v7 =	vshrl.u32 v7, $0x3  }
0x103: {  	[tilespmem:s29+$0xFFFFFFC0] =	vst v5;
	v5 =	vshll.u32 v7, v0  }
0x104: {  	v6 =	vld.idx.msk [tilespmem:v6+s11+$0x0], $0xffff;
	v5 =	vbroadcast v5, $0x0;
	_ =	sdelay $0x1  }
0x105: {  	v5 =	vadd.s32 v2, v5  }
0x106: {  	s1 =	sadd.s32 $0xC, s30  }
0x107: {  	v7 =	vmov s1  }
0x108: {  	v7 =	vshrl.u32 v7, $0x3  }
0x109: {  	[tilespmem:s29+$0xFFFFFFD0] =	vst v6;
	v6 =	vshll.u32 v7, v0  }
0x10a: {  	v5 =	vld.idx.msk [tilespmem:v5+s11+$0x0], $0xffff;
	v6 =	vbroadcast v6, $0x0;
	_ =	sdelay $0x1  }
0x10b: {  	v6 =	vadd.s32 v3, v6  }
0x10c: {  	s1 =	sadd.s32 $0xE, s30;
	s30 =	smov.u32 s31  }
0x10d: {  	v7 =	vmov s1  }
0x10e: {  	v7 =	vshrl.u32 v7, $0x3  }
0x10f: {  	v7 =	vshll.u32 v7, v0;
	[tilespmem:s29+$0xFFFFFFE0] =	vst v5  }
.Ltmp6:
0x110: {  	v5 =	vld.idx.msk [tilespmem:v6+s11+$0x0], $0xffff;
	v6 =	vbroadcast v7, $0x0;
	(pc) =	sbr.rel @p0 .LBB2_7-.Ltmp6, $3  }
0x111: {  	_ = 	snop  }
0x112: {  	v6 =	vadd.s32 v4, v6;
	_ =	sdelay $0x1  }
0x113: {  	s31 =	sadd.s32 $0x10, s31;
	v7 =	vmov s30  }
0x114: {  	_ = 	snop  }
0x115: {  	v7 =	vshrl.u32 v7, $0x3  }
0x116: {  	v7 =	vshll.u32 v7, v0  }
0x117: {  	[tilespmem:s29+$0xFFFFFFF0] =	vst v5;
	v5 =	vbroadcast v7, $0x0  }
0x118: {  	v6 =	vld.idx.msk [tilespmem:v6+s11+$0x0], $0xffff  }
0x119: {  	v7 =	vor.u32 v1, v5;
	_ =	sdelay $0x3  }
0x11a: {  	[tilespmem:s29+$0x0] =	vst v6  }
0x11b: {  	v6 =	vld.idx.msk [tilespmem:v7+s11+$0x0], $0xffff  }
0x11c: {  	v7 =	vadd.s32 v2, v5;
	_ =	sdelay $0x2  }
0x11d: {  	s1 =	sadd.s32 $0x80, s29  }
0x11e: {  	[tilespmem:s1+$0xFFFFFF90] =	vst v6  }
0x11f: {  	v6 =	vld.idx.msk [tilespmem:v7+s11+$0x0], $0xffff  }
0x120: {  	v7 =	vadd.s32 v3, v5;
	_ =	sdelay $0x3  }
0x121: {  	[tilespmem:s1+$0xFFFFFFA0] =	vst v6  }
0x122: {  	v6 =	vld.idx.msk [tilespmem:v7+s11+$0x0], $0xffff  }
0x123: {  	s31 =	sadd.s32 $0x8, s30;
	v5 =	vadd.s32 v4, v5  }
0x124: {  	v7 =	vmov s31  }
0x125: {  	v7 =	vshrl.u32 v7, $0x3  }
0x126: {  	v7 =	vshll.u32 v7, v0  }
0x127: {  	[tilespmem:s1+$0xFFFFFFB0] =	vst v6;
	v6 =	vbroadcast v7, $0x0  }
0x128: {  	v5 =	vld.idx.msk [tilespmem:v5+s11+$0x0], $0xffff  }
0x129: {  	s31 =	sadd.s32 $0xA, s30;
	v6 =	vadd.s32 v1, v6  }
0x12a: {  	v7 =	vmov s31  }
0x12b: {  	v7 =	vshrl.u32 v7, $0x3  }
0x12c: {  	v7 =	vshll.u32 v7, v0  }
0x12d: {  	[tilespmem:s1+$0xFFFFFFC0] =	vst v5;
	v5 =	vbroadcast v7, $0x0  }
0x12e: {  	v6 =	vld.idx.msk [tilespmem:v6+s11+$0x0], $0xffff  }
0x12f: {  	s31 =	sadd.s32 $0xC, s30;
	v5 =	vadd.s32 v2, v5  }
0x130: {  	v7 =	vmov s31  }
0x131: {  	v7 =	vshrl.u32 v7, $0x3  }
0x132: {  	v7 =	vshll.u32 v7, v0  }
0x133: {  	[tilespmem:s1+$0xFFFFFFD0] =	vst v6;
	v6 =	vbroadcast v7, $0x0  }
0x134: {  	v5 =	vld.idx.msk [tilespmem:v5+s11+$0x0], $0xffff  }
0x135: {  	s31 =	sadd.s32 $0xE, s30;
	v6 =	vadd.s32 v3, v6  }
0x136: {  	v7 =	vmov s31  }
0x137: {  	v7 =	vshrl.u32 v7, $0x3  }
0x138: {  	v7 =	vshll.u32 v7, v0  }
0x139: {  	[tilespmem:s1+$0xFFFFFFE0] =	vst v5;
	v5 =	vbroadcast v7, $0x0  }
0x13a: {  	v6 =	vld.idx.msk [tilespmem:v6+s11+$0x0], $0xffff  }
0x13b: {  	v5 =	vadd.s32 v4, v5;
	_ =	sdelay $0x3  }
0x13c: {  	[tilespmem:s1+$0xFFFFFFF0] =	vst v6  }
0x13d: {  	v5 =	vld.idx.msk [tilespmem:v5+s11+$0x0], $0xffff;
	_ =	sdelay $0x3  }
0x13e: {  	p0 =	slt.u32 s24, $0x2  }
0x13f: {  	[tilespmem:s1+$0x0] =	vst v5;
	s1 =	simm.s32 @!p0 $0x2  }
0x140: {  	s28 =	sshll.u32 s28, $0xF;
	_ =	swait.ge @!p0 [sflag:s1], $0x8000  }
0x141: {  	s28 =	sand.u32 $0x3FFF8000, s28;
	[sflag:s1] =	ssyncset.done @!p0 $0x0  }
0x142: {  	s29 =	sor.u32 $0x800, s28;
	[sflag:s1] =	ssyncadd.s32 @!p0 $0xFFFF8000  }
0x143: {  	[tilespmem:s29], [sflag:$0x1] =	stream.indirect.gather [hbm4b:s5+s13], $0x40, s26, s13, $0xb8;
	[tilespmem:$0x18800] =	vst v63  }
0x144: {  	s30 =	sor.u32 $0x2800, s28;
	s31 =	sadd.s32 $0x80, s26  }
0x145: {  	[tilespmem:s30], [sflag:$0x1] =	stream.indirect.gather [hbm4b:s5+s13], $0x40, s31, s13, $0xb8;
	[tilespmem:$0x18800] =	vst v63  }
.Ltmp7:
0x146: {  	_ = 	snop;
	(pc) =	sbr.rel .LBB2_9-.Ltmp7, $4  }
0x147: {  	s30 =	sor.u32 $0x4800, s28;
	s31 =	sadd.s32 $0x100, s26  }
0x148: {  	[tilespmem:s30], [sflag:$0x1] =	stream.indirect.gather [hbm4b:s5+s13], $0x40, s31, s13, $0xb8;
	[tilespmem:$0x18800] =	vst v63  }
0x149: {  	s30 =	sor.u32 $0x6800, s28;
	s31 =	sadd.s32 $0x180, s26  }
0x14a: {  	[tilespmem:s30], [sflag:$0x1] =	stream.indirect.gather [hbm4b:s5+s13], $0x40, s31, s13, $0xb8;
	[tilespmem:$0x18800] =	vst v63  }
.LBB2_11:
0x14b: {  	_ =	sfence.sel $0x180000  }
0x14c: {  	[bflag:$0x0] =	sbarrier.arrive $0xFFFF  }
0x14d: {  	_ =	strace $0x90000047  }
0x14e: {  	[bflag:$0x2] =	sbarrier.arrive $0xFFFF  }
0x14f: {  	p0 =	sne.s32 s0, $0x0;
	s0 =	rddreg [dreg:$0x2]  }
0x150: {  	s0 =	sadd.s32 @!p0 $0x100000, s0  }
0x151: {  	[sflag:s0] =	ssyncadd.tile.s32 @!p0 $0x1;
	_ =	shalt  }
.Lfunc_end2:
_tile_overlayer_lowered:
.L_overlay_start_2:
0x152: {  	(tag) =	ssettag $0x2  }
0x153: {  	s0 =	rddreg [dreg:$0x0];
	s2 =	stileid.u32  }
0x154: {  	s1 =	rddreg [dreg:$0x1];
	p0 =	sne.s32 s2, $0x0  }
0x155: {  	s3 =	rddreg [dreg:$0x2];
	[bflag:$0x3] =	sbarrier.arrive $0xFFFF;
	s2 =	simm.s32 @!p0 $0x1C03  }
0x156: {  	[timem:s3], [sflag:s2] =	dma.local @!p0 [hbm:s0], s1  }
0x157: {  	s0 =	simm.s32 @!p0 $0x3  }
0x158: {  	_ =	swait.ge @!p0 [sflag:s0], s1  }
0x159: {  	s1 =	ssub.s32 @!p0 $0x0, s1;
	[sflag:s0] =	ssyncset.done @!p0 $0x0  }
0x15a: {  	[sflag:s0] =	ssyncadd.s32 @!p0 s1  }
0x15b: {  	[bflag:$0x3] =	sbarrier.arrive $0xFFFF  }
0x15c: {  	_ =	shalt  }

// kernel: kernel.7.cloned.1.call-start
scs
__scs_entry_jumppad:
0x0: {  	(pc) =	sbr.rel $0x88, $3  }
0x1: {  	(tag) =	ssettag $0x0;
	lr =	simm.s32 $0x1  }
0x2: {  	[smem:$0x3F9C] =	sst lr;
	_ =	strace $0xD0000000  }
0x3: {  	_ = 	snop  }
0x4: {  	_ = 	snop  }
0x5: {  	_ = 	snop  }
0x6: {  	_ = 	snop  }
0x7: {  	_ = 	snop  }
__scs_overlays_trampoline_lowered:
0x8: {  	[smem:$0x3FAB] =	sst s0  }
0x9: {  	[smem:$0x3FAC] =	sst s1  }
0xa: {  	[smem:$0x3FAD] =	sst s2  }
0xb: {  	[smem:$0x3FAE] =	sst s3  }
0xc: {  	[smem:$0x3FAF] =	sst s4  }
0xd: {  	[smem:$0x3FB0] =	sst s5  }
0xe: {  	[smem:$0x3FB1] =	sst s6  }
0xf: {  	[smem:$0x3FB2] =	sst s7  }
0x10: {  	[smem:$0x3FB3] =	sst s8  }
0x11: {  	[smem:$0x3FB4] =	sst s9;
	s0 =	simm.s32 @!p0 $0x0  }
0x12: {  	s1 =	sld [smem:$0x3F9A];
	s0 =	simm.s32 @p0 $0x1  }
0x13: {  	[smem:$0x3FB5] =	sst s0;
	s0 =	simm.s32 @!p1 $0x0  }
0x14: {  	s2 =	sld [smem:$0x3F99];
	s0 =	simm.s32 @p1 $0x1  }
0x15: {  	[smem:$0x3FB6] =	sst s0;
	s0 =	simm.s32 @!p2 $0x0  }
0x16: {  	s3 =	sld [smem:$0x3FDB];
	s0 =	simm.s32 @p2 $0x1  }
0x17: {  	s4 =	simm.s32 $0x1BF5;
	[smem:$0x3FB8] =	sst s0  }
0x18: {  	s0 =	sld [smem:$0x3F9B];
	_ =	swait.ge [sflag:s4], $0x0  }
0x19: {  	s7 =	sld [smem:$0x3F9C]  }
0x1a: {  	s8 =	sadd.s32 $0xFFFFE003, lr  }
0x1b: {  	s9 =	sadd.s32 $0xFFFFFEF7, lr;
	s5 =	simm.s32 $0xFFFFFFFF;
	p2 =	slt.u32 s8, $0xFFFFF086  }
0x1c: {  	p1 =	slt.u32 s9, $0xF7A;
	s5 =	simm.s32 @!p2 $0x0  }
0x1d: {  	s5 =	simm.s32 @p1 $0x1;
	p0 =	seq.s32 s7, s2  }
0x1e: {  	s7 =	smul.u32 @!p0 $0xF7A, s2;
	p2 =	seq.s32 @!p0 s5, $0x0  }
0x1f: {  	s9 =	smul.u32 $0xF7A, s1;
	s8 =	simm.s32 @!p0 $0x1BF5;
	p2 =	por !p2, p0  }
0x20: {  	[sflag:s8] =	ssyncset.s32 @!p0 $0xFFFFF086;
	s6 =	sadd.s32 @!p0 s3, s7;
	s7 =	simm.s32 @!p0 $0x108  }
0x21: {  	s3 =	sadd.s32 s3, s9;
	s6 =	sadd.s32 @!p0 $0x88, s6;
	s7 =	simm.s32 @p2 $0x1082  }
0x22: {  	[simem:s7], [sflag:s8] =	dma.local @!p0 [hbm:s6], $0xF7A  }
0x23: {  	s9 =	sor.u32 $0xD0000000, s2;
	s6 =	simm.s32 $0x108;
	_ =	swait.ge @!p0 [sflag:s8], $0x0  }
0x24: {  	s3 =	sadd.s32 $0x88, s3;
	s6 =	simm.s32 @!p1 $0x1082;
	[sflag:s4] =	ssyncset.s32 $0xFFFFF086  }
0x25: {  	[simem:s6], [sflag:s4] =	dma.local [hbm:s3], $0xF7A  }
0x26: {  	[smem:$0x3F9C] =	sst s1;
	(tag) =	ssettag s2;
	_ =	strace s9  }
0x27: {  	s1 =	sld [smem:$0x3FAC]  }
0x28: {  	s2 =	sld [smem:$0x3FAD]  }
0x29: {  	s4 =	sld [smem:$0x3FAF]  }
0x2a: {  	p0 =	seq.s32 s5, $0x0;
	s5 =	sld [smem:$0x3FB0]  }
0x2b: {  	s6 =	sld [smem:$0x3FB1]  }
0x2c: {  	s7 =	sld [smem:$0x3FB2]  }
0x2d: {  	s3 =	simm.s32 $0x108;
	s8 =	sld [smem:$0x3FB3]  }
0x2e: {  	s3 =	simm.s32 @!p0 $0x1082;
	s9 =	sld [smem:$0x3FB4]  }
0x2f: {  	lr =	sadd.s32 s0, s3;
	s0 =	sld [smem:$0x3FAB]  }
0x30: {  	s3 =	sld [smem:$0x3FAE]  }
0x31: {  	[smem:$0x3FB7] =	sst s10  }
0x32: {  	s10 =	sld [smem:$0x3FB5];
	_ =	sdelay $0x3  }
0x33: {  	p0 =	seq.s32 s10, $0x1;
	s10 =	sld [smem:$0x3FB7];
	_ =	sdelay $0x3  }
0x34: {  	[smem:$0x3FB7] =	sst s10  }
0x35: {  	s10 =	sld [smem:$0x3FB6];
	_ =	sdelay $0x3  }
0x36: {  	p1 =	seq.s32 s10, $0x1;
	s10 =	sld [smem:$0x3FB7];
	_ =	sdelay $0x3  }
0x37: {  	[smem:$0x3FB7] =	sst s10  }
0x38: {  	s10 =	sld [smem:$0x3FB8]  }
0x39: {  	_ = 	snop;
	(pc) =	sbr.ind lr, $3  }
0x3a: {  	_ = 	snop  }
0x3b: {  	_ = 	snop  }
0x3c: {  	p2 =	seq.s32 s10, $0x1;
	s10 =	sld [smem:$0x3FB7]  }
0x3d: {  	_ =	shalt  }
0x3e: {  	_ =	shalt  }
0x3f: {  	_ =	shalt  }
0x40: {  	_ =	shalt  }
0x41: {  	_ =	shalt  }
0x42: {  	_ =	shalt  }
0x43: {  	_ =	shalt  }
0x44: {  	_ =	shalt  }
0x45: {  	_ =	shalt  }
0x46: {  	_ =	shalt  }
0x47: {  	_ =	shalt  }
0x48: {  	_ =	shalt  }
0x49: {  	_ =	shalt  }
0x4a: {  	_ =	shalt  }
0x4b: {  	_ =	shalt  }
0x4c: {  	_ =	shalt  }
0x4d: {  	_ =	shalt  }
0x4e: {  	_ =	shalt  }
0x4f: {  	_ =	shalt  }
0x50: {  	_ =	shalt  }
0x51: {  	_ =	shalt  }
0x52: {  	_ =	shalt  }
0x53: {  	_ =	shalt  }
0x54: {  	_ =	shalt  }
0x55: {  	_ =	shalt  }
0x56: {  	_ =	shalt  }
0x57: {  	_ =	shalt  }
0x58: {  	_ =	shalt  }
0x59: {  	_ =	shalt  }
0x5a: {  	_ =	shalt  }
0x5b: {  	_ =	shalt  }
0x5c: {  	_ =	shalt  }
0x5d: {  	_ =	shalt  }
0x5e: {  	_ =	shalt  }
0x5f: {  	_ =	shalt  }
0x60: {  	_ =	shalt  }
0x61: {  	_ =	shalt  }
0x62: {  	_ =	shalt  }
0x63: {  	_ =	shalt  }
0x64: {  	_ =	shalt  }
0x65: {  	_ =	shalt  }
0x66: {  	_ =	shalt  }
0x67: {  	_ =	shalt  }
0x68: {  	_ =	shalt  }
0x69: {  	_ =	shalt  }
0x6a: {  	_ =	shalt  }
0x6b: {  	_ =	shalt  }
0x6c: {  	_ =	shalt  }
0x6d: {  	_ =	shalt  }
0x6e: {  	_ =	shalt  }
0x6f: {  	_ =	shalt  }
0x70: {  	_ =	shalt  }
0x71: {  	_ =	shalt  }
0x72: {  	_ =	shalt  }
0x73: {  	_ =	shalt  }
0x74: {  	_ =	shalt  }
0x75: {  	_ =	shalt  }
0x76: {  	_ =	shalt  }
0x77: {  	_ =	shalt  }
0x78: {  	_ =	shalt  }
0x79: {  	_ =	shalt  }
0x7a: {  	_ =	shalt  }
0x7b: {  	_ =	shalt  }
0x7c: {  	_ =	shalt  }
0x7d: {  	_ =	shalt  }
0x7e: {  	_ =	shalt  }
0x7f: {  	_ =	shalt  }
0x80: {  	_ =	shalt  }
0x81: {  	_ =	shalt  }
0x82: {  	_ =	shalt  }
0x83: {  	_ =	shalt  }
0x84: {  	_ =	shalt  }
0x85: {  	_ =	shalt  }
0x86: {  	_ =	shalt  }
0x87: {  	_ =	shalt  }
.Lfunc_end0:
.L_simem_size_0:
called_computation.1_lowered:
.L_overlay_start_0:
0x88: {  	s2 =	sld [smem:$0x3FD9]  }
0x89: {  	s3 =	sld [smem:$0x3FFE];
	_ =	sdelay $0x1  }
0x8a: {  	s1 =	srdreg.scid  }
0x8b: {  	s0 =	sand.u32 $0x1, s1  }
0x8c: {  	s15 =	sshll.u32 s0, $0xA;
	s2 =	sadd.s32 s3, s2  }
0x8d: {  	s2 =	sadd.s32 s2, s15  }
0x8e: {  	[smem:$0x3FC3] =	sst s2  }
0x8f: {  	_ = 	snop  }
0x90: {  	s2 =	sld [smem:$0x3FD0];
	_ =	sdelay $0x2  }
0x91: {  	s4 =	simm.s32 $0xB;
	s16 =	simm.s32 $0x10  }
0x92: {  	[smem:s16], [sflag:s4] =	dma.local [hbm:s2], $0x1  }
0x93: {  	_ =	swait.eq [sflag:s4], $0x1  }
0x94: {  	[sflag:s4] =	ssyncset.done $0x0  }
0x95: {  	s17 =	sld [smem:$0x10];
	[sflag:s4] =	ssyncadd.s32 $0xFFFFFFFF  }
0x96: {  	s18 =	sld [smem:$0x11];
	(tm) =	ssettm $0x1  }
0x97: {  	s19 =	sld [smem:$0x3FFB];
	_ =	sdelay $0x3  }
0x98: {  	_ =	strace s19  }
0x99: {  	s2 =	sld [smem:$0x3FFC];
	_ =	sdelay $0x3  }
0x9a: {  	_ =	strace s2  }
0x9b: {  	s2 =	sld [smem:$0x3FFD];
	_ =	sdelay $0x3  }
0x9c: {  	_ =	strace s2  }
0x9d: {  	_ =	strace $0x8FFFFFFF  }
0x9e: {  	s20 =	sld [smem:$0x3FDB];
	_ =	sdelay $0x1  }
0x9f: {  	s5 =	simm.s32 $_scs_section_size  }
0xa0: {  	s6 =	simm.s32 $_size__tile_overlayer_lowered;
	s7 =	simm.s32 $_tile_overlayer_lowered  }
0xa1: {  	s8 =	simm.s32 $0x1BFF;
	s21 =	sshll.u32 s7, $0x1;
	s5 =	sadd.s32 s5, s20  }
0xa2: {  	s22 =	simm.s32 $0x0;
	s6 =	sshll.u32 s6, $0x1;
	s7 =	sadd.s32 s21, s5  }
0xa3: {  	[timem:s22], [sflag:s8] =	dma.local [hbm:s7], s6  }
0xa4: {  	_ =	swait.ge [sflag:s8], s6  }
0xa5: {  	s6 =	ssub.s32 $0x0, s6;
	[sflag:s8] =	ssyncset.done $0x0  }
0xa6: {  	[sflag:s8] =	ssyncadd.s32 s6;
	_ =	sdelay $0x1  }
0xa7: {  	s23 =	simm.s32 $0x1B8B  }
0xa8: {  	_ =	swait.ge [sflag:s23], $0x1  }
0xa9: {  	[sflag:s23] =	ssyncset.done $0x0  }
0xaa: {  	[sflag:s23] =	ssyncadd.s32 $0xFFFFFFFF  }
0xab: {  	s6 =	sld [smem:$0x0]  }
0xac: {  	s7 =	sand.u32 $0xFFFFFFFE, s1  }
0xad: {  	p0 =	sne.s32 s1, s7  }
0xae: {  	s7 =	sshll.u32 @p0 s7, $0xE  }
0xaf: {  	s7 =	sadd.s32 @p0 $0x11B8D, s7;
	s8 =	sshll.u32 @p0 s6, $0x11  }
0xb0: {  	s7 =	sor.u32 @p0 s8, s7  }
0xb1: {  	[sflag:s7] =	ssyncadd.remote.s32 @p0 $0x1;
	_ =	sdelay $0x1  }
0xb2: {  	s7 =	simm.s32 @p0 $0x1B8D  }
0xb3: {  	_ =	swait.eq @p0 [sflag:s7], $0x1  }
0xb4: {  	[sflag:s7] =	ssyncadd.s32 @p0 $0xFFFFFFFF  }
0xb5: {  	s8 =	sshll.u32 @!p0 s1, $0xE  }
0xb6: {  	s8 =	sor.u32 @!p0 $0x4000, s8;
	s7 =	simm.s32 @!p0 $0x1B8D  }
0xb7: {  	s6 =	sshll.u32 @!p0 s6, $0x11;
	s8 =	sadd.s32 @!p0 $0x11B8D, s8;
	_ =	swait.eq @!p0 [sflag:s7], $0x1  }
0xb8: {  	s6 =	sor.u32 @!p0 s6, s8;
	[sflag:s7] =	ssyncadd.s32 @!p0 $0xFFFFFFFF  }
0xb9: {  	s25 =	simm.s32 $0x1B8E;
	s24 =	sld [smem:$0x3FFE];
	[sflag:s6] =	ssyncadd.remote.s32 @!p0 $0x1  }
0xba: {  	s26 =	simm.s32 $execute0_lowered;
	[smem:$0x3FD2] =	sst s25  }
0xbb: {  	s7 =	sshll.u32 s26, $0x1;
	_ =	strace $0x80000049;
	[dreg:$0x1] =	wrdreg $0xFFFFFFFF  }
0xbc: {  	s28 =	simm.s32 $_size_execute0_lowered;
	s5 =	sadd.s32 s5, s7;
	[dreg:$0x0] =	wrdreg $0x0  }
0xbd: {  	s7 =	sshll.u32 s28, $0x1;
	[dreg:$0x2] =	wrdreg s5  }
0xbe: {  	[dreg:$0x3] =	wrdreg s7  }
0xbf: {  	[dreg:$0x4] =	wrdreg $0xC0  }
0xc0: {  	_ =	task [dreg:s22], $0x5FFFF  }
0xc1: {  	[dreg:$0x1] =	wrdreg $0xFFFFFFFF  }
0xc2: {  	[dreg:$0x0] =	wrdreg $0x60  }
0xc3: {  	[dreg:$0x2] =	wrdreg s24  }
0xc4: {  	[dreg:$0x3] =	wrdreg s17  }
0xc5: {  	[dreg:$0x4] =	wrdreg s18  }
0xc6: {  	[dreg:$0x5] =	wrdreg $0xA  }
0xc7: {  	_ =	task.clear_ibuf [dreg:s22], $0x6FFFF;
	_ =	strace $0x90000049  }
0xc8: {  	s29 =	simm.s32 $0xA;
	_ =	strace $0x8000004B  }
0xc9: {  	_ =	swait.ge [sflag:s29], $0x1  }
0xca: {  	[sflag:s29] =	ssyncadd.s32 $0xFFFFFFFF  }
0xcb: {  	_ =	strace $0x9000004B  }
0xcc: {  	_ =	sfence  }
0xcd: {  	s30 =	sld [smem:$0x0];
	_ =	sdelay $0x2  }
0xce: {  	s31 =	sshll.u32 s1, $0xD;
	s1 =	sshrl.u32 s1, $0x2  }
0xcf: {  	s4 =	sand.u32 $0x4000, s31;
	s1 =	sadd.s32 s1, s30  }
0xd0: {  	s0 =	sor.u32 s4, s0;
	s1 =	sshll.u32 s1, $0x11  }
0xd1: {  	s0 =	sor.u32 s1, s0  }
0xd2: {  	s0 =	sadd.s32 $0x8F2B, s0  }
0xd3: {  	[sflag:s0] =	ssyncadd.remote.s32 $0x1  }
0xd4: {  	_ =	sfence.sel $0xFFFF  }
0xd5: {  	[dreg:$0x0] =	wrdreg $0xFFFFFFFF;
	(pc) =	sbr.abs _section_cstart, $3  }
0xd6: {  	[dreg:$0x1] =	wrdreg $0xFFFFFFFF  }
0xd7: {  	_ =	task.clear_ibuf [dreg:s22], $0x2FFFF;
	_ =	strace $0x9FFFFFFF  }
0xd8: {  	(tm) =	ssettm $0x7FFFFFFF  }
0xd9: {  	_ =	shalt  }
tec
execute0_lowered:
.L_overlay_start_1:
0x0: {  	(tag) =	ssettag $0x1  }
0x1: {  	v0 =	vimm.s32 $0xFEDCBA9;
	v1 =	vimm.s32 $0x87654321  }
0x2: {  	v3 =	vimm.s32 $0x98765432;
	v4 =	vimm.s32 $0x210FEDCB;
	v5 =	vimm.s32 $0xA9876543  }
0x3: {  	v6 =	vimm.s32 $0x7654321;
	v7 =	vimm.s32 $0x3210FEDC;
	v8 =	vimm.s32 $0xBA987654  }
0x4: {  	v9 =	vimm.s32 $0x43210FED;
	v10 =	vimm.s32 $0xCBA98765;
	v11 =	vimm.s32 $0x21076543  }
0x5: {  	v12 =	vimm.s32 $0x543210FE;
	v14 =	vimm.s32 $0xDCBA9876;
	v27 =	vimm.s32 $0xFEDCBA98  }
0x6: {  	v28 =	vimm.s32 $0x76543210;
	v62 =	vimm.s32 $0x65432107;
	v0 =	vunpack.c.l.s4.s8 v0  }
0x7: {  	v1 =	vunpack.c.l.s4.s8 v1;
	v3 =	vunpack.c.l.s4.s8 v3;
	v4 =	vunpack.c.l.s4.s8 v4  }
0x8: {  	v5 =	vunpack.c.l.s4.s8 v5;
	v6 =	vunpack.c.l.s4.s8 v6;
	v7 =	vunpack.c.l.s4.s8 v7  }
0x9: {  	v8 =	vunpack.c.l.s4.s8 v8;
	v9 =	vunpack.c.l.s4.s8 v9;
	v10 =	vunpack.c.l.s4.s8 v10  }
0xa: {  	v11 =	vunpack.c.l.s4.s8 v11;
	v12 =	vunpack.c.l.s4.s8 v12;
	v14 =	vunpack.c.l.s4.s8 v14  }
0xb: {  	v27 =	vunpack.c.l.s4.s8 v27;
	v28 =	vunpack.c.l.s4.s8 v28;
	v15 =	vunpack.c.0.s8.s32 v0  }
0xc: {  	v16 =	vunpack.c.0.s8.s32 v1;
	v0 =	vlaneseq.u32;
	v1 =	vimm.s32 $0x10FEDCBA  }
0xd: {  	v18 =	vunpack.c.0.s8.s32 v3;
	v3 =	vimm.s32 $0x10765432;
	v19 =	vunpack.c.0.s8.s32 v4  }
0xe: {  	v20 =	vunpack.c.0.s8.s32 v5;
	v21 =	vunpack.c.0.s8.s32 v7;
	v22 =	vunpack.c.0.s8.s32 v8  }
0xf: {  	v8 =	vimm.s32 $0x32107654;
	v23 =	vunpack.c.0.s8.s32 v9;
	v24 =	vunpack.c.0.s8.s32 v10  }
0x10: {  	v7 =	vunpack.c.0.s8.s32 v11;
	v25 =	vunpack.c.0.s8.s32 v12;
	v26 =	vunpack.c.0.s8.s32 v14  }
0x11: {  	v12 =	vimm.s32 $0x54321076;
	v14 =	vimm.s32 $0xEDCBA987;
	v60 =	vunpack.c.0.s8.s32 v28  }
0x12: {  	v1 =	vunpack.c.l.s4.s8 v1;
	v5 =	vunpack.c.l.s4.s8 v3;
	v3 =	vunpack.c.0.s8.s32 v6  }
0x13: {  	v10 =	vunpack.c.l.s4.s8 v8;
	v2 =	vcombine.low v16, v15;
	v6 =	vcombine.low v20, v19  }
0x14: {  	s6 =	rddreg [dreg:$0x0];
	v8 =	vimm.s32 $0x43210765;
	v9 =	vcombine.low v22, v21;
	v11 =	vcombine.low v24, v23  }
0x15: {  	s7 =	rddreg [dreg:$0x1];
	v14 =	vunpack.c.l.s4.s8 v14;
	v29 =	vcombine.low v26, v25;
	v63 =	vcombine.low v15, v16  }
0x16: {  	s1 =	srdreg.scid;
	s0 =	stileid.u32;
	v30 =	vunpack.c.l.s4.s8 v12;
	v19 =	vcombine.low v19, v20;
	v20 =	vcombine.low v21, v22  }
0x17: {  	s2 =	rddreg [dreg:$0x2];
	s3 =	simm.s32 $0x0;
	s14 =	simm.s32 $0x7900;
	v13 =	vunpack.c.l.s4.s8 v8;
	v21 =	vcombine.low v23, v24;
	v22 =	vcombine.low v25, v26  }
0x18: {  	s15 =	simm.s32 $0x1;
	s16 =	simm.s32 $0x2;
	s17 =	simm.s32 $0x3;
	v17 =	vunpack.c.0.s8.s32 v1;
	v1 =	vand.u32 $0x7, v0;
	v5 =	vunpack.c.0.s8.s32 v5  }
0x19: {  	s8 =	sand.u32 $0x1, s1;
	s4 =	sshll.u32 s0, $0x1;
	[smem:$0x7FF] =	sst s3;
	v32 =	vunpack.c.0.s8.s32 v14;
	v14 =	vunpack.c.0.s8.s32 v27;
	v2 =	vand.u32 $0xF, v2  }
0x1a: {  	s5 =	sadd.s32 $0x1000, s6;
	s28 =	smul.u32 $0x640, s0;
	s9 =	sor.u32 s8, s4;
	v6 =	vand.u32 $0xF, v6;
	v8 =	vand.u32 $0xF, v9;
	v9 =	vunpack.c.0.s8.s32 v10  }
0x1b: {  	s18 =	simm.s32 $0x0;
	s6 =	sadd.s32 $0x5C4600, s6;
	s4 =	smul.u32 $0x32, s9;
	v10 =	vand.u32 $0xF, v11;
	v11 =	vunpack.c.0.s8.s32 v13;
	v13 =	vimm.s32 $0x6543210F  }
0x1c: {  	s1 =	rddreg [dreg:$0x3];
	_ =	strace $0x8000004A;
	s29 =	smul.u32 $0x320, s8;
	v12 =	vand.u32 $0xF, v29;
	v29 =	vunpack.c.l.s4.s8 v62;
	v13 =	vunpack.c.l.s4.s8 v13  }
0x1d: {  	s11 =	ssub.s32 $0x2, s8;
	s9 =	smul.u32 $0x1900, s9;
	s10 =	sshrl.u32 s4, $0x5;
	v19 =	vand.u32 $0xF, v19;
	v20 =	vand.u32 $0xF, v20;
	v21 =	vand.u32 $0xF, v21  }
0x1e: {  	s13 =	sshrl.u32 s11, $0x1;
	s31 =	sadd.s32 s28, s7;
	s12 =	sshll.u32 s10, $0xC;
	v4 =	vcombine.low v18, v17;
	v14 =	vand.u32 $0xF, v14;
	v31 =	vunpack.c.0.s8.s32 v13  }
0x1f: {  	s30 =	ssub.s32 s11, s13;
	s10 =	sshll.u32 s10, $0x10;
	s9 =	ssub.s32 s9, s12;
	v22 =	vand.u32 $0xF, v22;
	v18 =	vcombine.low v17, v18;
	v14 =	vcombine.low v14, v60  }
0x20: {  	s11 =	simm.s32 $0x80;
	s13 =	simm.s32 $0x1000;
	s9 =	sadd.s32 s10, s9;
	v17 =	vand.u32 $0xF, v63;
	v61 =	vcombine.low v32, v31;
	v23 =	vcombine.low v31, v32  }
0x21: {  	s8 =	smax.u32 s30, $0x1;
	s12 =	simm.s32 $0x1900;
	s9 =	sshrl.u32 s9, $0x3;
	v16 =	vunpack.c.0.s8.s32 v29;
	v4 =	vand.u32 $0xF, v4;
	v13 =	vunpack.c.0.s8.s32 v30  }
0x22: {  	s10 =	simm.s32 $0x4;
	s7 =	sadd.s32 s2, s9;
	s9 =	sadd.s32 s29, s31;
	v18 =	vand.u32 $0xF, v18;
	v15 =	vand.u32 $0xF, v61;
	v23 =	vand.u32 $0xF, v23  }
.LBB2_1:
0x23: {  	s19 =	sadd.s32 $0x0, s9  }
0x24: {  	[tilespmem:s3], [sflag:$0x4] =	stream.linear.gather [hbm4b:s19+s3], $0x80, $0x38;
	[tilespmem:$0xD100] =	vst v63  }
0x25: {  	_ =	swait.ge [sflag:s10], $0x80  }
0x26: {  	s20 =	simm.s32 $0x0;
	s19 =	simm.s32 $0x10;
	[sflag:s10] =	ssyncset.done $0x0  }
.LBB2_2:
0x27: {  	s21 =	sadd.s32 s19, s9  }
0x28: {  	[sflag:s10] =	ssyncadd.s32 $0xFFFFFF80;
	s20 =	sadd.s32 $0x80, s20;
	p0 =	sne.s32 s19, $0x310  }
0x29: {  	[tilespmem:s20], [sflag:$0x4] =	stream.linear.gather [hbm4b:s21+s3], $0x80, $0x38;
	[tilespmem:$0xD100] =	vst v63  }
.Ltmp0:
0x2a: {  	_ = 	snop;
	(pc) =	sbr.rel @p0 .LBB2_2-.Ltmp0, $4  }
0x2b: {  	_ = 	snop  }
0x2c: {  	s19 =	sadd.s32 $0x10, s19  }
0x2d: {  	_ =	swait.ge [sflag:s10], $0x80  }
0x2e: {  	[sflag:s10] =	ssyncset.done $0x0  }
0x2f: {  	[sflag:s10] =	ssyncadd.s32 $0xFFFFFF80;
	s19 =	simm.s32 $0x0  }
0x30: {  	[tilespmem:s12], [sflag:$0x1] =	stream.indirect.gather [hbm4b:s5+s11], $0x40, s19, s11, $0xb8;
	[tilespmem:$0xD100] =	vst v63  }
0x31: {  	_ = 	snop  }
0x32: {  	[tilespmem:s14], [sflag:$0x2] =	stream.strided.gather [hbm4b:s7+s11], $0x800, s13, s11, $0x38;
	[tilespmem:$0xD100] =	vst v63  }
.LBB2_4:
0x33: {  	p0 =	slt.u32 s19, $0x2  }
0x34: {  	s20 =	simm.s32 @!p0 $0x3  }
0x35: {  	p1 =	seq.s32 @!p0 s19, $0x31;
	_ =	swait.ge @!p0 [sflag:s20], $0x2800  }
0x36: {  	p1 =	por p0, !p1;
	[sflag:s20] =	ssyncset.done @!p0 $0x0  }
0x37: {  	[sflag:s20] =	ssyncadd.s32 @!p0 $0xFFFFD800;
	s20 =	sadd.s32 @p1 $0x1, s19  }
0x38: {  	s21 =	sshll.u32 @p1 s20, $0xD  }
0x39: {  	s22 =	sshll.u32 @p1 s20, $0x7;
	s21 =	sand.u32 @p1 $0x2000, s21  }
0x3a: {  	s23 =	smul.u32 @p1 $0xAB, s20;
	s22 =	sand.u32 @p1 $0x3FFFFF80, s22;
	s21 =	sor.u32 @p1 $0x1900, s21  }
0x3b: {  	[tilespmem:s21], [sflag:$0x1] =	stream.indirect.gather @p1 [hbm4b:s5+s11], $0x40, s22, s11, $0xb8;
	[tilespmem:$0xD100] =	vst v63  }
0x3c: {  	s21 =	sshrl.u32 @p1 s23, $0x9  }
0x3d: {  	s21 =	sand.u32 @p1 $0x7F, s21  }
0x3e: {  	s21 =	smul.u32 @p1 $0x3, s21  }
0x3f: {  	s22 =	sadd.s32 @p1 s4, s20  }
0x40: {  	s23 =	sshrl.u32 @p1 s22, $0x5;
	s20 =	ssub.s32 @p1 s20, s21  }
0x41: {  	s21 =	sshll.u32 @p1 s22, $0x7;
	s22 =	sshll.u32 @p1 s23, $0xC;
	s20 =	sand.u32 @p1 $0xFF, s20  }
0x42: {  	s23 =	sshll.u32 @p1 s23, $0x10;
	s21 =	ssub.s32 @p1 s21, s22;
	s20 =	smul.u32 @p1 $0xA000, s20  }
0x43: {  	s31 =	simm.s32 $0x0;
	s21 =	sadd.s32 @p1 s23, s21  }
0x44: {  	s22 =	simm.s32 $0x0;
	s21 =	sshrl.u32 @p1 s21, $0x3;
	s20 =	sshrl.u32 @p1 s20, $0x2  }
0x45: {  	s24 =	smul.u32 $0xAB, s19;
	v26 =	vor.u32 s31, v0;
	v24 =	vor.u32 s22, v0;
	s21 =	sadd.s32 @p1 s2, s21;
	s20 =	sadd.s32 @p1 $0x7900, s20  }
0x46: {  	v27 =	vand.u32 $0xFFFFFFF8, v26;
	v25 =	vshll.u32 v24, $0x6;
	[tilespmem:s20], [sflag:$0x2] =	stream.strided.gather @p1 [hbm4b:s21+s11], $0x800, s13, s11, $0x38;
	[tilespmem:$0xD100] =	vst v63  }
0x47: {  	v27 =	vadd.s32 v25, v27;
	_ =	swait.ge [sflag:s15], $0x2000  }
0x48: {  	v27 =	vor.u32 v1, v27;
	s20 =	sshrl.u32 s24, $0x9;
	[sflag:s15] =	ssyncset.done $0x0  }
0x49: {  	s20 =	sand.u32 $0x7F, s20;
	[sflag:s15] =	ssyncadd.s32 $0xFFFFE000  }
0x4a: {  	s25 =	sshll.u32 s19, $0xD;
	s20 =	smul.u32 $0x3, s20;
	_ =	swait.ge [sflag:s16], $0x800  }
0x4b: {  	v28 =	vor.u32 s31, v2;
	v26 =	vshll.u32 v26, $0x7;
	v24 =	vand.u32 $0x78, v24;
	s21 =	sand.u32 $0x2000, s25;
	[sflag:s16] =	ssyncset.done $0x0  }
0x4c: {  	v29 =	vand.u32 $0xFFFFFFF8, v28;
	v26 =	vor.u32 v24, v26;
	s26 =	ssub.s32 s19, s20;
	s20 =	sor.u32 $0x1900, s21;
	[sflag:s16] =	ssyncadd.s32 $0xFFFFF800  }
0x4d: {  	v29 =	vadd.s32 v25, v29;
	v26 =	vor.u32 v1, v26;
	s29 =	sand.u32 $0xFF, s26;
	v27 =	vld.idx.msk [tilespmem:v27+s20+$0x0], $0xffff  }
0x4e: {  	v29 =	vor.u32 v3, v29;
	s21 =	smul.u32 $0xA000, s29;
	_ =	sdelay $0x1  }
0x4f: {  	s21 =	sshrl.u32 s21, $0x2  }
0x50: {  	v30 =	vor.u32 s31, v4;
	v28 =	vshll.u32 v28, $0x7;
	s21 =	sadd.s32 $0x5900, s21  }
0x51: {  	[tilespmem:v26+s21+$0x0] =	vst.idx.msk $0xffff, v27;
	v26 =	vor.u32 v24, v28;
	v27 =	vand.u32 $0xFFFFFFF8, v30  }
0x52: {  	v28 =	vld.idx.msk [tilespmem:v29+s20+$0x0], $0xffff;
	v26 =	vor.u32 v1, v26;
	v27 =	vadd.s32 v25, v27  }
0x53: {  	v27 =	vor.u32 v5, v27;
	_ =	sdelay $0x2  }
0x54: {  	v29 =	vshll.u32 v30, $0x7;
	v30 =	vor.u32 s31, v6  }
0x55: {  	[tilespmem:v26+s21+$0x0] =	vst.idx.msk $0xffff, v28;
	v26 =	vor.u32 v24, v29;
	v28 =	vand.u32 $0xFFFFFFF8, v30  }
0x56: {  	v27 =	vld.idx.msk [tilespmem:v27+s20+$0x0], $0xffff;
	v26 =	vor.u32 v1, v26;
	v28 =	vadd.s32 v25, v28  }
0x57: {  	v28 =	vor.u32 v7, v28;
	_ =	sdelay $0x2  }
0x58: {  	v29 =	vshll.u32 v30, $0x7;
	v30 =	vor.u32 s31, v8  }
0x59: {  	[tilespmem:v26+s21+$0x0] =	vst.idx.msk $0xffff, v27;
	v26 =	vor.u32 v24, v29;
	v27 =	vand.u32 $0xFFFFFFF8, v30  }
0x5a: {  	v28 =	vld.idx.msk [tilespmem:v28+s20+$0x0], $0xffff;
	v26 =	vor.u32 v1, v26;
	v27 =	vadd.s32 v25, v27  }
0x5b: {  	v27 =	vor.u32 v9, v27;
	_ =	sdelay $0x2  }
0x5c: {  	v29 =	vshll.u32 v30, $0x7;
	v30 =	vor.u32 s31, v10  }
0x5d: {  	[tilespmem:v26+s21+$0x0] =	vst.idx.msk $0xffff, v28;
	v26 =	vor.u32 v24, v29;
	v28 =	vand.u32 $0xFFFFFFF8, v30  }
0x5e: {  	v27 =	vld.idx.msk [tilespmem:v27+s20+$0x0], $0xffff;
	v26 =	vor.u32 v1, v26;
	v28 =	vadd.s32 v25, v28  }
0x5f: {  	v28 =	vor.u32 v11, v28;
	_ =	sdelay $0x2  }
0x60: {  	v29 =	vshll.u32 v30, $0x7;
	v30 =	vor.u32 s31, v12  }
0x61: {  	[tilespmem:v26+s21+$0x0] =	vst.idx.msk $0xffff, v27;
	v26 =	vor.u32 v24, v29;
	v27 =	vand.u32 $0xFFFFFFF8, v30  }
0x62: {  	v28 =	vld.idx.msk [tilespmem:v28+s20+$0x0], $0xffff;
	v26 =	vor.u32 v1, v26;
	v27 =	vadd.s32 v25, v27  }
0x63: {  	v27 =	vor.u32 v13, v27;
	_ =	sdelay $0x2  }
0x64: {  	v29 =	vshll.u32 v30, $0x7;
	v30 =	vor.u32 s31, v15  }
0x65: {  	[tilespmem:v26+s21+$0x0] =	vst.idx.msk $0xffff, v28;
	v26 =	vor.u32 v24, v29;
	v28 =	vand.u32 $0xFFFFFFF8, v30  }
0x66: {  	v27 =	vld.idx.msk [tilespmem:v27+s20+$0x0], $0xffff;
	v26 =	vor.u32 v1, v26;
	v28 =	vadd.s32 v25, v28  }
0x67: {  	v28 =	vor.u32 v16, v28;
	_ =	sdelay $0x2  }
0x68: {  	v29 =	vshll.u32 v30, $0x7;
	v30 =	vor.u32 s31, v14  }
0x69: {  	[tilespmem:v26+s21+$0x0] =	vst.idx.msk $0xffff, v27;
	v26 =	vor.u32 v24, v29;
	v27 =	vand.u32 $0xFFFFFFF8, v30  }
0x6a: {  	v28 =	vld.idx.msk [tilespmem:v28+s20+$0x0], $0xffff;
	v26 =	vor.u32 v1, v26;
	v27 =	vadd.s32 v25, v27  }
0x6b: {  	v27 =	vor.u32 v1, v27;
	_ =	sdelay $0x2  }
0x6c: {  	v29 =	vshll.u32 v30, $0x7;
	v30 =	vor.u32 s31, v17  }
0x6d: {  	[tilespmem:v26+s21+$0x0] =	vst.idx.msk $0xffff, v28;
	v26 =	vor.u32 v24, v29;
	v28 =	vand.u32 $0xFFFFFFF8, v30  }
0x6e: {  	v27 =	vld.idx.msk [tilespmem:v27+s20+$0x0], $0xffff;
	v26 =	vor.u32 v1, v26;
	v28 =	vadd.s32 v25, v28  }
0x6f: {  	v28 =	vor.u32 v3, v28;
	_ =	sdelay $0x2  }
0x70: {  	v29 =	vshll.u32 v30, $0x7;
	v30 =	vor.u32 s31, v18  }
0x71: {  	[tilespmem:v26+s21+$0x0] =	vst.idx.msk $0xffff, v27;
	v26 =	vor.u32 v24, v29;
	v27 =	vand.u32 $0xFFFFFFF8, v30  }
0x72: {  	v28 =	vld.idx.msk [tilespmem:v28+s20+$0x0], $0xffff;
	v26 =	vor.u32 v1, v26;
	v27 =	vadd.s32 v25, v27  }
0x73: {  	v27 =	vor.u32 v5, v27;
	_ =	sdelay $0x2  }
0x74: {  	v29 =	vshll.u32 v30, $0x7;
	v30 =	vor.u32 s31, v19  }
0x75: {  	[tilespmem:v26+s21+$0x0] =	vst.idx.msk $0xffff, v28;
	v26 =	vor.u32 v24, v29;
	v28 =	vand.u32 $0xFFFFFFF8, v30  }
0x76: {  	v27 =	vld.idx.msk [tilespmem:v27+s20+$0x0], $0xffff;
	v26 =	vor.u32 v1, v26;
	v28 =	vadd.s32 v25, v28  }
0x77: {  	v28 =	vor.u32 v7, v28;
	_ =	sdelay $0x2  }
0x78: {  	v29 =	vshll.u32 v30, $0x7;
	v30 =	vor.u32 s31, v20  }
0x79: {  	[tilespmem:v26+s21+$0x0] =	vst.idx.msk $0xffff, v27;
	v26 =	vor.u32 v24, v29;
	v27 =	vand.u32 $0xFFFFFFF8, v30  }
0x7a: {  	v28 =	vld.idx.msk [tilespmem:v28+s20+$0x0], $0xffff;
	v26 =	vor.u32 v1, v26;
	v27 =	vadd.s32 v25, v27  }
0x7b: {  	v27 =	vor.u32 v9, v27;
	_ =	sdelay $0x2  }
0x7c: {  	v29 =	vshll.u32 v30, $0x7;
	v30 =	vor.u32 s31, v21  }
0x7d: {  	[tilespmem:v26+s21+$0x0] =	vst.idx.msk $0xffff, v28;
	v26 =	vor.u32 v24, v29;
	v28 =	vand.u32 $0xFFFFFFF8, v30  }
0x7e: {  	v27 =	vld.idx.msk [tilespmem:v27+s20+$0x0], $0xffff;
	v26 =	vor.u32 v1, v26;
	v28 =	vadd.s32 v25, v28  }
0x7f: {  	v28 =	vor.u32 v11, v28;
	_ =	sdelay $0x2  }
0x80: {  	v29 =	vshll.u32 v30, $0x7;
	v30 =	vor.u32 s31, v22  }
0x81: {  	[tilespmem:v26+s21+$0x0] =	vst.idx.msk $0xffff, v27;
	v26 =	vor.u32 v24, v29;
	v27 =	vand.u32 $0xFFFFFFF8, v30  }
0x82: {  	v28 =	vld.idx.msk [tilespmem:v28+s20+$0x0], $0xffff;
	v29 =	vor.u32 v1, v26;
	v26 =	vadd.s32 v25, v27  }
0x83: {  	v27 =	vor.u32 v13, v26;
	_ =	sdelay $0x2  }
0x84: {  	v30 =	vshll.u32 v30, $0x7;
	v26 =	vor.u32 s31, v23  }
0x85: {  	s24 =	sadd.s32 s4, s19;
	v31 =	vand.u32 $0xFFFFFFF8, v26;
	[tilespmem:v29+s21+$0x0] =	vst.idx.msk $0xffff, v28;
	v28 =	vor.u32 v24, v30  }
0x86: {  	s22 =	sshrl.u32 s24, $0x5;
	v25 =	vadd.s32 v25, v31;
	v27 =	vld.idx.msk [tilespmem:v27+s20+$0x0], $0xffff;
	v29 =	vor.u32 v1, v28  }
0x87: {  	s28 =	simm.s32 $0x0;
	s30 =	sshll.u32 s24, $0x7;
	s31 =	sshll.u32 s22, $0xC;
	v28 =	vor.u32 v16, v25  }
0x88: {  	s25 =	simm.s32 $0x2;
	s24 =	simm.s32 $0x0;
	s23 =	ssub.s32 s30, s31  }
.LBB2_5:
0x89: {  	p0 =	sne.s32 s25, $0x1F;
	s26 =	sshll.u32 s28, $0x6;
	s24 =	sadd.s32 $0x10, s24  }
0x8a: {  	s28 =	sshll.u32 s28, $0x4;
	s26 =	ssub.s32 s24, s26  }
0x8b: {  	v26 =	vshll.u32 v26, $0x7;
	v30 =	vor.u32 s28, v0;
	v31 =	vor.u32 s26, v0;
	[tilespmem:v29+s21+$0x0] =	vst.idx.msk $0xffff, v27  }
0x8c: {  	v24 =	vor.u32 v24, v26;
	v25 =	vshll.u32 v30, $0x6;
	v27 =	vand.u32 $0xFFFFFFF8, v31;
	v28 =	vld.idx.msk [tilespmem:v28+s20+$0x0], $0xffff  }
0x8d: {  	v26 =	vadd.s32 v25, v27;
	v27 =	vor.u32 v1, v24  }
0x8e: {  	v26 =	vor.u32 v1, v26;
	_ =	sdelay $0x3  }
0x8f: {  	v29 =	vshll.u32 v31, $0x7;
	v24 =	vand.u32 $0x78, v30;
	v30 =	vor.u32 s26, v2;
	[tilespmem:v27+s21+$0x0] =	vst.idx.msk $0xffff, v28  }
0x90: {  	v27 =	vor.u32 v24, v29;
	v28 =	vand.u32 $0xFFFFFFF8, v30;
	v26 =	vld.idx.msk [tilespmem:v26+s20+$0x0], $0xffff  }
0x91: {  	v27 =	vor.u32 v1, v27;
	v28 =	vadd.s32 v25, v28  }
0x92: {  	v28 =	vor.u32 v3, v28;
	_ =	sdelay $0x3  }
0x93: {  	[tilespmem:v27+s21+$0x0] =	vst.idx.msk $0xffff, v26;
	v26 =	vshll.u32 v30, $0x7;
	v27 =	vor.u32 s26, v4  }
0x94: {  	v28 =	vld.idx.msk [tilespmem:v28+s20+$0x0], $0xffff;
	v26 =	vor.u32 v24, v26;
	v29 =	vand.u32 $0xFFFFFFF8, v27  }
0x95: {  	v26 =	vor.u32 v1, v26;
	v29 =	vadd.s32 v25, v29  }
0x96: {  	v29 =	vor.u32 v5, v29;
	_ =	sdelay $0x3  }
0x97: {  	[tilespmem:v26+s21+$0x0] =	vst.idx.msk $0xffff, v28;
	v26 =	vshll.u32 v27, $0x7;
	v27 =	vor.u32 s26, v6  }
0x98: {  	v28 =	vld.idx.msk [tilespmem:v29+s20+$0x0], $0xffff;
	v26 =	vor.u32 v24, v26;
	v29 =	vand.u32 $0xFFFFFFF8, v27  }
0x99: {  	v26 =	vor.u32 v1, v26;
	v29 =	vadd.s32 v25, v29  }
0x9a: {  	v29 =	vor.u32 v7, v29;
	_ =	sdelay $0x3  }
0x9b: {  	[tilespmem:v26+s21+$0x0] =	vst.idx.msk $0xffff, v28;
	v26 =	vshll.u32 v27, $0x7;
	v27 =	vor.u32 s26, v8  }
0x9c: {  	v28 =	vld.idx.msk [tilespmem:v29+s20+$0x0], $0xffff;
	v26 =	vor.u32 v24, v26;
	v29 =	vand.u32 $0xFFFFFFF8, v27  }
0x9d: {  	v26 =	vor.u32 v1, v26;
	v29 =	vadd.s32 v25, v29  }
0x9e: {  	v29 =	vor.u32 v9, v29;
	_ =	sdelay $0x3  }
0x9f: {  	[tilespmem:v26+s21+$0x0] =	vst.idx.msk $0xffff, v28;
	v26 =	vshll.u32 v27, $0x7;
	v27 =	vor.u32 s26, v10  }
0xa0: {  	v28 =	vld.idx.msk [tilespmem:v29+s20+$0x0], $0xffff;
	v26 =	vor.u32 v24, v26;
	v29 =	vand.u32 $0xFFFFFFF8, v27  }
0xa1: {  	v26 =	vor.u32 v1, v26;
	v29 =	vadd.s32 v25, v29  }
0xa2: {  	v29 =	vor.u32 v11, v29;
	_ =	sdelay $0x3  }
0xa3: {  	[tilespmem:v26+s21+$0x0] =	vst.idx.msk $0xffff, v28;
	v26 =	vshll.u32 v27, $0x7;
	v27 =	vor.u32 s26, v12  }
0xa4: {  	v28 =	vld.idx.msk [tilespmem:v29+s20+$0x0], $0xffff;
	v26 =	vor.u32 v24, v26;
	v29 =	vand.u32 $0xFFFFFFF8, v27  }
0xa5: {  	v26 =	vor.u32 v1, v26;
	v29 =	vadd.s32 v25, v29  }
0xa6: {  	v29 =	vor.u32 v13, v29;
	_ =	sdelay $0x3  }
0xa7: {  	[tilespmem:v26+s21+$0x0] =	vst.idx.msk $0xffff, v28;
	v26 =	vshll.u32 v27, $0x7;
	v27 =	vor.u32 s26, v15  }
0xa8: {  	v28 =	vld.idx.msk [tilespmem:v29+s20+$0x0], $0xffff;
	v26 =	vor.u32 v24, v26;
	v29 =	vand.u32 $0xFFFFFFF8, v27  }
0xa9: {  	v26 =	vor.u32 v1, v26;
	v29 =	vadd.s32 v25, v29  }
0xaa: {  	v29 =	vor.u32 v16, v29;
	_ =	sdelay $0x3  }
0xab: {  	[tilespmem:v26+s21+$0x0] =	vst.idx.msk $0xffff, v28;
	v26 =	vshll.u32 v27, $0x7;
	v27 =	vor.u32 s26, v14  }
0xac: {  	v28 =	vld.idx.msk [tilespmem:v29+s20+$0x0], $0xffff;
	v26 =	vor.u32 v24, v26;
	v29 =	vand.u32 $0xFFFFFFF8, v27  }
0xad: {  	v26 =	vor.u32 v1, v26;
	v29 =	vadd.s32 v25, v29  }
0xae: {  	v29 =	vor.u32 v1, v29;
	_ =	sdelay $0x3  }
0xaf: {  	[tilespmem:v26+s21+$0x0] =	vst.idx.msk $0xffff, v28;
	v26 =	vshll.u32 v27, $0x7;
	v27 =	vor.u32 s26, v17  }
0xb0: {  	v28 =	vld.idx.msk [tilespmem:v29+s20+$0x0], $0xffff;
	v26 =	vor.u32 v24, v26;
	v29 =	vand.u32 $0xFFFFFFF8, v27  }
0xb1: {  	v26 =	vor.u32 v1, v26;
	v29 =	vadd.s32 v25, v29  }
0xb2: {  	v29 =	vor.u32 v3, v29;
	_ =	sdelay $0x3  }
0xb3: {  	[tilespmem:v26+s21+$0x0] =	vst.idx.msk $0xffff, v28;
	v26 =	vshll.u32 v27, $0x7;
	v27 =	vor.u32 s26, v18  }
0xb4: {  	v28 =	vld.idx.msk [tilespmem:v29+s20+$0x0], $0xffff;
	v26 =	vor.u32 v24, v26;
	v29 =	vand.u32 $0xFFFFFFF8, v27  }
0xb5: {  	v26 =	vor.u32 v1, v26;
	v29 =	vadd.s32 v25, v29  }
0xb6: {  	v29 =	vor.u32 v5, v29;
	_ =	sdelay $0x3  }
0xb7: {  	[tilespmem:v26+s21+$0x0] =	vst.idx.msk $0xffff, v28;
	v26 =	vshll.u32 v27, $0x7;
	v27 =	vor.u32 s26, v19  }
0xb8: {  	v28 =	vld.idx.msk [tilespmem:v29+s20+$0x0], $0xffff;
	v26 =	vor.u32 v24, v26;
	v29 =	vand.u32 $0xFFFFFFF8, v27  }
0xb9: {  	v26 =	vor.u32 v1, v26;
	v29 =	vadd.s32 v25, v29  }
0xba: {  	v29 =	vor.u32 v7, v29;
	_ =	sdelay $0x3  }
0xbb: {  	[tilespmem:v26+s21+$0x0] =	vst.idx.msk $0xffff, v28;
	v26 =	vshll.u32 v27, $0x7;
	v27 =	vor.u32 s26, v20  }
0xbc: {  	v28 =	vld.idx.msk [tilespmem:v29+s20+$0x0], $0xffff;
	v26 =	vor.u32 v24, v26;
	v29 =	vand.u32 $0xFFFFFFF8, v27  }
0xbd: {  	v26 =	vor.u32 v1, v26;
	v29 =	vadd.s32 v25, v29  }
0xbe: {  	v29 =	vor.u32 v9, v29;
	_ =	sdelay $0x3  }
0xbf: {  	[tilespmem:v26+s21+$0x0] =	vst.idx.msk $0xffff, v28;
	v26 =	vshll.u32 v27, $0x7;
	v27 =	vor.u32 s26, v21  }
0xc0: {  	v28 =	vld.idx.msk [tilespmem:v29+s20+$0x0], $0xffff;
	v26 =	vor.u32 v24, v26;
	v29 =	vand.u32 $0xFFFFFFF8, v27  }
0xc1: {  	v26 =	vor.u32 v1, v26;
	v29 =	vadd.s32 v25, v29  }
0xc2: {  	v29 =	vor.u32 v11, v29;
	_ =	sdelay $0x3  }
0xc3: {  	[tilespmem:v26+s21+$0x0] =	vst.idx.msk $0xffff, v28;
	v26 =	vshll.u32 v27, $0x7;
	v27 =	vor.u32 s26, v22  }
0xc4: {  	v28 =	vld.idx.msk [tilespmem:v29+s20+$0x0], $0xffff;
	v26 =	vor.u32 v24, v26;
	v29 =	vand.u32 $0xFFFFFFF8, v27  }
0xc5: {  	v26 =	vor.u32 v1, v26;
	v29 =	vadd.s32 v25, v29  }
0xc6: {  	v29 =	vor.u32 v13, v29;
	_ =	sdelay $0x3  }
.Ltmp1:
0xc7: {  	[tilespmem:v26+s21+$0x0] =	vst.idx.msk $0xffff, v28;
	v28 =	vshll.u32 v27, $0x7;
	v26 =	vor.u32 s26, v23;
	(pc) =	sbr.rel @p0 .LBB2_5-.Ltmp1, $4  }
0xc8: {  	v27 =	vld.idx.msk [tilespmem:v29+s20+$0x0], $0xffff;
	v28 =	vor.u32 v24, v28;
	v30 =	vand.u32 $0xFFFFFFF8, v26  }
0xc9: {  	v29 =	vor.u32 v1, v28;
	v25 =	vadd.s32 v25, v30  }
0xca: {  	v28 =	vor.u32 v16, v25  }
0xcb: {  	s28 =	sshrl.u32 s25, $0x2;
	s25 =	sadd.s32 $0x1, s25  }
0xcc: {  	_ = 	snop  }
0xcd: {  	s25 =	sshll.u32 s28, $0x6;
	s24 =	sadd.s32 $0x10, s24  }
0xce: {  	s30 =	sshll.u32 s28, $0x4;
	s24 =	ssub.s32 s24, s25  }
0xcf: {  	v26 =	vshll.u32 v26, $0x7;
	v30 =	vor.u32 s30, v0;
	v31 =	vor.u32 s24, v0  }
0xd0: {  	[tilespmem:v29+s21+$0x0] =	vst.idx.msk $0xffff, v27;
	v24 =	vor.u32 v24, v26;
	v25 =	vshll.u32 v30, $0x6;
	v62 =	vand.u32 $0xFFFFFFF8, v31  }
0xd1: {  	v63 =	vld.idx.msk [tilespmem:v28+s20+$0x0], $0xffff;
	v33 =	vor.u32 v1, v24;
	v27 =	vadd.s32 v25, v62  }
0xd2: {  	v27 =	vor.u32 v1, v27;
	_ =	sdelay $0x2  }
0xd3: {  	v24 =	vand.u32 $0x78, v30;
	v35 =	vor.u32 s24, v2;
	v34 =	vshll.u32 v31, $0x7  }
0xd4: {  	v37 =	vand.u32 $0xFFFFFFF8, v35;
	v36 =	vor.u32 v24, v34;
	[tilespmem:v33+s21+$0x0] =	vst.idx.msk $0xffff, v63  }
0xd5: {  	v28 =	vadd.s32 v25, v37;
	v26 =	vor.u32 v1, v36;
	v27 =	vld.idx.msk [tilespmem:v27+s20+$0x0], $0xffff  }
0xd6: {  	v28 =	vor.u32 v3, v28;
	_ =	sdelay $0x2  }
0xd7: {  	v39 =	vor.u32 s24, v4;
	v38 =	vshll.u32 v35, $0x7  }
0xd8: {  	v41 =	vand.u32 $0xFFFFFFF8, v39;
	v40 =	vor.u32 v24, v38;
	[tilespmem:v26+s21+$0x0] =	vst.idx.msk $0xffff, v27  }
0xd9: {  	v26 =	vor.u32 v1, v40;
	v27 =	vadd.s32 v25, v41;
	v28 =	vld.idx.msk [tilespmem:v28+s20+$0x0], $0xffff  }
0xda: {  	v27 =	vor.u32 v5, v27;
	_ =	sdelay $0x2  }
0xdb: {  	v43 =	vor.u32 s24, v6;
	v42 =	vshll.u32 v39, $0x7  }
0xdc: {  	v45 =	vand.u32 $0xFFFFFFF8, v43;
	v44 =	vor.u32 v24, v42;
	[tilespmem:v26+s21+$0x0] =	vst.idx.msk $0xffff, v28  }
0xdd: {  	v26 =	vor.u32 v1, v44;
	v28 =	vadd.s32 v25, v45;
	v27 =	vld.idx.msk [tilespmem:v27+s20+$0x0], $0xffff  }
0xde: {  	v28 =	vor.u32 v7, v28;
	_ =	sdelay $0x2  }
0xdf: {  	v47 =	vor.u32 s24, v8;
	v46 =	vshll.u32 v43, $0x7  }
0xe0: {  	v49 =	vand.u32 $0xFFFFFFF8, v47;
	v48 =	vor.u32 v24, v46;
	[tilespmem:v26+s21+$0x0] =	vst.idx.msk $0xffff, v27  }
0xe1: {  	v26 =	vor.u32 v1, v48;
	v27 =	vadd.s32 v25, v49;
	v28 =	vld.idx.msk [tilespmem:v28+s20+$0x0], $0xffff  }
0xe2: {  	v27 =	vor.u32 v9, v27;
	_ =	sdelay $0x2  }
0xe3: {  	v51 =	vor.u32 s24, v10;
	v50 =	vshll.u32 v47, $0x7  }
0xe4: {  	v53 =	vand.u32 $0xFFFFFFF8, v51;
	v52 =	vor.u32 v24, v50;
	[tilespmem:v26+s21+$0x0] =	vst.idx.msk $0xffff, v28  }
0xe5: {  	v26 =	vor.u32 v1, v52;
	v28 =	vadd.s32 v25, v53;
	v27 =	vld.idx.msk [tilespmem:v27+s20+$0x0], $0xffff  }
0xe6: {  	v28 =	vor.u32 v11, v28;
	_ =	sdelay $0x2  }
0xe7: {  	v55 =	vor.u32 s24, v12;
	v54 =	vshll.u32 v51, $0x7  }
0xe8: {  	v57 =	vand.u32 $0xFFFFFFF8, v55;
	v56 =	vor.u32 v24, v54;
	[tilespmem:v26+s21+$0x0] =	vst.idx.msk $0xffff, v27  }
0xe9: {  	v26 =	vor.u32 v1, v56;
	v27 =	vadd.s32 v25, v57;
	v28 =	vld.idx.msk [tilespmem:v28+s20+$0x0], $0xffff  }
0xea: {  	v27 =	vor.u32 v13, v27;
	_ =	sdelay $0x2  }
0xeb: {  	v59 =	vor.u32 s24, v15;
	v58 =	vshll.u32 v55, $0x7  }
0xec: {  	v61 =	vand.u32 $0xFFFFFFF8, v59;
	v60 =	vor.u32 v24, v58;
	[tilespmem:v26+s21+$0x0] =	vst.idx.msk $0xffff, v28  }
0xed: {  	v26 =	vor.u32 v1, v60;
	v28 =	vadd.s32 v25, v61;
	v27 =	vld.idx.msk [tilespmem:v27+s20+$0x0], $0xffff  }
0xee: {  	v28 =	vor.u32 v16, v28;
	_ =	sdelay $0x2  }
0xef: {  	v62 =	vshll.u32 v59, $0x7;
	v63 =	vor.u32 s24, v14  }
0xf0: {  	v33 =	vor.u32 v24, v62;
	v34 =	vand.u32 $0xFFFFFFF8, v63;
	[tilespmem:v26+s21+$0x0] =	vst.idx.msk $0xffff, v27  }
0xf1: {  	v26 =	vor.u32 v1, v33;
	v27 =	vadd.s32 v25, v34;
	v28 =	vld.idx.msk [tilespmem:v28+s20+$0x0], $0xffff  }
0xf2: {  	v27 =	vor.u32 v1, v27;
	_ =	sdelay $0x2  }
0xf3: {  	v36 =	vor.u32 s24, v17;
	v35 =	vshll.u32 v63, $0x7  }
0xf4: {  	v38 =	vand.u32 $0xFFFFFFF8, v36;
	v37 =	vor.u32 v24, v35;
	[tilespmem:v26+s21+$0x0] =	vst.idx.msk $0xffff, v28  }
0xf5: {  	v26 =	vor.u32 v1, v37;
	v28 =	vadd.s32 v25, v38;
	v27 =	vld.idx.msk [tilespmem:v27+s20+$0x0], $0xffff  }
0xf6: {  	v28 =	vor.u32 v3, v28;
	_ =	sdelay $0x2  }
0xf7: {  	v39 =	vshll.u32 v36, $0x7;
	v40 =	vor.u32 s24, v18  }
0xf8: {  	v41 =	vor.u32 v24, v39;
	v42 =	vand.u32 $0xFFFFFFF8, v40;
	[tilespmem:v26+s21+$0x0] =	vst.idx.msk $0xffff, v27  }
0xf9: {  	v26 =	vor.u32 v1, v41;
	v27 =	vadd.s32 v25, v42;
	v28 =	vld.idx.msk [tilespmem:v28+s20+$0x0], $0xffff  }
0xfa: {  	v27 =	vor.u32 v5, v27;
	_ =	sdelay $0x2  }
0xfb: {  	v43 =	vshll.u32 v40, $0x7;
	v44 =	vor.u32 s24, v19  }
0xfc: {  	v45 =	vor.u32 v24, v43;
	v46 =	vand.u32 $0xFFFFFFF8, v44;
	[tilespmem:v26+s21+$0x0] =	vst.idx.msk $0xffff, v28  }
0xfd: {  	v26 =	vor.u32 v1, v45;
	v28 =	vadd.s32 v25, v46;
	v27 =	vld.idx.msk [tilespmem:v27+s20+$0x0], $0xffff  }
0xfe: {  	v28 =	vor.u32 v7, v28;
	_ =	sdelay $0x2  }
0xff: {  	v47 =	vshll.u32 v44, $0x7;
	v48 =	vor.u32 s24, v20  }
0x100: {  	v49 =	vor.u32 v24, v47;
	v50 =	vand.u32 $0xFFFFFFF8, v48;
	[tilespmem:v26+s21+$0x0] =	vst.idx.msk $0xffff, v27  }
0x101: {  	v26 =	vor.u32 v1, v49;
	v27 =	vadd.s32 v25, v50;
	v28 =	vld.idx.msk [tilespmem:v28+s20+$0x0], $0xffff  }
0x102: {  	v27 =	vor.u32 v9, v27;
	_ =	sdelay $0x2  }
0x103: {  	v51 =	vshll.u32 v48, $0x7;
	v52 =	vor.u32 s24, v21  }
0x104: {  	v53 =	vor.u32 v24, v51;
	v54 =	vand.u32 $0xFFFFFFF8, v52;
	[tilespmem:v26+s21+$0x0] =	vst.idx.msk $0xffff, v28  }
0x105: {  	v26 =	vor.u32 v1, v53;
	v28 =	vadd.s32 v25, v54;
	v27 =	vld.idx.msk [tilespmem:v27+s20+$0x0], $0xffff  }
0x106: {  	v28 =	vor.u32 v11, v28;
	_ =	sdelay $0x2  }
0x107: {  	v55 =	vshll.u32 v52, $0x7;
	v56 =	vor.u32 s24, v22  }
0x108: {  	v57 =	vor.u32 v24, v55;
	v58 =	vand.u32 $0xFFFFFFF8, v56;
	[tilespmem:v26+s21+$0x0] =	vst.idx.msk $0xffff, v27  }
0x109: {  	v26 =	vor.u32 v1, v57;
	v27 =	vadd.s32 v25, v58;
	v28 =	vld.idx.msk [tilespmem:v28+s20+$0x0], $0xffff  }
0x10a: {  	v27 =	vor.u32 v13, v27;
	_ =	sdelay $0x2  }
0x10b: {  	v59 =	vshll.u32 v56, $0x7;
	v60 =	vor.u32 s24, v23  }
0x10c: {  	v61 =	vor.u32 v24, v59;
	v62 =	vand.u32 $0xFFFFFFF8, v60;
	[tilespmem:v26+s21+$0x0] =	vst.idx.msk $0xffff, v28  }
0x10d: {  	v25 =	vadd.s32 v25, v62;
	v26 =	vor.u32 v1, v61;
	v27 =	vld.idx.msk [tilespmem:v27+s20+$0x0], $0xffff  }
0x10e: {  	v25 =	vor.u32 v16, v25;
	_ =	sdelay $0x2  }
0x10f: {  	v63 =	vshll.u32 v60, $0x7  }
0x110: {  	v24 =	vor.u32 v24, v63;
	[tilespmem:v26+s21+$0x0] =	vst.idx.msk $0xffff, v27  }
0x111: {  	s19 =	sadd.s32 $0x1, s19;
	v24 =	vor.u32 v1, v24;
	v25 =	vld.idx.msk [tilespmem:v25+s20+$0x0], $0xffff  }
0x112: {  	s31 =	smul.u32 $0x50000, s22;
	p0 =	sne.s32 s19, $0x32  }
.Ltmp2:
0x113: {  	_ = 	snop;
	(pc) =	sbr.rel @p0 .LBB2_4-.Ltmp2, $4  }
0x114: {  	s20 =	sadd.s32 s31, s23  }
0x115: {  	s20 =	sshrl.u32 s20, $0x3  }
0x116: {  	s20 =	sadd.s32 s6, s20;
	[tilespmem:v24+s21+$0x0] =	vst.idx.msk $0xffff, v25  }
0x117: {  	[hbm4b:s20+s11] =	stream.strided.scatter [tilespmem:s21], [sflag:$0x3], $0x2800, s13, s11, $0x38;
	[tilespmem:$0xD100] =	vst v63  }
0x118: {  	s18 =	sadd.s32 $0x1, s18  }
0x119: {  	_ =	swait.ge [sflag:s17], $0x2800;
	p0 =	sne.s32 s18, s8  }
.Ltmp3:
0x11a: {  	[sflag:s17] =	ssyncset.done $0x0;
	(pc) =	sbr.rel @p0 .LBB2_1-.Ltmp3, $4  }
0x11b: {  	[sflag:s17] =	ssyncadd.s32 $0xFFFFD800  }
0x11c: {  	_ =	swait.ge [sflag:s17], $0x2800  }
0x11d: {  	[sflag:s17] =	ssyncset.done $0x0  }
0x11e: {  	[sflag:s17] =	ssyncadd.s32 $0xFFFFD800  }
0x11f: {  	_ =	sfence.sel $0x180000  }
0x120: {  	[bflag:$0x0] =	sbarrier.arrive $0xFFFF  }
0x121: {  	p0 =	sne.s32 s0, $0x0;
	_ =	strace $0x9000004A  }
0x122: {  	s0 =	sadd.s32 @!p0 $0x100000, s1;
	[bflag:$0x2] =	sbarrier.arrive $0xFFFF  }
0x123: {  	[sflag:s0] =	ssyncadd.tile.s32 @!p0 $0x1;
	_ =	shalt  }
.Lfunc_end2:
_tile_overlayer_lowered:
.L_overlay_start_2:
0x124: {  	(tag) =	ssettag $0x2  }
0x125: {  	s0 =	rddreg [dreg:$0x0];
	s2 =	stileid.u32  }
0x126: {  	s1 =	rddreg [dreg:$0x1];
	p0 =	sne.s32 s2, $0x0  }
0x127: {  	s3 =	rddreg [dreg:$0x2];
	[bflag:$0x3] =	sbarrier.arrive $0xFFFF;
	s2 =	simm.s32 @!p0 $0x1C04  }
0x128: {  	[timem:s3], [sflag:s2] =	dma.local @!p0 [hbm:s0], s1  }
0x129: {  	s0 =	simm.s32 @!p0 $0x4  }
0x12a: {  	_ =	swait.ge @!p0 [sflag:s0], s1  }
0x12b: {  	s1 =	ssub.s32 @!p0 $0x0, s1;
	[sflag:s0] =	ssyncset.done @!p0 $0x0  }
0x12c: {  	[sflag:s0] =	ssyncadd.s32 @!p0 s1  }
0x12d: {  	[bflag:$0x3] =	sbarrier.arrive $0xFFFF  }
0x12e: {  	_ =	shalt  }

</sc_bundles>
